<compile_context>
chip_gen: v7x
topology: tpu7x:2x2x1
jax: 0.10.2.dev20260603
libtpu: 0.0.44.dev20260713+nightly
codegen_flags: <defaults>
</compile_context>

<pallas_src>
import functools

import jax
import jax.numpy as jnp
from jax import lax
from jax.experimental import pallas as pl
from jax.experimental.pallas import tpu as pltpu
from jax.experimental.pallas import tpu_sc as plsc

B = 128
G = 8192
GBITS = 13
NUM_MASKED = 4915
L = 16
CHUNKS = G // L
D0, D1, D2 = 11, 11, 8
NB0, NB1, NB2 = 1 << D0, 1 << D1, 1 << D2
N_WORKERS = 32
ROWS_PER_TILE = B // N_WORKERS
UNROLL = 4

_mesh = plsc.VectorSubcoreMesh(core_axis_name="c", subcore_axis_name="s")

_scratch = []
for _ in range(ROWS_PER_TILE):
    _scratch += [
        pltpu.VMEM((G,), jnp.float32),
        pltpu.VMEM((G,), jnp.int32),
        pltpu.VMEM((G,), jnp.int32),
        pltpu.VMEM((NB0,), jnp.int32),
        pltpu.VMEM((NB1,), jnp.int32),
    ]
_scratch.append(pltpu.SemaphoreType.DMA)


@functools.partial(
    pl.kernel,
    out_type=jax.ShapeDtypeStruct((B, G), jnp.int32),
    mesh=_mesh,
    scratch_types=_scratch,
    compiler_params=pltpu.CompilerParams(needs_layout_passes=False),
)
def _argsort_rows(noise_hbm, out_hbm, *scratch):
    sem = scratch[-1]
    scratch = scratch[:-1]
    noise_v = scratch[0::5]
    buf_a = scratch[1::5]
    buf_b = scratch[2::5]
    hist_a = scratch[3::5]
    hist_b = scratch[4::5]

    core = lax.axis_index("c")
    sub = lax.axis_index("s")
    wid = sub * 2 + core
    base_row = wid * ROWS_PER_TILE
    iota = lax.iota(jnp.int32, L)
    NWAY = ROWS_PER_TILE

    cnt0, _ = plsc.scan_count(jnp.zeros((L,), jnp.int32))
    c0 = jnp.min(cnt0)

    copies = [pltpu.async_copy(noise_hbm.at[base_row + q], noise_v[q], sem)
              for q in range(NWAY)]
    for cp in copies:
        cp.wait()

    ones = jnp.ones((L,), jnp.int32)
    zeros = jnp.zeros((L,), jnp.int32)

    def clear(refs, n):
        def clr(i, carry):
            for ref in refs:
                ref[pl.ds(i * L, L)] = zeros
            return carry
        lax.fori_loop(0, n // L, clr, jnp.int32(0), unroll=UNROLL)

    def excl_scan(refs, n):
        def scan(i, carry):
            nxt = []
            for k, ref in enumerate(refs):
                v = ref[pl.ds(i * L, L)]
                incl = plsc.cumsum(v)
                ref[pl.ds(i * L, L)] = incl - v + carry[k]
                nxt.append(carry[k] + jnp.max(incl))
            return tuple(nxt)
        lax.fori_loop(0, n // L, scan, (jnp.int32(0) - c0,) * len(refs))

    clear(hist_a, NB0)

    @plsc.parallel_loop(0, CHUNKS, unroll=UNROLL)
    def histo(c):
        kvs = [plsc.bitcast(noise_v[q][pl.ds(c * L, L)], jnp.int32)
               for q in range(NWAY)]
        for q in range(NWAY):
            plsc.addupdate_scatter(hist_a[q], [kvs[q] & (NB0 - 1)], ones)

    excl_scan(hist_a, NB0)
    clear(hist_b, NB1)

    def scat0(c, carry):
        loaded = []
        for q in range(NWAY):
            kv = plsc.bitcast(noise_v[q][pl.ds(c * L, L)], jnp.int32)
            d = kv & (NB0 - 1)
            pay = lax.shift_left(lax.shift_right_logical(kv, D0), GBITS) \
                | (c * L + iota)
            loaded.append((d, pay))
        cnts = [plsc.scan_count(d)[0] for d, _ in loaded]
        for q in range(NWAY):
            d, pay = loaded[q]
            starts = plsc.load_gather(hist_a[q], [d])
            plsc.store_scatter(buf_a[q], [starts + cnts[q]], pay)
            plsc.addupdate_scatter(hist_a[q], [d], ones)
            d1 = lax.shift_right_logical(pay, GBITS) & (NB1 - 1)
            plsc.addupdate_scatter(hist_b[q], [d1], ones)
        return carry

    lax.fori_loop(0, CHUNKS, scat0, jnp.int32(0), unroll=UNROLL)

    excl_scan(hist_b, NB1)
    clear(hist_a, NB2)

    def scat1(c, carry):
        pays = [buf_a[q][pl.ds(c * L, L)] for q in range(NWAY)]
        ds = [lax.shift_right_logical(pay, GBITS) & (NB1 - 1) for pay in pays]
        cnts = [plsc.scan_count(d)[0] for d in ds]
        for q in range(NWAY):
            starts = plsc.load_gather(hist_b[q], [ds[q]])
            plsc.store_scatter(buf_b[q], [starts + cnts[q]], pays[q])
            plsc.addupdate_scatter(hist_b[q], [ds[q]], ones)
            d2 = lax.shift_right_logical(pays[q], GBITS + D1)
            plsc.addupdate_scatter(hist_a[q], [d2], ones)
        return carry

    lax.fori_loop(0, CHUNKS, scat1, jnp.int32(0), unroll=UNROLL)

    excl_scan(hist_a, NB2)

    def scat2(c, carry):
        pays = [buf_b[q][pl.ds(c * L, L)] for q in range(NWAY)]
        ds = [lax.shift_right_logical(pay, GBITS + D1) for pay in pays]
        cnts = [plsc.scan_count(d)[0] for d in ds]
        for q in range(NWAY):
            starts = plsc.load_gather(hist_a[q], [ds[q]])
            plsc.store_scatter(buf_a[q], [starts + cnts[q]],
                               pays[q] & (G - 1))
            plsc.addupdate_scatter(hist_a[q], [ds[q]], ones)
        return carry

    lax.fori_loop(0, CHUNKS, scat2, jnp.int32(0), unroll=UNROLL)

    copies = [pltpu.async_copy(buf_a[q],
                               out_hbm.at[base_row + q], sem)
              for q in range(NWAY)]
    for cp in copies:
        cp.wait()


def kernel(x, noise):
    del x
    perm = _argsort_rows(noise)
    return perm[:, :NUM_MASKED], perm[:, NUM_MASKED:]

# --- scband reference (transcript-rebuilt; emitter-appended) ---
"""Pipeline reference for scband-mask-generator-12738873000657 (READ-ONLY COPY).

The authoritative reference and input builder live on the scoring server;
editing this copy changes nothing except your own understanding.
"""

import jax, jax.numpy as jnp
import numpy as np

MASK_RATIO = 0.6

def setup_inputs(seed: int = 0) -> dict:
    key = jax.random.key(seed)
    k1, k2 = jax.random.split(key)
    x = jax.random.normal(k1, (128, 8192, 3), dtype=jnp.float32)
    # torch.rand(B, G) equivalent, materialized as an input for determinism
    noise = jax.random.uniform(k2, (128, 8192), dtype=jnp.float32)
    return {"x": x, "noise": noise}

def reference(x, noise):
    B, G, _ = x.shape
    if MASK_RATIO == 0:
        masked_idx = jnp.empty((B, 0), dtype=jnp.int64)
        unmasked_idx = jnp.broadcast_to(jnp.arange(G)[None, :], (B, G))
        return (masked_idx, unmasked_idx)
    num_masked = int(MASK_RATIO * G)
    perm = jnp.argsort(noise, axis=1)
    masked_idx = perm[:, :num_masked]
    unmasked_idx = perm[:, num_masked:]
    return (masked_idx, unmasked_idx)

if __name__ == "__main__":
    import jax
    _d = setup_inputs()
    print(jax.jit(kernel)(*tuple(_d.values())))

</pallas_src>

<mosaic_0001>
#map = affine_map<(d0, d1) -> (0, 0)>
module attributes {stable_mosaic.version = 14 : i64} {
  func.func @_argsort_rows(%arg0: i32, %arg1: i32, %arg2: memref<128x8192xf32, #tpu.memory_space<hbm>>, %arg3: memref<128x8192xi32, #tpu.memory_space<hbm>>, %arg4: memref<8192xf32, #tpu.memory_space<vmem>>, %arg5: memref<8192xi32, #tpu.memory_space<vmem>>, %arg6: memref<8192xi32, #tpu.memory_space<vmem>>, %arg7: memref<2048xi32, #tpu.memory_space<vmem>>, %arg8: memref<2048xi32, #tpu.memory_space<vmem>>, %arg9: memref<8192xf32, #tpu.memory_space<vmem>>, %arg10: memref<8192xi32, #tpu.memory_space<vmem>>, %arg11: memref<8192xi32, #tpu.memory_space<vmem>>, %arg12: memref<2048xi32, #tpu.memory_space<vmem>>, %arg13: memref<2048xi32, #tpu.memory_space<vmem>>, %arg14: memref<8192xf32, #tpu.memory_space<vmem>>, %arg15: memref<8192xi32, #tpu.memory_space<vmem>>, %arg16: memref<8192xi32, #tpu.memory_space<vmem>>, %arg17: memref<2048xi32, #tpu.memory_space<vmem>>, %arg18: memref<2048xi32, #tpu.memory_space<vmem>>, %arg19: memref<8192xf32, #tpu.memory_space<vmem>>, %arg20: memref<8192xi32, #tpu.memory_space<vmem>>, %arg21: memref<8192xi32, #tpu.memory_space<vmem>>, %arg22: memref<2048xi32, #tpu.memory_space<vmem>>, %arg23: memref<2048xi32, #tpu.memory_space<vmem>>, %arg24: memref<!tpu.dma_semaphore, #tpu.memory_space<semaphore_mem>>) attributes {dimension_semantics = [#tpu.dimension_semantics<core_parallel>, #tpu.dimension_semantics<subcore_parallel>], iteration_bounds = array<i64: 2, 16>, scalar_prefetch = 0 : i64, scratch_operands = 21 : i64, tpu.core_type = #tpu.core_type<sc_vector_subcore>, window_params = [{transform_indices = #map}, {transform_indices = #map}]} {
    %mul3A = arith.constant 2 : i32
    %mul3A_0 = arith.muli %arg1, %mul3A : i32
    %add3A = arith.addi %mul3A_0, %arg0 : i32
    %mul3A_1 = arith.constant 4 : i32
    %mul3A_2 = arith.muli %add3A, %mul3A_1 : i32
    %iota3A = tpu.iota {dimensions = array<i32: 0>} : vector<16xi32>
    %broadcast_in_dim3A = arith.constant 0 : i32
    %broadcast_in_dim3A_3 = vector.broadcast %broadcast_in_dim3A : i32 to vector<16xi32>
    %broadcast_in_dim3A_4 = arith.constant true
    %broadcast_in_dim3A_5 = vector.broadcast %broadcast_in_dim3A_4 : i1 to vector<16xi1>
    %unique3A, %unique3A_6 = tpu.scan_count mask(%broadcast_in_dim3A_5 : vector<16xi1>) value(%broadcast_in_dim3A_3 : vector<16xi32>) : vector<16xi1>, vector<16xi32>
    %reduce_min3A = arith.constant true
    %reduce_min3A_7 = vector.broadcast %reduce_min3A : i1 to vector<16xi1>
    %reduce_min3A_8 = arith.constant -2147483648 : i32
    %reduce_min3A_9 = vector.broadcast %reduce_min3A_8 : i32 to vector<16xi32>
    %reduce_min3A_10 = arith.xori %unique3A_6, %reduce_min3A_9 : vector<16xi32>
    %reduce_min3A_11 = tpu.scan <min>, %reduce_min3A_10 masked %reduce_min3A_7 : vector<16xi32>, vector<16xi1> -> vector<16xi32>
    %reduce_min3A_12 = arith.xori %reduce_min3A_11, %reduce_min3A_9 : vector<16xi32>
    %reduce_min3A_13 = vector.extract %reduce_min3A_12[15] : i32 from vector<16xi32>
    %add3A_14 = arith.constant 0 : i32
    %add3A_15 = arith.addi %mul3A_2, %add3A_14 : i32
    %dma_start3A = arith.constant 0 : i32
    %dma_start3A_16 = tpu.memref_slice %arg2[%add3A_15, %dma_start3A] : memref<128x8192xf32, #tpu.memory_space<hbm>> -> memref<1x8192xf32, #tpu.memory_space<hbm>>
    %dma_start3A_17 = tpu.memref_squeeze %dma_start3A_16 : memref<1x8192xf32, #tpu.memory_space<hbm>> -> memref<8192xf32, #tpu.memory_space<hbm>>
    %dma_start3A_18 = arith.constant 0 : i32
    %dma_start3A_19 = tpu.memref_slice %arg2[%add3A_15, %dma_start3A_18] : memref<128x8192xf32, #tpu.memory_space<hbm>> -> memref<1x8192xf32, #tpu.memory_space<hbm>>
    %dma_start3A_20 = tpu.memref_squeeze %dma_start3A_19 : memref<1x8192xf32, #tpu.memory_space<hbm>> -> memref<8192xf32, #tpu.memory_space<hbm>>
    tpu.enqueue_dma source(%dma_start3A_20 : memref<8192xf32, #tpu.memory_space<hbm>>) target(%arg4 : memref<8192xf32, #tpu.memory_space<vmem>>) target_semaphore(%arg24 : memref<!tpu.dma_semaphore, #tpu.memory_space<semaphore_mem>>)
    %add3A_21 = arith.constant 1 : i32
    %add3A_22 = arith.addi %mul3A_2, %add3A_21 : i32
    %dma_start3A_23 = arith.constant 0 : i32
    %dma_start3A_24 = tpu.memref_slice %arg2[%add3A_22, %dma_start3A_23] : memref<128x8192xf32, #tpu.memory_space<hbm>> -> memref<1x8192xf32, #tpu.memory_space<hbm>>
    %dma_start3A_25 = tpu.memref_squeeze %dma_start3A_24 : memref<1x8192xf32, #tpu.memory_space<hbm>> -> memref<8192xf32, #tpu.memory_space<hbm>>
    %dma_start3A_26 = arith.constant 0 : i32
    %dma_start3A_27 = tpu.memref_slice %arg2[%add3A_22, %dma_start3A_26] : memref<128x8192xf32, #tpu.memory_space<hbm>> -> memref<1x8192xf32, #tpu.memory_space<hbm>>
    %dma_start3A_28 = tpu.memref_squeeze %dma_start3A_27 : memref<1x8192xf32, #tpu.memory_space<hbm>> -> memref<8192xf32, #tpu.memory_space<hbm>>
    tpu.enqueue_dma source(%dma_start3A_28 : memref<8192xf32, #tpu.memory_space<hbm>>) target(%arg9 : memref<8192xf32, #tpu.memory_space<vmem>>) target_semaphore(%arg24 : memref<!tpu.dma_semaphore, #tpu.memory_space<semaphore_mem>>)
    %add3A_29 = arith.constant 2 : i32
    %add3A_30 = arith.addi %mul3A_2, %add3A_29 : i32
    %dma_start3A_31 = arith.constant 0 : i32
    %dma_start3A_32 = tpu.memref_slice %arg2[%add3A_30, %dma_start3A_31] : memref<128x8192xf32, #tpu.memory_space<hbm>> -> memref<1x8192xf32, #tpu.memory_space<hbm>>
    %dma_start3A_33 = tpu.memref_squeeze %dma_start3A_32 : memref<1x8192xf32, #tpu.memory_space<hbm>> -> memref<8192xf32, #tpu.memory_space<hbm>>
    %dma_start3A_34 = arith.constant 0 : i32
    %dma_start3A_35 = tpu.memref_slice %arg2[%add3A_30, %dma_start3A_34] : memref<128x8192xf32, #tpu.memory_space<hbm>> -> memref<1x8192xf32, #tpu.memory_space<hbm>>
    %dma_start3A_36 = tpu.memref_squeeze %dma_start3A_35 : memref<1x8192xf32, #tpu.memory_space<hbm>> -> memref<8192xf32, #tpu.memory_space<hbm>>
    tpu.enqueue_dma source(%dma_start3A_36 : memref<8192xf32, #tpu.memory_space<hbm>>) target(%arg14 : memref<8192xf32, #tpu.memory_space<vmem>>) target_semaphore(%arg24 : memref<!tpu.dma_semaphore, #tpu.memory_space<semaphore_mem>>)
    %add3A_37 = arith.constant 3 : i32
    %add3A_38 = arith.addi %mul3A_2, %add3A_37 : i32
    %dma_start3A_39 = arith.constant 0 : i32
    %dma_start3A_40 = tpu.memref_slice %arg2[%add3A_38, %dma_start3A_39] : memref<128x8192xf32, #tpu.memory_space<hbm>> -> memref<1x8192xf32, #tpu.memory_space<hbm>>
    %dma_start3A_41 = tpu.memref_squeeze %dma_start3A_40 : memref<1x8192xf32, #tpu.memory_space<hbm>> -> memref<8192xf32, #tpu.memory_space<hbm>>
    %dma_start3A_42 = arith.constant 0 : i32
    %dma_start3A_43 = tpu.memref_slice %arg2[%add3A_38, %dma_start3A_42] : memref<128x8192xf32, #tpu.memory_space<hbm>> -> memref<1x8192xf32, #tpu.memory_space<hbm>>
    %dma_start3A_44 = tpu.memref_squeeze %dma_start3A_43 : memref<1x8192xf32, #tpu.memory_space<hbm>> -> memref<8192xf32, #tpu.memory_space<hbm>>
    tpu.enqueue_dma source(%dma_start3A_44 : memref<8192xf32, #tpu.memory_space<hbm>>) target(%arg19 : memref<8192xf32, #tpu.memory_space<vmem>>) target_semaphore(%arg24 : memref<!tpu.dma_semaphore, #tpu.memory_space<semaphore_mem>>)
    %dma_wait3A = arith.constant 0 : i32
    %dma_wait3A_45 = tpu.memref_slice %arg2[%add3A_15, %dma_wait3A] : memref<128x8192xf32, #tpu.memory_space<hbm>> -> memref<1x8192xf32, #tpu.memory_space<hbm>>
    %dma_wait3A_46 = tpu.memref_squeeze %dma_wait3A_45 : memref<1x8192xf32, #tpu.memory_space<hbm>> -> memref<8192xf32, #tpu.memory_space<hbm>>
    %dma_wait3A_47 = arith.constant 0 : i32
    %dma_wait3A_48 = tpu.memref_slice %arg2[%add3A_15, %dma_wait3A_47] : memref<128x8192xf32, #tpu.memory_space<hbm>> -> memref<1x8192xf32, #tpu.memory_space<hbm>>
    %dma_wait3A_49 = tpu.memref_squeeze %dma_wait3A_48 : memref<1x8192xf32, #tpu.memory_space<hbm>> -> memref<8192xf32, #tpu.memory_space<hbm>>
    tpu.wait_dma2 semaphore(%arg24 : memref<!tpu.dma_semaphore, #tpu.memory_space<semaphore_mem>>) src(%dma_wait3A_49 : memref<8192xf32, #tpu.memory_space<hbm>>) dst(%arg4 : memref<8192xf32, #tpu.memory_space<vmem>>)
    %dma_wait3A_50 = arith.constant 0 : i32
    %dma_wait3A_51 = tpu.memref_slice %arg2[%add3A_22, %dma_wait3A_50] : memref<128x8192xf32, #tpu.memory_space<hbm>> -> memref<1x8192xf32, #tpu.memory_space<hbm>>
    %dma_wait3A_52 = tpu.memref_squeeze %dma_wait3A_51 : memref<1x8192xf32, #tpu.memory_space<hbm>> -> memref<8192xf32, #tpu.memory_space<hbm>>
    %dma_wait3A_53 = arith.constant 0 : i32
    %dma_wait3A_54 = tpu.memref_slice %arg2[%add3A_22, %dma_wait3A_53] : memref<128x8192xf32, #tpu.memory_space<hbm>> -> memref<1x8192xf32, #tpu.memory_space<hbm>>
    %dma_wait3A_55 = tpu.memref_squeeze %dma_wait3A_54 : memref<1x8192xf32, #tpu.memory_space<hbm>> -> memref<8192xf32, #tpu.memory_space<hbm>>
    tpu.wait_dma2 semaphore(%arg24 : memref<!tpu.dma_semaphore, #tpu.memory_space<semaphore_mem>>) src(%dma_wait3A_55 : memref<8192xf32, #tpu.memory_space<hbm>>) dst(%arg9 : memref<8192xf32, #tpu.memory_space<vmem>>)
    %dma_wait3A_56 = arith.constant 0 : i32
    %dma_wait3A_57 = tpu.memref_slice %arg2[%add3A_30, %dma_wait3A_56] : memref<128x8192xf32, #tpu.memory_space<hbm>> -> memref<1x8192xf32, #tpu.memory_space<hbm>>
    %dma_wait3A_58 = tpu.memref_squeeze %dma_wait3A_57 : memref<1x8192xf32, #tpu.memory_space<hbm>> -> memref<8192xf32, #tpu.memory_space<hbm>>
    %dma_wait3A_59 = arith.constant 0 : i32
    %dma_wait3A_60 = tpu.memref_slice %arg2[%add3A_30, %dma_wait3A_59] : memref<128x8192xf32, #tpu.memory_space<hbm>> -> memref<1x8192xf32, #tpu.memory_space<hbm>>
    %dma_wait3A_61 = tpu.memref_squeeze %dma_wait3A_60 : memref<1x8192xf32, #tpu.memory_space<hbm>> -> memref<8192xf32, #tpu.memory_space<hbm>>
    tpu.wait_dma2 semaphore(%arg24 : memref<!tpu.dma_semaphore, #tpu.memory_space<semaphore_mem>>) src(%dma_wait3A_61 : memref<8192xf32, #tpu.memory_space<hbm>>) dst(%arg14 : memref<8192xf32, #tpu.memory_space<vmem>>)
    %dma_wait3A_62 = arith.constant 0 : i32
    %dma_wait3A_63 = tpu.memref_slice %arg2[%add3A_38, %dma_wait3A_62] : memref<128x8192xf32, #tpu.memory_space<hbm>> -> memref<1x8192xf32, #tpu.memory_space<hbm>>
    %dma_wait3A_64 = tpu.memref_squeeze %dma_wait3A_63 : memref<1x8192xf32, #tpu.memory_space<hbm>> -> memref<8192xf32, #tpu.memory_space<hbm>>
    %dma_wait3A_65 = arith.constant 0 : i32
    %dma_wait3A_66 = tpu.memref_slice %arg2[%add3A_38, %dma_wait3A_65] : memref<128x8192xf32, #tpu.memory_space<hbm>> -> memref<1x8192xf32, #tpu.memory_space<hbm>>
    %dma_wait3A_67 = tpu.memref_squeeze %dma_wait3A_66 : memref<1x8192xf32, #tpu.memory_space<hbm>> -> memref<8192xf32, #tpu.memory_space<hbm>>
    tpu.wait_dma2 semaphore(%arg24 : memref<!tpu.dma_semaphore, #tpu.memory_space<semaphore_mem>>) src(%dma_wait3A_67 : memref<8192xf32, #tpu.memory_space<hbm>>) dst(%arg19 : memref<8192xf32, #tpu.memory_space<vmem>>)
    %broadcast_in_dim3A_68 = arith.constant 1 : i32
    %broadcast_in_dim3A_69 = vector.broadcast %broadcast_in_dim3A_68 : i32 to vector<16xi32>
    %broadcast_in_dim3A_70 = arith.constant 0 : i32
    %broadcast_in_dim3A_71 = vector.broadcast %broadcast_in_dim3A_70 : i32 to vector<16xi32>
    %scan3A = arith.constant 0 : i32
    %scan3A_72 = arith.constant 0 : i32
    %scan3A_73 = arith.constant 128 : i32
    %scan3A_74 = arith.addi %scan3A_72, %scan3A_73 : i32
    %scan3A_75 = arith.constant 4 : i32
    scf.for %scan3A_188 = %scan3A_72 to %scan3A_74 step %scan3A_75  : i32 {
      %mul3A_189 = arith.constant 16 : i32
      %mul3A_190 = arith.muli %scan3A_188, %mul3A_189 : i32
      %swap3A = arith.index_cast %mul3A_190 : i32 to index
      %swap3A_191 = tpu.vector_load %arg7[%swap3A] {strides = array<i32>} : memref<2048xi32, #tpu.memory_space<vmem>>, vector<16xi32>,
      tpu.vector_store %arg7[%swap3A], %broadcast_in_dim3A_71 {strides = array<i32>} : memref<2048xi32, #tpu.memory_space<vmem>>, vector<16xi32>,
      %mul3A_192 = arith.constant 16 : i32
      %mul3A_193 = arith.muli %scan3A_188, %mul3A_192 : i32
      %swap3A_194 = arith.index_cast %mul3A_193 : i32 to index
      %swap3A_195 = tpu.vector_load %arg12[%swap3A_194] {strides = array<i32>} : memref<2048xi32, #tpu.memory_space<vmem>>, vector<16xi32>,
      tpu.vector_store %arg12[%swap3A_194], %broadcast_in_dim3A_71 {strides = array<i32>} : memref<2048xi32, #tpu.memory_space<vmem>>, vector<16xi32>,
      %mul3A_196 = arith.constant 16 : i32
      %mul3A_197 = arith.muli %scan3A_188, %mul3A_196 : i32
      %swap3A_198 = arith.index_cast %mul3A_197 : i32 to index
      %swap3A_199 = tpu.vector_load %arg17[%swap3A_198] {strides = array<i32>} : memref<2048xi32, #tpu.memory_space<vmem>>, vector<16xi32>,
      tpu.vector_store %arg17[%swap3A_198], %broadcast_in_dim3A_71 {strides = array<i32>} : memref<2048xi32, #tpu.memory_space<vmem>>, vector<16xi32>,
      %mul3A_200 = arith.constant 16 : i32
      %mul3A_201 = arith.muli %scan3A_188, %mul3A_200 : i32
      %swap3A_202 = arith.index_cast %mul3A_201 : i32 to index
      %swap3A_203 = tpu.vector_load %arg22[%swap3A_202] {strides = array<i32>} : memref<2048xi32, #tpu.memory_space<vmem>>, vector<16xi32>,
      tpu.vector_store %arg22[%swap3A_202], %broadcast_in_dim3A_71 {strides = array<i32>} : memref<2048xi32, #tpu.memory_space<vmem>>, vector<16xi32>,
      %scan3A_204 = arith.constant 1 : i32
      %scan3A_205 = arith.addi %scan3A_188, %scan3A_204 : i32
      %mul3A_206 = arith.constant 16 : i32
      %mul3A_207 = arith.muli %scan3A_205, %mul3A_206 : i32
      %swap3A_208 = arith.index_cast %mul3A_207 : i32 to index
      %swap3A_209 = tpu.vector_load %arg7[%swap3A_208] {strides = array<i32>} : memref<2048xi32, #tpu.memory_space<vmem>>, vector<16xi32>,
      tpu.vector_store %arg7[%swap3A_208], %broadcast_in_dim3A_71 {strides = array<i32>} : memref<2048xi32, #tpu.memory_space<vmem>>, vector<16xi32>,
      %mul3A_210 = arith.constant 16 : i32
      %mul3A_211 = arith.muli %scan3A_205, %mul3A_210 : i32
      %swap3A_212 = arith.index_cast %mul3A_211 : i32 to index
      %swap3A_213 = tpu.vector_load %arg12[%swap3A_212] {strides = array<i32>} : memref<2048xi32, #tpu.memory_space<vmem>>, vector<16xi32>,
      tpu.vector_store %arg12[%swap3A_212], %broadcast_in_dim3A_71 {strides = array<i32>} : memref<2048xi32, #tpu.memory_space<vmem>>, vector<16xi32>,
      %mul3A_214 = arith.constant 16 : i32
      %mul3A_215 = arith.muli %scan3A_205, %mul3A_214 : i32
      %swap3A_216 = arith.index_cast %mul3A_215 : i32 to index
      %swap3A_217 = tpu.vector_load %arg17[%swap3A_216] {strides = array<i32>} : memref<2048xi32, #tpu.memory_space<vmem>>, vector<16xi32>,
      tpu.vector_store %arg17[%swap3A_216], %broadcast_in_dim3A_71 {strides = array<i32>} : memref<2048xi32, #tpu.memory_space<vmem>>, vector<16xi32>,
      %mul3A_218 = arith.constant 16 : i32
      %mul3A_219 = arith.muli %scan3A_205, %mul3A_218 : i32
      %swap3A_220 = arith.index_cast %mul3A_219 : i32 to index
      %swap3A_221 = tpu.vector_load %arg22[%swap3A_220] {strides = array<i32>} : memref<2048xi32, #tpu.memory_space<vmem>>, vector<16xi32>,
      tpu.vector_store %arg22[%swap3A_220], %broadcast_in_dim3A_71 {strides = array<i32>} : memref<2048xi32, #tpu.memory_space<vmem>>, vector<16xi32>,
      %scan3A_222 = arith.constant 2 : i32
      %scan3A_223 = arith.addi %scan3A_188, %scan3A_222 : i32
      %mul3A_224 = arith.constant 16 : i32
      %mul3A_225 = arith.muli %scan3A_223, %mul3A_224 : i32
      %swap3A_226 = arith.index_cast %mul3A_225 : i32 to index
      %swap3A_227 = tpu.vector_load %arg7[%swap3A_226] {strides = array<i32>} : memref<2048xi32, #tpu.memory_space<vmem>>, vector<16xi32>,
      tpu.vector_store %arg7[%swap3A_226], %broadcast_in_dim3A_71 {strides = array<i32>} : memref<2048xi32, #tpu.memory_space<vmem>>, vector<16xi32>,
      %mul3A_228 = arith.constant 16 : i32
      %mul3A_229 = arith.muli %scan3A_223, %mul3A_228 : i32
      %swap3A_230 = arith.index_cast %mul3A_229 : i32 to index
      %swap3A_231 = tpu.vector_load %arg12[%swap3A_230] {strides = array<i32>} : memref<2048xi32, #tpu.memory_space<vmem>>, vector<16xi32>,
      tpu.vector_store %arg12[%swap3A_230], %broadcast_in_dim3A_71 {strides = array<i32>} : memref<2048xi32, #tpu.memory_space<vmem>>, vector<16xi32>,
      %mul3A_232 = arith.constant 16 : i32
      %mul3A_233 = arith.muli %scan3A_223, %mul3A_232 : i32
      %swap3A_234 = arith.index_cast %mul3A_233 : i32 to index
      %swap3A_235 = tpu.vector_load %arg17[%swap3A_234] {strides = array<i32>} : memref<2048xi32, #tpu.memory_space<vmem>>, vector<16xi32>,
      tpu.vector_store %arg17[%swap3A_234], %broadcast_in_dim3A_71 {strides = array<i32>} : memref<2048xi32, #tpu.memory_space<vmem>>, vector<16xi32>,
      %mul3A_236 = arith.constant 16 : i32
      %mul3A_237 = arith.muli %scan3A_223, %mul3A_236 : i32
      %swap3A_238 = arith.index_cast %mul3A_237 : i32 to index
      %swap3A_239 = tpu.vector_load %arg22[%swap3A_238] {strides = array<i32>} : memref<2048xi32, #tpu.memory_space<vmem>>, vector<16xi32>,
      tpu.vector_store %arg22[%swap3A_238], %broadcast_in_dim3A_71 {strides = array<i32>} : memref<2048xi32, #tpu.memory_space<vmem>>, vector<16xi32>,
      %scan3A_240 = arith.constant 3 : i32
      %scan3A_241 = arith.addi %scan3A_188, %scan3A_240 : i32
      %mul3A_242 = arith.constant 16 : i32
      %mul3A_243 = arith.muli %scan3A_241, %mul3A_242 : i32
      %swap3A_244 = arith.index_cast %mul3A_243 : i32 to index
      %swap3A_245 = tpu.vector_load %arg7[%swap3A_244] {strides = array<i32>} : memref<2048xi32, #tpu.memory_space<vmem>>, vector<16xi32>,
      tpu.vector_store %arg7[%swap3A_244], %broadcast_in_dim3A_71 {strides = array<i32>} : memref<2048xi32, #tpu.memory_space<vmem>>, vector<16xi32>,
      %mul3A_246 = arith.constant 16 : i32
      %mul3A_247 = arith.muli %scan3A_241, %mul3A_246 : i32
      %swap3A_248 = arith.index_cast %mul3A_247 : i32 to index
      %swap3A_249 = tpu.vector_load %arg12[%swap3A_248] {strides = array<i32>} : memref<2048xi32, #tpu.memory_space<vmem>>, vector<16xi32>,
      tpu.vector_store %arg12[%swap3A_248], %broadcast_in_dim3A_71 {strides = array<i32>} : memref<2048xi32, #tpu.memory_space<vmem>>, vector<16xi32>,
      %mul3A_250 = arith.constant 16 : i32
      %mul3A_251 = arith.muli %scan3A_241, %mul3A_250 : i32
      %swap3A_252 = arith.index_cast %mul3A_251 : i32 to index
      %swap3A_253 = tpu.vector_load %arg17[%swap3A_252] {strides = array<i32>} : memref<2048xi32, #tpu.memory_space<vmem>>, vector<16xi32>,
      tpu.vector_store %arg17[%swap3A_252], %broadcast_in_dim3A_71 {strides = array<i32>} : memref<2048xi32, #tpu.memory_space<vmem>>, vector<16xi32>,
      %mul3A_254 = arith.constant 16 : i32
      %mul3A_255 = arith.muli %scan3A_241, %mul3A_254 : i32
      %swap3A_256 = arith.index_cast %mul3A_255 : i32 to index
      %swap3A_257 = tpu.vector_load %arg22[%swap3A_256] {strides = array<i32>} : memref<2048xi32, #tpu.memory_space<vmem>>, vector<16xi32>,
      tpu.vector_store %arg22[%swap3A_256], %broadcast_in_dim3A_71 {strides = array<i32>} : memref<2048xi32, #tpu.memory_space<vmem>>, vector<16xi32>,
    }
    %scan3A_76 = arith.constant 128 : i32
    %parallel_loop3A = arith.constant 0 : i32
    %parallel_loop3A_77 = arith.constant 512 : i32
    %parallel_loop3A_78 = arith.constant 1 : i32
    scf.for %parallel_loop3A_188 = %parallel_loop3A to %parallel_loop3A_77 step %parallel_loop3A_78  : i32 {
      %parallel_loop3A_189 = arith.constant 16 : i32
      %parallel_loop3A_190 = arith.muli %parallel_loop3A_188, %parallel_loop3A_189 : i32
      %parallel_loop3A_191 = arith.index_cast %parallel_loop3A_190 : i32 to index
      %parallel_loop3A_192 = tpu.vector_load %arg4[%parallel_loop3A_191] {strides = array<i32>} : memref<8192xf32, #tpu.memory_space<vmem>>, vector<16xf32>,
      %parallel_loop3A_193 = vector.bitcast %parallel_loop3A_192 : vector<16xf32> to vector<16xi32>
      %parallel_loop3A_194 = arith.constant 16 : i32
      %parallel_loop3A_195 = arith.muli %parallel_loop3A_188, %parallel_loop3A_194 : i32
      %parallel_loop3A_196 = arith.index_cast %parallel_loop3A_195 : i32 to index
      %parallel_loop3A_197 = tpu.vector_load %arg9[%parallel_loop3A_196] {strides = array<i32>} : memref<8192xf32, #tpu.memory_space<vmem>>, vector<16xf32>,
      %parallel_loop3A_198 = vector.bitcast %parallel_loop3A_197 : vector<16xf32> to vector<16xi32>
      %parallel_loop3A_199 = arith.constant 16 : i32
      %parallel_loop3A_200 = arith.muli %parallel_loop3A_188, %parallel_loop3A_199 : i32
      %parallel_loop3A_201 = arith.index_cast %parallel_loop3A_200 : i32 to index
      %parallel_loop3A_202 = tpu.vector_load %arg14[%parallel_loop3A_201] {strides = array<i32>} : memref<8192xf32, #tpu.memory_space<vmem>>, vector<16xf32>,
      %parallel_loop3A_203 = vector.bitcast %parallel_loop3A_202 : vector<16xf32> to vector<16xi32>
      %parallel_loop3A_204 = arith.constant 16 : i32
      %parallel_loop3A_205 = arith.muli %parallel_loop3A_188, %parallel_loop3A_204 : i32
      %parallel_loop3A_206 = arith.index_cast %parallel_loop3A_205 : i32 to index
      %parallel_loop3A_207 = tpu.vector_load %arg19[%parallel_loop3A_206] {strides = array<i32>} : memref<8192xf32, #tpu.memory_space<vmem>>, vector<16xf32>,
      %parallel_loop3A_208 = vector.bitcast %parallel_loop3A_207 : vector<16xf32> to vector<16xi32>
      %parallel_loop3A_209 = arith.constant 2047 : i32
      %parallel_loop3A_210 = vector.broadcast %parallel_loop3A_209 : i32 to vector<16xi32>
      %parallel_loop3A_211 = arith.andi %parallel_loop3A_193, %parallel_loop3A_210 : vector<16xi32>
      tpu.vector_store_idx %arg7[%parallel_loop3A_211], %broadcast_in_dim3A_69 {add = true} : memref<2048xi32, #tpu.memory_space<vmem>>[vector<16xi32>], vector<16xi32>,
      %parallel_loop3A_212 = arith.constant 2047 : i32
      %parallel_loop3A_213 = vector.broadcast %parallel_loop3A_212 : i32 to vector<16xi32>
      %parallel_loop3A_214 = arith.andi %parallel_loop3A_198, %parallel_loop3A_213 : vector<16xi32>
      tpu.vector_store_idx %arg12[%parallel_loop3A_214], %broadcast_in_dim3A_69 {add = true} : memref<2048xi32, #tpu.memory_space<vmem>>[vector<16xi32>], vector<16xi32>,
      %parallel_loop3A_215 = arith.constant 2047 : i32
      %parallel_loop3A_216 = vector.broadcast %parallel_loop3A_215 : i32 to vector<16xi32>
      %parallel_loop3A_217 = arith.andi %parallel_loop3A_203, %parallel_loop3A_216 : vector<16xi32>
      tpu.vector_store_idx %arg17[%parallel_loop3A_217], %broadcast_in_dim3A_69 {add = true} : memref<2048xi32, #tpu.memory_space<vmem>>[vector<16xi32>], vector<16xi32>,
      %parallel_loop3A_218 = arith.constant 2047 : i32
      %parallel_loop3A_219 = vector.broadcast %parallel_loop3A_218 : i32 to vector<16xi32>
      %parallel_loop3A_220 = arith.andi %parallel_loop3A_208, %parallel_loop3A_219 : vector<16xi32>
      tpu.vector_store_idx %arg22[%parallel_loop3A_220], %broadcast_in_dim3A_69 {add = true} : memref<2048xi32, #tpu.memory_space<vmem>>[vector<16xi32>], vector<16xi32>,
    } {sc.loop_unroll_factor = 4 : i64, sc.parallel_access}
    %sub3A = arith.constant 0 : i32
    %sub3A_79 = arith.subi %sub3A, %reduce_min3A_13 : i32
    %scan3A_80 = arith.constant 0 : i32
    %scan3A_81 = arith.constant 128 : i32
    %scan3A_82 = arith.addi %scan3A_80, %scan3A_81 : i32
    %scan3A_83 = arith.constant 1 : i32
    %scan3A_84:4 = scf.for %scan3A_188 = %scan3A_80 to %scan3A_82 step %scan3A_83 iter_args(%scan3A_189 = %sub3A_79, %scan3A_190 = %sub3A_79, %scan3A_191 = %sub3A_79, %scan3A_192 = %sub3A_79) -> (i32, i32, i32, i32)  : i32 {
      %mul3A_193 = arith.constant 16 : i32
      %mul3A_194 = arith.muli %scan3A_188, %mul3A_193 : i32
      %get3A = arith.index_cast %mul3A_194 : i32 to index
      %get3A_195 = tpu.vector_load %arg7[%get3A] {strides = array<i32>} : memref<2048xi32, #tpu.memory_space<vmem>>, vector<16xi32>,
      %broadcast_in_dim3A_196 = arith.constant true
      %broadcast_in_dim3A_197 = vector.broadcast %broadcast_in_dim3A_196 : i1 to vector<16xi1>
      %masked_cumsum3A = tpu.scan <sum>, %get3A_195 masked %broadcast_in_dim3A_197 : vector<16xi32>, vector<16xi1> -> vector<16xi32>
      %sub3A_198 = arith.subi %masked_cumsum3A, %get3A_195 : vector<16xi32>
      %add3A_199 = vector.broadcast %scan3A_189 : i32 to vector<16xi32>
      %add3A_200 = arith.addi %sub3A_198, %add3A_199 : vector<16xi32>
      %mul3A_201 = arith.constant 16 : i32
      %mul3A_202 = arith.muli %scan3A_188, %mul3A_201 : i32
      %swap3A = arith.index_cast %mul3A_202 : i32 to index
      %swap3A_203 = tpu.vector_load %arg7[%swap3A] {strides = array<i32>} : memref<2048xi32, #tpu.memory_space<vmem>>, vector<16xi32>,
      tpu.vector_store %arg7[%swap3A], %add3A_200 {strides = array<i32>} : memref<2048xi32, #tpu.memory_space<vmem>>, vector<16xi32>,
      %reduce_max3A = arith.constant true
      %reduce_max3A_204 = vector.broadcast %reduce_max3A : i1 to vector<16xi1>
      %reduce_max3A_205 = arith.constant -2147483648 : i32
      %reduce_max3A_206 = vector.broadcast %reduce_max3A_205 : i32 to vector<16xi32>
      %reduce_max3A_207 = arith.xori %masked_cumsum3A, %reduce_max3A_206 : vector<16xi32>
      %reduce_max3A_208 = tpu.scan <max>, %reduce_max3A_207 masked %reduce_max3A_204 : vector<16xi32>, vector<16xi1> -> vector<16xi32>
      %reduce_max3A_209 = arith.xori %reduce_max3A_208, %reduce_max3A_206 : vector<16xi32>
      %reduce_max3A_210 = vector.extract %reduce_max3A_209[15] : i32 from vector<16xi32>
      %add3A_211 = arith.addi %scan3A_189, %reduce_max3A_210 : i32
      %mul3A_212 = arith.constant 16 : i32
      %mul3A_213 = arith.muli %scan3A_188, %mul3A_212 : i32
      %get3A_214 = arith.index_cast %mul3A_213 : i32 to index
      %get3A_215 = tpu.vector_load %arg12[%get3A_214] {strides = array<i32>} : memref<2048xi32, #tpu.memory_space<vmem>>, vector<16xi32>,
      %broadcast_in_dim3A_216 = arith.constant true
      %broadcast_in_dim3A_217 = vector.broadcast %broadcast_in_dim3A_216 : i1 to vector<16xi1>
      %masked_cumsum3A_218 = tpu.scan <sum>, %get3A_215 masked %broadcast_in_dim3A_217 : vector<16xi32>, vector<16xi1> -> vector<16xi32>
      %sub3A_219 = arith.subi %masked_cumsum3A_218, %get3A_215 : vector<16xi32>
      %add3A_220 = vector.broadcast %scan3A_190 : i32 to vector<16xi32>
      %add3A_221 = arith.addi %sub3A_219, %add3A_220 : vector<16xi32>
      %mul3A_222 = arith.constant 16 : i32
      %mul3A_223 = arith.muli %scan3A_188, %mul3A_222 : i32
      %swap3A_224 = arith.index_cast %mul3A_223 : i32 to index
      %swap3A_225 = tpu.vector_load %arg12[%swap3A_224] {strides = array<i32>} : memref<2048xi32, #tpu.memory_space<vmem>>, vector<16xi32>,
      tpu.vector_store %arg12[%swap3A_224], %add3A_221 {strides = array<i32>} : memref<2048xi32, #tpu.memory_space<vmem>>, vector<16xi32>,
      %reduce_max3A_226 = arith.constant true
      %reduce_max3A_227 = vector.broadcast %reduce_max3A_226 : i1 to vector<16xi1>
      %reduce_max3A_228 = arith.constant -2147483648 : i32
      %reduce_max3A_229 = vector.broadcast %reduce_max3A_228 : i32 to vector<16xi32>
      %reduce_max3A_230 = arith.xori %masked_cumsum3A_218, %reduce_max3A_229 : vector<16xi32>
      %reduce_max3A_231 = tpu.scan <max>, %reduce_max3A_230 masked %reduce_max3A_227 : vector<16xi32>, vector<16xi1> -> vector<16xi32>
      %reduce_max3A_232 = arith.xori %reduce_max3A_231, %reduce_max3A_229 : vector<16xi32>
      %reduce_max3A_233 = vector.extract %reduce_max3A_232[15] : i32 from vector<16xi32>
      %add3A_234 = arith.addi %scan3A_190, %reduce_max3A_233 : i32
      %mul3A_235 = arith.constant 16 : i32
      %mul3A_236 = arith.muli %scan3A_188, %mul3A_235 : i32
      %get3A_237 = arith.index_cast %mul3A_236 : i32 to index
      %get3A_238 = tpu.vector_load %arg17[%get3A_237] {strides = array<i32>} : memref<2048xi32, #tpu.memory_space<vmem>>, vector<16xi32>,
      %broadcast_in_dim3A_239 = arith.constant true
      %broadcast_in_dim3A_240 = vector.broadcast %broadcast_in_dim3A_239 : i1 to vector<16xi1>
      %masked_cumsum3A_241 = tpu.scan <sum>, %get3A_238 masked %broadcast_in_dim3A_240 : vector<16xi32>, vector<16xi1> -> vector<16xi32>
      %sub3A_242 = arith.subi %masked_cumsum3A_241, %get3A_238 : vector<16xi32>
      %add3A_243 = vector.broadcast %scan3A_191 : i32 to vector<16xi32>
      %add3A_244 = arith.addi %sub3A_242, %add3A_243 : vector<16xi32>
      %mul3A_245 = arith.constant 16 : i32
      %mul3A_246 = arith.muli %scan3A_188, %mul3A_245 : i32
      %swap3A_247 = arith.index_cast %mul3A_246 : i32 to index
      %swap3A_248 = tpu.vector_load %arg17[%swap3A_247] {strides = array<i32>} : memref<2048xi32, #tpu.memory_space<vmem>>, vector<16xi32>,
      tpu.vector_store %arg17[%swap3A_247], %add3A_244 {strides = array<i32>} : memref<2048xi32, #tpu.memory_space<vmem>>, vector<16xi32>,
      %reduce_max3A_249 = arith.constant true
      %reduce_max3A_250 = vector.broadcast %reduce_max3A_249 : i1 to vector<16xi1>
      %reduce_max3A_251 = arith.constant -2147483648 : i32
      %reduce_max3A_252 = vector.broadcast %reduce_max3A_251 : i32 to vector<16xi32>
      %reduce_max3A_253 = arith.xori %masked_cumsum3A_241, %reduce_max3A_252 : vector<16xi32>
      %reduce_max3A_254 = tpu.scan <max>, %reduce_max3A_253 masked %reduce_max3A_250 : vector<16xi32>, vector<16xi1> -> vector<16xi32>
      %reduce_max3A_255 = arith.xori %reduce_max3A_254, %reduce_max3A_252 : vector<16xi32>
      %reduce_max3A_256 = vector.extract %reduce_max3A_255[15] : i32 from vector<16xi32>
      %add3A_257 = arith.addi %scan3A_191, %reduce_max3A_256 : i32
      %mul3A_258 = arith.constant 16 : i32
      %mul3A_259 = arith.muli %scan3A_188, %mul3A_258 : i32
      %get3A_260 = arith.index_cast %mul3A_259 : i32 to index
      %get3A_261 = tpu.vector_load %arg22[%get3A_260] {strides = array<i32>} : memref<2048xi32, #tpu.memory_space<vmem>>, vector<16xi32>,
      %broadcast_in_dim3A_262 = arith.constant true
      %broadcast_in_dim3A_263 = vector.broadcast %broadcast_in_dim3A_262 : i1 to vector<16xi1>
      %masked_cumsum3A_264 = tpu.scan <sum>, %get3A_261 masked %broadcast_in_dim3A_263 : vector<16xi32>, vector<16xi1> -> vector<16xi32>
      %sub3A_265 = arith.subi %masked_cumsum3A_264, %get3A_261 : vector<16xi32>
      %add3A_266 = vector.broadcast %scan3A_192 : i32 to vector<16xi32>
      %add3A_267 = arith.addi %sub3A_265, %add3A_266 : vector<16xi32>
      %mul3A_268 = arith.constant 16 : i32
      %mul3A_269 = arith.muli %scan3A_188, %mul3A_268 : i32
      %swap3A_270 = arith.index_cast %mul3A_269 : i32 to index
      %swap3A_271 = tpu.vector_load %arg22[%swap3A_270] {strides = array<i32>} : memref<2048xi32, #tpu.memory_space<vmem>>, vector<16xi32>,
      tpu.vector_store %arg22[%swap3A_270], %add3A_267 {strides = array<i32>} : memref<2048xi32, #tpu.memory_space<vmem>>, vector<16xi32>,
      %reduce_max3A_272 = arith.constant true
      %reduce_max3A_273 = vector.broadcast %reduce_max3A_272 : i1 to vector<16xi1>
      %reduce_max3A_274 = arith.constant -2147483648 : i32
      %reduce_max3A_275 = vector.broadcast %reduce_max3A_274 : i32 to vector<16xi32>
      %reduce_max3A_276 = arith.xori %masked_cumsum3A_264, %reduce_max3A_275 : vector<16xi32>
      %reduce_max3A_277 = tpu.scan <max>, %reduce_max3A_276 masked %reduce_max3A_273 : vector<16xi32>, vector<16xi1> -> vector<16xi32>
      %reduce_max3A_278 = arith.xori %reduce_max3A_277, %reduce_max3A_275 : vector<16xi32>
      %reduce_max3A_279 = vector.extract %reduce_max3A_278[15] : i32 from vector<16xi32>
      %add3A_280 = arith.addi %scan3A_192, %reduce_max3A_279 : i32
      scf.yield %add3A_211, %add3A_234, %add3A_257, %add3A_280 : i32, i32, i32, i32
    }
    %scan3A_85 = arith.constant 128 : i32
    %scan3A_86 = arith.constant 0 : i32
    %scan3A_87 = arith.constant 0 : i32
    %scan3A_88 = arith.constant 128 : i32
    %scan3A_89 = arith.addi %scan3A_87, %scan3A_88 : i32
    %scan3A_90 = arith.constant 4 : i32
    scf.for %scan3A_188 = %scan3A_87 to %scan3A_89 step %scan3A_90  : i32 {
      %mul3A_189 = arith.constant 16 : i32
      %mul3A_190 = arith.muli %scan3A_188, %mul3A_189 : i32
      %swap3A = arith.index_cast %mul3A_190 : i32 to index
      %swap3A_191 = tpu.vector_load %arg8[%swap3A] {strides = array<i32>} : memref<2048xi32, #tpu.memory_space<vmem>>, vector<16xi32>,
      tpu.vector_store %arg8[%swap3A], %broadcast_in_dim3A_71 {strides = array<i32>} : memref<2048xi32, #tpu.memory_space<vmem>>, vector<16xi32>,
      %mul3A_192 = arith.constant 16 : i32
      %mul3A_193 = arith.muli %scan3A_188, %mul3A_192 : i32
      %swap3A_194 = arith.index_cast %mul3A_193 : i32 to index
      %swap3A_195 = tpu.vector_load %arg13[%swap3A_194] {strides = array<i32>} : memref<2048xi32, #tpu.memory_space<vmem>>, vector<16xi32>,
      tpu.vector_store %arg13[%swap3A_194], %broadcast_in_dim3A_71 {strides = array<i32>} : memref<2048xi32, #tpu.memory_space<vmem>>, vector<16xi32>,
      %mul3A_196 = arith.constant 16 : i32
      %mul3A_197 = arith.muli %scan3A_188, %mul3A_196 : i32
      %swap3A_198 = arith.index_cast %mul3A_197 : i32 to index
      %swap3A_199 = tpu.vector_load %arg18[%swap3A_198] {strides = array<i32>} : memref<2048xi32, #tpu.memory_space<vmem>>, vector<16xi32>,
      tpu.vector_store %arg18[%swap3A_198], %broadcast_in_dim3A_71 {strides = array<i32>} : memref<2048xi32, #tpu.memory_space<vmem>>, vector<16xi32>,
      %mul3A_200 = arith.constant 16 : i32
      %mul3A_201 = arith.muli %scan3A_188, %mul3A_200 : i32
      %swap3A_202 = arith.index_cast %mul3A_201 : i32 to index
      %swap3A_203 = tpu.vector_load %arg23[%swap3A_202] {strides = array<i32>} : memref<2048xi32, #tpu.memory_space<vmem>>, vector<16xi32>,
      tpu.vector_store %arg23[%swap3A_202], %broadcast_in_dim3A_71 {strides = array<i32>} : memref<2048xi32, #tpu.memory_space<vmem>>, vector<16xi32>,
      %scan3A_204 = arith.constant 1 : i32
      %scan3A_205 = arith.addi %scan3A_188, %scan3A_204 : i32
      %mul3A_206 = arith.constant 16 : i32
      %mul3A_207 = arith.muli %scan3A_205, %mul3A_206 : i32
      %swap3A_208 = arith.index_cast %mul3A_207 : i32 to index
      %swap3A_209 = tpu.vector_load %arg8[%swap3A_208] {strides = array<i32>} : memref<2048xi32, #tpu.memory_space<vmem>>, vector<16xi32>,
      tpu.vector_store %arg8[%swap3A_208], %broadcast_in_dim3A_71 {strides = array<i32>} : memref<2048xi32, #tpu.memory_space<vmem>>, vector<16xi32>,
      %mul3A_210 = arith.constant 16 : i32
      %mul3A_211 = arith.muli %scan3A_205, %mul3A_210 : i32
      %swap3A_212 = arith.index_cast %mul3A_211 : i32 to index
      %swap3A_213 = tpu.vector_load %arg13[%swap3A_212] {strides = array<i32>} : memref<2048xi32, #tpu.memory_space<vmem>>, vector<16xi32>,
      tpu.vector_store %arg13[%swap3A_212], %broadcast_in_dim3A_71 {strides = array<i32>} : memref<2048xi32, #tpu.memory_space<vmem>>, vector<16xi32>,
      %mul3A_214 = arith.constant 16 : i32
      %mul3A_215 = arith.muli %scan3A_205, %mul3A_214 : i32
      %swap3A_216 = arith.index_cast %mul3A_215 : i32 to index
      %swap3A_217 = tpu.vector_load %arg18[%swap3A_216] {strides = array<i32>} : memref<2048xi32, #tpu.memory_space<vmem>>, vector<16xi32>,
      tpu.vector_store %arg18[%swap3A_216], %broadcast_in_dim3A_71 {strides = array<i32>} : memref<2048xi32, #tpu.memory_space<vmem>>, vector<16xi32>,
      %mul3A_218 = arith.constant 16 : i32
      %mul3A_219 = arith.muli %scan3A_205, %mul3A_218 : i32
      %swap3A_220 = arith.index_cast %mul3A_219 : i32 to index
      %swap3A_221 = tpu.vector_load %arg23[%swap3A_220] {strides = array<i32>} : memref<2048xi32, #tpu.memory_space<vmem>>, vector<16xi32>,
      tpu.vector_store %arg23[%swap3A_220], %broadcast_in_dim3A_71 {strides = array<i32>} : memref<2048xi32, #tpu.memory_space<vmem>>, vector<16xi32>,
      %scan3A_222 = arith.constant 2 : i32
      %scan3A_223 = arith.addi %scan3A_188, %scan3A_222 : i32
      %mul3A_224 = arith.constant 16 : i32
      %mul3A_225 = arith.muli %scan3A_223, %mul3A_224 : i32
      %swap3A_226 = arith.index_cast %mul3A_225 : i32 to index
      %swap3A_227 = tpu.vector_load %arg8[%swap3A_226] {strides = array<i32>} : memref<2048xi32, #tpu.memory_space<vmem>>, vector<16xi32>,
      tpu.vector_store %arg8[%swap3A_226], %broadcast_in_dim3A_71 {strides = array<i32>} : memref<2048xi32, #tpu.memory_space<vmem>>, vector<16xi32>,
      %mul3A_228 = arith.constant 16 : i32
      %mul3A_229 = arith.muli %scan3A_223, %mul3A_228 : i32
      %swap3A_230 = arith.index_cast %mul3A_229 : i32 to index
      %swap3A_231 = tpu.vector_load %arg13[%swap3A_230] {strides = array<i32>} : memref<2048xi32, #tpu.memory_space<vmem>>, vector<16xi32>,
      tpu.vector_store %arg13[%swap3A_230], %broadcast_in_dim3A_71 {strides = array<i32>} : memref<2048xi32, #tpu.memory_space<vmem>>, vector<16xi32>,
      %mul3A_232 = arith.constant 16 : i32
      %mul3A_233 = arith.muli %scan3A_223, %mul3A_232 : i32
      %swap3A_234 = arith.index_cast %mul3A_233 : i32 to index
      %swap3A_235 = tpu.vector_load %arg18[%swap3A_234] {strides = array<i32>} : memref<2048xi32, #tpu.memory_space<vmem>>, vector<16xi32>,
      tpu.vector_store %arg18[%swap3A_234], %broadcast_in_dim3A_71 {strides = array<i32>} : memref<2048xi32, #tpu.memory_space<vmem>>, vector<16xi32>,
      %mul3A_236 = arith.constant 16 : i32
      %mul3A_237 = arith.muli %scan3A_223, %mul3A_236 : i32
      %swap3A_238 = arith.index_cast %mul3A_237 : i32 to index
      %swap3A_239 = tpu.vector_load %arg23[%swap3A_238] {strides = array<i32>} : memref<2048xi32, #tpu.memory_space<vmem>>, vector<16xi32>,
      tpu.vector_store %arg23[%swap3A_238], %broadcast_in_dim3A_71 {strides = array<i32>} : memref<2048xi32, #tpu.memory_space<vmem>>, vector<16xi32>,
      %scan3A_240 = arith.constant 3 : i32
      %scan3A_241 = arith.addi %scan3A_188, %scan3A_240 : i32
      %mul3A_242 = arith.constant 16 : i32
      %mul3A_243 = arith.muli %scan3A_241, %mul3A_242 : i32
      %swap3A_244 = arith.index_cast %mul3A_243 : i32 to index
      %swap3A_245 = tpu.vector_load %arg8[%swap3A_244] {strides = array<i32>} : memref<2048xi32, #tpu.memory_space<vmem>>, vector<16xi32>,
      tpu.vector_store %arg8[%swap3A_244], %broadcast_in_dim3A_71 {strides = array<i32>} : memref<2048xi32, #tpu.memory_space<vmem>>, vector<16xi32>,
      %mul3A_246 = arith.constant 16 : i32
      %mul3A_247 = arith.muli %scan3A_241, %mul3A_246 : i32
      %swap3A_248 = arith.index_cast %mul3A_247 : i32 to index
      %swap3A_249 = tpu.vector_load %arg13[%swap3A_248] {strides = array<i32>} : memref<2048xi32, #tpu.memory_space<vmem>>, vector<16xi32>,
      tpu.vector_store %arg13[%swap3A_248], %broadcast_in_dim3A_71 {strides = array<i32>} : memref<2048xi32, #tpu.memory_space<vmem>>, vector<16xi32>,
      %mul3A_250 = arith.constant 16 : i32
      %mul3A_251 = arith.muli %scan3A_241, %mul3A_250 : i32
      %swap3A_252 = arith.index_cast %mul3A_251 : i32 to index
      %swap3A_253 = tpu.vector_load %arg18[%swap3A_252] {strides = array<i32>} : memref<2048xi32, #tpu.memory_space<vmem>>, vector<16xi32>,
      tpu.vector_store %arg18[%swap3A_252], %broadcast_in_dim3A_71 {strides = array<i32>} : memref<2048xi32, #tpu.memory_space<vmem>>, vector<16xi32>,
      %mul3A_254 = arith.constant 16 : i32
      %mul3A_255 = arith.muli %scan3A_241, %mul3A_254 : i32
      %swap3A_256 = arith.index_cast %mul3A_255 : i32 to index
      %swap3A_257 = tpu.vector_load %arg23[%swap3A_256] {strides = array<i32>} : memref<2048xi32, #tpu.memory_space<vmem>>, vector<16xi32>,
      tpu.vector_store %arg23[%swap3A_256], %broadcast_in_dim3A_71 {strides = array<i32>} : memref<2048xi32, #tpu.memory_space<vmem>>, vector<16xi32>,
    }
    %scan3A_91 = arith.constant 128 : i32
    %scan3A_92 = arith.constant 0 : i32
    %scan3A_93 = arith.constant 0 : i32
    %scan3A_94 = arith.constant 512 : i32
    %scan3A_95 = arith.addi %scan3A_93, %scan3A_94 : i32
    %scan3A_96 = arith.constant 4 : i32
    scf.for %scan3A_188 = %scan3A_93 to %scan3A_95 step %scan3A_96  : i32 {
      %mul3A_189 = arith.constant 16 : i32
      %mul3A_190 = arith.muli %scan3A_188, %mul3A_189 : i32
      %get3A = arith.index_cast %mul3A_190 : i32 to index
      %get3A_191 = tpu.vector_load %arg4[%get3A] {strides = array<i32>} : memref<8192xf32, #tpu.memory_space<vmem>>, vector<16xf32>,
      %bitcast3A = vector.bitcast %get3A_191 : vector<16xf32> to vector<16xi32>
      %and3A = arith.constant 2047 : i32
      %and3A_192 = vector.broadcast %and3A : i32 to vector<16xi32>
      %and3A_193 = arith.andi %bitcast3A, %and3A_192 : vector<16xi32>
      %shift_right_logical3A = arith.constant 11 : i32
      %shift_right_logical3A_194 = vector.broadcast %shift_right_logical3A : i32 to vector<16xi32>
      %shift_right_logical3A_195 = arith.shrui %bitcast3A, %shift_right_logical3A_194 : vector<16xi32>
      %shift_left3A = arith.constant 13 : i32
      %shift_left3A_196 = vector.broadcast %shift_left3A : i32 to vector<16xi32>
      %shift_left3A_197 = arith.shli %shift_right_logical3A_195, %shift_left3A_196 : vector<16xi32>
      %mul3A_198 = arith.constant 16 : i32
      %mul3A_199 = arith.muli %scan3A_188, %mul3A_198 : i32
      %add3A_200 = vector.broadcast %mul3A_199 : i32 to vector<16xi32>
      %add3A_201 = arith.addi %add3A_200, %iota3A : vector<16xi32>
      %or3A = arith.ori %shift_left3A_197, %add3A_201 : vector<16xi32>
      %mul3A_202 = arith.constant 16 : i32
      %mul3A_203 = arith.muli %scan3A_188, %mul3A_202 : i32
      %get3A_204 = arith.index_cast %mul3A_203 : i32 to index
      %get3A_205 = tpu.vector_load %arg9[%get3A_204] {strides = array<i32>} : memref<8192xf32, #tpu.memory_space<vmem>>, vector<16xf32>,
      %bitcast3A_206 = vector.bitcast %get3A_205 : vector<16xf32> to vector<16xi32>
      %and3A_207 = arith.constant 2047 : i32
      %and3A_208 = vector.broadcast %and3A_207 : i32 to vector<16xi32>
      %and3A_209 = arith.andi %bitcast3A_206, %and3A_208 : vector<16xi32>
      %shift_right_logical3A_210 = arith.constant 11 : i32
      %shift_right_logical3A_211 = vector.broadcast %shift_right_logical3A_210 : i32 to vector<16xi32>
      %shift_right_logical3A_212 = arith.shrui %bitcast3A_206, %shift_right_logical3A_211 : vector<16xi32>
      %shift_left3A_213 = arith.constant 13 : i32
      %shift_left3A_214 = vector.broadcast %shift_left3A_213 : i32 to vector<16xi32>
      %shift_left3A_215 = arith.shli %shift_right_logical3A_212, %shift_left3A_214 : vector<16xi32>
      %mul3A_216 = arith.constant 16 : i32
      %mul3A_217 = arith.muli %scan3A_188, %mul3A_216 : i32
      %add3A_218 = vector.broadcast %mul3A_217 : i32 to vector<16xi32>
      %add3A_219 = arith.addi %add3A_218, %iota3A : vector<16xi32>
      %or3A_220 = arith.ori %shift_left3A_215, %add3A_219 : vector<16xi32>
      %mul3A_221 = arith.constant 16 : i32
      %mul3A_222 = arith.muli %scan3A_188, %mul3A_221 : i32
      %get3A_223 = arith.index_cast %mul3A_222 : i32 to index
      %get3A_224 = tpu.vector_load %arg14[%get3A_223] {strides = array<i32>} : memref<8192xf32, #tpu.memory_space<vmem>>, vector<16xf32>,
      %bitcast3A_225 = vector.bitcast %get3A_224 : vector<16xf32> to vector<16xi32>
      %and3A_226 = arith.constant 2047 : i32
      %and3A_227 = vector.broadcast %and3A_226 : i32 to vector<16xi32>
      %and3A_228 = arith.andi %bitcast3A_225, %and3A_227 : vector<16xi32>
      %shift_right_logical3A_229 = arith.constant 11 : i32
      %shift_right_logical3A_230 = vector.broadcast %shift_right_logical3A_229 : i32 to vector<16xi32>
      %shift_right_logical3A_231 = arith.shrui %bitcast3A_225, %shift_right_logical3A_230 : vector<16xi32>
      %shift_left3A_232 = arith.constant 13 : i32
      %shift_left3A_233 = vector.broadcast %shift_left3A_232 : i32 to vector<16xi32>
      %shift_left3A_234 = arith.shli %shift_right_logical3A_231, %shift_left3A_233 : vector<16xi32>
      %mul3A_235 = arith.constant 16 : i32
      %mul3A_236 = arith.muli %scan3A_188, %mul3A_235 : i32
      %add3A_237 = vector.broadcast %mul3A_236 : i32 to vector<16xi32>
      %add3A_238 = arith.addi %add3A_237, %iota3A : vector<16xi32>
      %or3A_239 = arith.ori %shift_left3A_234, %add3A_238 : vector<16xi32>
      %mul3A_240 = arith.constant 16 : i32
      %mul3A_241 = arith.muli %scan3A_188, %mul3A_240 : i32
      %get3A_242 = arith.index_cast %mul3A_241 : i32 to index
      %get3A_243 = tpu.vector_load %arg19[%get3A_242] {strides = array<i32>} : memref<8192xf32, #tpu.memory_space<vmem>>, vector<16xf32>,
      %bitcast3A_244 = vector.bitcast %get3A_243 : vector<16xf32> to vector<16xi32>
      %and3A_245 = arith.constant 2047 : i32
      %and3A_246 = vector.broadcast %and3A_245 : i32 to vector<16xi32>
      %and3A_247 = arith.andi %bitcast3A_244, %and3A_246 : vector<16xi32>
      %shift_right_logical3A_248 = arith.constant 11 : i32
      %shift_right_logical3A_249 = vector.broadcast %shift_right_logical3A_248 : i32 to vector<16xi32>
      %shift_right_logical3A_250 = arith.shrui %bitcast3A_244, %shift_right_logical3A_249 : vector<16xi32>
      %shift_left3A_251 = arith.constant 13 : i32
      %shift_left3A_252 = vector.broadcast %shift_left3A_251 : i32 to vector<16xi32>
      %shift_left3A_253 = arith.shli %shift_right_logical3A_250, %shift_left3A_252 : vector<16xi32>
      %mul3A_254 = arith.constant 16 : i32
      %mul3A_255 = arith.muli %scan3A_188, %mul3A_254 : i32
      %add3A_256 = vector.broadcast %mul3A_255 : i32 to vector<16xi32>
      %add3A_257 = arith.addi %add3A_256, %iota3A : vector<16xi32>
      %or3A_258 = arith.ori %shift_left3A_253, %add3A_257 : vector<16xi32>
      %broadcast_in_dim3A_259 = arith.constant true
      %broadcast_in_dim3A_260 = vector.broadcast %broadcast_in_dim3A_259 : i1 to vector<16xi1>
      %unique3A_261, %unique3A_262 = tpu.scan_count mask(%broadcast_in_dim3A_260 : vector<16xi1>) value(%and3A_193 : vector<16xi32>) : vector<16xi1>, vector<16xi32>
      %broadcast_in_dim3A_263 = arith.constant true
      %broadcast_in_dim3A_264 = vector.broadcast %broadcast_in_dim3A_263 : i1 to vector<16xi1>
      %unique3A_265, %unique3A_266 = tpu.scan_count mask(%broadcast_in_dim3A_264 : vector<16xi1>) value(%and3A_209 : vector<16xi32>) : vector<16xi1>, vector<16xi32>
      %broadcast_in_dim3A_267 = arith.constant true
      %broadcast_in_dim3A_268 = vector.broadcast %broadcast_in_dim3A_267 : i1 to vector<16xi1>
      %unique3A_269, %unique3A_270 = tpu.scan_count mask(%broadcast_in_dim3A_268 : vector<16xi1>) value(%and3A_228 : vector<16xi32>) : vector<16xi1>, vector<16xi32>
      %broadcast_in_dim3A_271 = arith.constant true
      %broadcast_in_dim3A_272 = vector.broadcast %broadcast_in_dim3A_271 : i1 to vector<16xi1>
      %unique3A_273, %unique3A_274 = tpu.scan_count mask(%broadcast_in_dim3A_272 : vector<16xi1>) value(%and3A_247 : vector<16xi32>) : vector<16xi1>, vector<16xi32>
      %gather3A = tpu.vector_load_idx %arg7[%and3A_193] : memref<2048xi32, #tpu.memory_space<vmem>>[vector<16xi32>], vector<16xi32>,
      %add3A_275 = arith.addi %gather3A, %unique3A_262 : vector<16xi32>
      tpu.vector_store_idx %arg5[%add3A_275], %or3A : memref<8192xi32, #tpu.memory_space<vmem>>[vector<16xi32>], vector<16xi32>,
      tpu.vector_store_idx %arg7[%and3A_193], %broadcast_in_dim3A_69 {add = true} : memref<2048xi32, #tpu.memory_space<vmem>>[vector<16xi32>], vector<16xi32>,
      %shift_right_logical3A_276 = arith.constant 13 : i32
      %shift_right_logical3A_277 = vector.broadcast %shift_right_logical3A_276 : i32 to vector<16xi32>
      %shift_right_logical3A_278 = arith.shrui %or3A, %shift_right_logical3A_277 : vector<16xi32>
      %and3A_279 = arith.constant 2047 : i32
      %and3A_280 = vector.broadcast %and3A_279 : i32 to vector<16xi32>
      %and3A_281 = arith.andi %shift_right_logical3A_278, %and3A_280 : vector<16xi32>
      tpu.vector_store_idx %arg8[%and3A_281], %broadcast_in_dim3A_69 {add = true} : memref<2048xi32, #tpu.memory_space<vmem>>[vector<16xi32>], vector<16xi32>,
      %gather3A_282 = tpu.vector_load_idx %arg12[%and3A_209] : memref<2048xi32, #tpu.memory_space<vmem>>[vector<16xi32>], vector<16xi32>,
      %add3A_283 = arith.addi %gather3A_282, %unique3A_266 : vector<16xi32>
      tpu.vector_store_idx %arg10[%add3A_283], %or3A_220 : memref<8192xi32, #tpu.memory_space<vmem>>[vector<16xi32>], vector<16xi32>,
      tpu.vector_store_idx %arg12[%and3A_209], %broadcast_in_dim3A_69 {add = true} : memref<2048xi32, #tpu.memory_space<vmem>>[vector<16xi32>], vector<16xi32>,
      %shift_right_logical3A_284 = arith.constant 13 : i32
      %shift_right_logical3A_285 = vector.broadcast %shift_right_logical3A_284 : i32 to vector<16xi32>
      %shift_right_logical3A_286 = arith.shrui %or3A_220, %shift_right_logical3A_285 : vector<16xi32>
      %and3A_287 = arith.constant 2047 : i32
      %and3A_288 = vector.broadcast %and3A_287 : i32 to vector<16xi32>
      %and3A_289 = arith.andi %shift_right_logical3A_286, %and3A_288 : vector<16xi32>
      tpu.vector_store_idx %arg13[%and3A_289], %broadcast_in_dim3A_69 {add = true} : memref<2048xi32, #tpu.memory_space<vmem>>[vector<16xi32>], vector<16xi32>,
      %gather3A_290 = tpu.vector_load_idx %arg17[%and3A_228] : memref<2048xi32, #tpu.memory_space<vmem>>[vector<16xi32>], vector<16xi32>,
      %add3A_291 = arith.addi %gather3A_290, %unique3A_270 : vector<16xi32>
      tpu.vector_store_idx %arg15[%add3A_291], %or3A_239 : memref<8192xi32, #tpu.memory_space<vmem>>[vector<16xi32>], vector<16xi32>,
      tpu.vector_store_idx %arg17[%and3A_228], %broadcast_in_dim3A_69 {add = true} : memref<2048xi32, #tpu.memory_space<vmem>>[vector<16xi32>], vector<16xi32>,
      %shift_right_logical3A_292 = arith.constant 13 : i32
      %shift_right_logical3A_293 = vector.broadcast %shift_right_logical3A_292 : i32 to vector<16xi32>
      %shift_right_logical3A_294 = arith.shrui %or3A_239, %shift_right_logical3A_293 : vector<16xi32>
      %and3A_295 = arith.constant 2047 : i32
      %and3A_296 = vector.broadcast %and3A_295 : i32 to vector<16xi32>
      %and3A_297 = arith.andi %shift_right_logical3A_294, %and3A_296 : vector<16xi32>
      tpu.vector_store_idx %arg18[%and3A_297], %broadcast_in_dim3A_69 {add = true} : memref<2048xi32, #tpu.memory_space<vmem>>[vector<16xi32>], vector<16xi32>,
      %gather3A_298 = tpu.vector_load_idx %arg22[%and3A_247] : memref<2048xi32, #tpu.memory_space<vmem>>[vector<16xi32>], vector<16xi32>,
      %add3A_299 = arith.addi %gather3A_298, %unique3A_274 : vector<16xi32>
      tpu.vector_store_idx %arg20[%add3A_299], %or3A_258 : memref<8192xi32, #tpu.memory_space<vmem>>[vector<16xi32>], vector<16xi32>,
      tpu.vector_store_idx %arg22[%and3A_247], %broadcast_in_dim3A_69 {add = true} : memref<2048xi32, #tpu.memory_space<vmem>>[vector<16xi32>], vector<16xi32>,
      %shift_right_logical3A_300 = arith.constant 13 : i32
      %shift_right_logical3A_301 = vector.broadcast %shift_right_logical3A_300 : i32 to vector<16xi32>
      %shift_right_logical3A_302 = arith.shrui %or3A_258, %shift_right_logical3A_301 : vector<16xi32>
      %and3A_303 = arith.constant 2047 : i32
      %and3A_304 = vector.broadcast %and3A_303 : i32 to vector<16xi32>
      %and3A_305 = arith.andi %shift_right_logical3A_302, %and3A_304 : vector<16xi32>
      tpu.vector_store_idx %arg23[%and3A_305], %broadcast_in_dim3A_69 {add = true} : memref<2048xi32, #tpu.memory_space<vmem>>[vector<16xi32>], vector<16xi32>,
      %scan3A_306 = arith.constant 1 : i32
      %scan3A_307 = arith.addi %scan3A_188, %scan3A_306 : i32
      %mul3A_308 = arith.constant 16 : i32
      %mul3A_309 = arith.muli %scan3A_307, %mul3A_308 : i32
      %get3A_310 = arith.index_cast %mul3A_309 : i32 to index
      %get3A_311 = tpu.vector_load %arg4[%get3A_310] {strides = array<i32>} : memref<8192xf32, #tpu.memory_space<vmem>>, vector<16xf32>,
      %bitcast3A_312 = vector.bitcast %get3A_311 : vector<16xf32> to vector<16xi32>
      %and3A_313 = arith.constant 2047 : i32
      %and3A_314 = vector.broadcast %and3A_313 : i32 to vector<16xi32>
      %and3A_315 = arith.andi %bitcast3A_312, %and3A_314 : vector<16xi32>
      %shift_right_logical3A_316 = arith.constant 11 : i32
      %shift_right_logical3A_317 = vector.broadcast %shift_right_logical3A_316 : i32 to vector<16xi32>
      %shift_right_logical3A_318 = arith.shrui %bitcast3A_312, %shift_right_logical3A_317 : vector<16xi32>
      %shift_left3A_319 = arith.constant 13 : i32
      %shift_left3A_320 = vector.broadcast %shift_left3A_319 : i32 to vector<16xi32>
      %shift_left3A_321 = arith.shli %shift_right_logical3A_318, %shift_left3A_320 : vector<16xi32>
      %mul3A_322 = arith.constant 16 : i32
      %mul3A_323 = arith.muli %scan3A_307, %mul3A_322 : i32
      %add3A_324 = vector.broadcast %mul3A_323 : i32 to vector<16xi32>
      %add3A_325 = arith.addi %add3A_324, %iota3A : vector<16xi32>
      %or3A_326 = arith.ori %shift_left3A_321, %add3A_325 : vector<16xi32>
      %mul3A_327 = arith.constant 16 : i32
      %mul3A_328 = arith.muli %scan3A_307, %mul3A_327 : i32
      %get3A_329 = arith.index_cast %mul3A_328 : i32 to index
      %get3A_330 = tpu.vector_load %arg9[%get3A_329] {strides = array<i32>} : memref<8192xf32, #tpu.memory_space<vmem>>, vector<16xf32>,
      %bitcast3A_331 = vector.bitcast %get3A_330 : vector<16xf32> to vector<16xi32>
      %and3A_332 = arith.constant 2047 : i32
      %and3A_333 = vector.broadcast %and3A_332 : i32 to vector<16xi32>
      %and3A_334 = arith.andi %bitcast3A_331, %and3A_333 : vector<16xi32>
      %shift_right_logical3A_335 = arith.constant 11 : i32
      %shift_right_logical3A_336 = vector.broadcast %shift_right_logical3A_335 : i32 to vector<16xi32>
      %shift_right_logical3A_337 = arith.shrui %bitcast3A_331, %shift_right_logical3A_336 : vector<16xi32>
      %shift_left3A_338 = arith.constant 13 : i32
      %shift_left3A_339 = vector.broadcast %shift_left3A_338 : i32 to vector<16xi32>
      %shift_left3A_340 = arith.shli %shift_right_logical3A_337, %shift_left3A_339 : vector<16xi32>
      %mul3A_341 = arith.constant 16 : i32
      %mul3A_342 = arith.muli %scan3A_307, %mul3A_341 : i32
      %add3A_343 = vector.broadcast %mul3A_342 : i32 to vector<16xi32>
      %add3A_344 = arith.addi %add3A_343, %iota3A : vector<16xi32>
      %or3A_345 = arith.ori %shift_left3A_340, %add3A_344 : vector<16xi32>
      %mul3A_346 = arith.constant 16 : i32
      %mul3A_347 = arith.muli %scan3A_307, %mul3A_346 : i32
      %get3A_348 = arith.index_cast %mul3A_347 : i32 to index
      %get3A_349 = tpu.vector_load %arg14[%get3A_348] {strides = array<i32>} : memref<8192xf32, #tpu.memory_space<vmem>>, vector<16xf32>,
      %bitcast3A_350 = vector.bitcast %get3A_349 : vector<16xf32> to vector<16xi32>
      %and3A_351 = arith.constant 2047 : i32
      %and3A_352 = vector.broadcast %and3A_351 : i32 to vector<16xi32>
      %and3A_353 = arith.andi %bitcast3A_350, %and3A_352 : vector<16xi32>
      %shift_right_logical3A_354 = arith.constant 11 : i32
      %shift_right_logical3A_355 = vector.broadcast %shift_right_logical3A_354 : i32 to vector<16xi32>
      %shift_right_logical3A_356 = arith.shrui %bitcast3A_350, %shift_right_logical3A_355 : vector<16xi32>
      %shift_left3A_357 = arith.constant 13 : i32
      %shift_left3A_358 = vector.broadcast %shift_left3A_357 : i32 to vector<16xi32>
      %shift_left3A_359 = arith.shli %shift_right_logical3A_356, %shift_left3A_358 : vector<16xi32>
      %mul3A_360 = arith.constant 16 : i32
      %mul3A_361 = arith.muli %scan3A_307, %mul3A_360 : i32
      %add3A_362 = vector.broadcast %mul3A_361 : i32 to vector<16xi32>
      %add3A_363 = arith.addi %add3A_362, %iota3A : vector<16xi32>
      %or3A_364 = arith.ori %shift_left3A_359, %add3A_363 : vector<16xi32>
      %mul3A_365 = arith.constant 16 : i32
      %mul3A_366 = arith.muli %scan3A_307, %mul3A_365 : i32
      %get3A_367 = arith.index_cast %mul3A_366 : i32 to index
      %get3A_368 = tpu.vector_load %arg19[%get3A_367] {strides = array<i32>} : memref<8192xf32, #tpu.memory_space<vmem>>, vector<16xf32>,
      %bitcast3A_369 = vector.bitcast %get3A_368 : vector<16xf32> to vector<16xi32>
      %and3A_370 = arith.constant 2047 : i32
      %and3A_371 = vector.broadcast %and3A_370 : i32 to vector<16xi32>
      %and3A_372 = arith.andi %bitcast3A_369, %and3A_371 : vector<16xi32>
      %shift_right_logical3A_373 = arith.constant 11 : i32
      %shift_right_logical3A_374 = vector.broadcast %shift_right_logical3A_373 : i32 to vector<16xi32>
      %shift_right_logical3A_375 = arith.shrui %bitcast3A_369, %shift_right_logical3A_374 : vector<16xi32>
      %shift_left3A_376 = arith.constant 13 : i32
      %shift_left3A_377 = vector.broadcast %shift_left3A_376 : i32 to vector<16xi32>
      %shift_left3A_378 = arith.shli %shift_right_logical3A_375, %shift_left3A_377 : vector<16xi32>
      %mul3A_379 = arith.constant 16 : i32
      %mul3A_380 = arith.muli %scan3A_307, %mul3A_379 : i32
      %add3A_381 = vector.broadcast %mul3A_380 : i32 to vector<16xi32>
      %add3A_382 = arith.addi %add3A_381, %iota3A : vector<16xi32>
      %or3A_383 = arith.ori %shift_left3A_378, %add3A_382 : vector<16xi32>
      %broadcast_in_dim3A_384 = arith.constant true
      %broadcast_in_dim3A_385 = vector.broadcast %broadcast_in_dim3A_384 : i1 to vector<16xi1>
      %unique3A_386, %unique3A_387 = tpu.scan_count mask(%broadcast_in_dim3A_385 : vector<16xi1>) value(%and3A_315 : vector<16xi32>) : vector<16xi1>, vector<16xi32>
      %broadcast_in_dim3A_388 = arith.constant true
      %broadcast_in_dim3A_389 = vector.broadcast %broadcast_in_dim3A_388 : i1 to vector<16xi1>
      %unique3A_390, %unique3A_391 = tpu.scan_count mask(%broadcast_in_dim3A_389 : vector<16xi1>) value(%and3A_334 : vector<16xi32>) : vector<16xi1>, vector<16xi32>
      %broadcast_in_dim3A_392 = arith.constant true
      %broadcast_in_dim3A_393 = vector.broadcast %broadcast_in_dim3A_392 : i1 to vector<16xi1>
      %unique3A_394, %unique3A_395 = tpu.scan_count mask(%broadcast_in_dim3A_393 : vector<16xi1>) value(%and3A_353 : vector<16xi32>) : vector<16xi1>, vector<16xi32>
      %broadcast_in_dim3A_396 = arith.constant true
      %broadcast_in_dim3A_397 = vector.broadcast %broadcast_in_dim3A_396 : i1 to vector<16xi1>
      %unique3A_398, %unique3A_399 = tpu.scan_count mask(%broadcast_in_dim3A_397 : vector<16xi1>) value(%and3A_372 : vector<16xi32>) : vector<16xi1>, vector<16xi32>
      %gather3A_400 = tpu.vector_load_idx %arg7[%and3A_315] : memref<2048xi32, #tpu.memory_space<vmem>>[vector<16xi32>], vector<16xi32>,
      %add3A_401 = arith.addi %gather3A_400, %unique3A_387 : vector<16xi32>
      tpu.vector_store_idx %arg5[%add3A_401], %or3A_326 : memref<8192xi32, #tpu.memory_space<vmem>>[vector<16xi32>], vector<16xi32>,
      tpu.vector_store_idx %arg7[%and3A_315], %broadcast_in_dim3A_69 {add = true} : memref<2048xi32, #tpu.memory_space<vmem>>[vector<16xi32>], vector<16xi32>,
      %shift_right_logical3A_402 = arith.constant 13 : i32
      %shift_right_logical3A_403 = vector.broadcast %shift_right_logical3A_402 : i32 to vector<16xi32>
      %shift_right_logical3A_404 = arith.shrui %or3A_326, %shift_right_logical3A_403 : vector<16xi32>
      %and3A_405 = arith.constant 2047 : i32
      %and3A_406 = vector.broadcast %and3A_405 : i32 to vector<16xi32>
      %and3A_407 = arith.andi %shift_right_logical3A_404, %and3A_406 : vector<16xi32>
      tpu.vector_store_idx %arg8[%and3A_407], %broadcast_in_dim3A_69 {add = true} : memref<2048xi32, #tpu.memory_space<vmem>>[vector<16xi32>], vector<16xi32>,
      %gather3A_408 = tpu.vector_load_idx %arg12[%and3A_334] : memref<2048xi32, #tpu.memory_space<vmem>>[vector<16xi32>], vector<16xi32>,
      %add3A_409 = arith.addi %gather3A_408, %unique3A_391 : vector<16xi32>
      tpu.vector_store_idx %arg10[%add3A_409], %or3A_345 : memref<8192xi32, #tpu.memory_space<vmem>>[vector<16xi32>], vector<16xi32>,
      tpu.vector_store_idx %arg12[%and3A_334], %broadcast_in_dim3A_69 {add = true} : memref<2048xi32, #tpu.memory_space<vmem>>[vector<16xi32>], vector<16xi32>,
      %shift_right_logical3A_410 = arith.constant 13 : i32
      %shift_right_logical3A_411 = vector.broadcast %shift_right_logical3A_410 : i32 to vector<16xi32>
      %shift_right_logical3A_412 = arith.shrui %or3A_345, %shift_right_logical3A_411 : vector<16xi32>
      %and3A_413 = arith.constant 2047 : i32
      %and3A_414 = vector.broadcast %and3A_413 : i32 to vector<16xi32>
      %and3A_415 = arith.andi %shift_right_logical3A_412, %and3A_414 : vector<16xi32>
      tpu.vector_store_idx %arg13[%and3A_415], %broadcast_in_dim3A_69 {add = true} : memref<2048xi32, #tpu.memory_space<vmem>>[vector<16xi32>], vector<16xi32>,
      %gather3A_416 = tpu.vector_load_idx %arg17[%and3A_353] : memref<2048xi32, #tpu.memory_space<vmem>>[vector<16xi32>], vector<16xi32>,
      %add3A_417 = arith.addi %gather3A_416, %unique3A_395 : vector<16xi32>
      tpu.vector_store_idx %arg15[%add3A_417], %or3A_364 : memref<8192xi32, #tpu.memory_space<vmem>>[vector<16xi32>], vector<16xi32>,
      tpu.vector_store_idx %arg17[%and3A_353], %broadcast_in_dim3A_69 {add = true} : memref<2048xi32, #tpu.memory_space<vmem>>[vector<16xi32>], vector<16xi32>,
      %shift_right_logical3A_418 = arith.constant 13 : i32
      %shift_right_logical3A_419 = vector.broadcast %shift_right_logical3A_418 : i32 to vector<16xi32>
      %shift_right_logical3A_420 = arith.shrui %or3A_364, %shift_right_logical3A_419 : vector<16xi32>
      %and3A_421 = arith.constant 2047 : i32
      %and3A_422 = vector.broadcast %and3A_421 : i32 to vector<16xi32>
      %and3A_423 = arith.andi %shift_right_logical3A_420, %and3A_422 : vector<16xi32>
      tpu.vector_store_idx %arg18[%and3A_423], %broadcast_in_dim3A_69 {add = true} : memref<2048xi32, #tpu.memory_space<vmem>>[vector<16xi32>], vector<16xi32>,
      %gather3A_424 = tpu.vector_load_idx %arg22[%and3A_372] : memref<2048xi32, #tpu.memory_space<vmem>>[vector<16xi32>], vector<16xi32>,
      %add3A_425 = arith.addi %gather3A_424, %unique3A_399 : vector<16xi32>
      tpu.vector_store_idx %arg20[%add3A_425], %or3A_383 : memref<8192xi32, #tpu.memory_space<vmem>>[vector<16xi32>], vector<16xi32>,
      tpu.vector_store_idx %arg22[%and3A_372], %broadcast_in_dim3A_69 {add = true} : memref<2048xi32, #tpu.memory_space<vmem>>[vector<16xi32>], vector<16xi32>,
      %shift_right_logical3A_426 = arith.constant 13 : i32
      %shift_right_logical3A_427 = vector.broadcast %shift_right_logical3A_426 : i32 to vector<16xi32>
      %shift_right_logical3A_428 = arith.shrui %or3A_383, %shift_right_logical3A_427 : vector<16xi32>
      %and3A_429 = arith.constant 2047 : i32
      %and3A_430 = vector.broadcast %and3A_429 : i32 to vector<16xi32>
      %and3A_431 = arith.andi %shift_right_logical3A_428, %and3A_430 : vector<16xi32>
      tpu.vector_store_idx %arg23[%and3A_431], %broadcast_in_dim3A_69 {add = true} : memref<2048xi32, #tpu.memory_space<vmem>>[vector<16xi32>], vector<16xi32>,
      %scan3A_432 = arith.constant 2 : i32
      %scan3A_433 = arith.addi %scan3A_188, %scan3A_432 : i32
      %mul3A_434 = arith.constant 16 : i32
      %mul3A_435 = arith.muli %scan3A_433, %mul3A_434 : i32
      %get3A_436 = arith.index_cast %mul3A_435 : i32 to index
      %get3A_437 = tpu.vector_load %arg4[%get3A_436] {strides = array<i32>} : memref<8192xf32, #tpu.memory_space<vmem>>, vector<16xf32>,
      %bitcast3A_438 = vector.bitcast %get3A_437 : vector<16xf32> to vector<16xi32>
      %and3A_439 = arith.constant 2047 : i32
      %and3A_440 = vector.broadcast %and3A_439 : i32 to vector<16xi32>
      %and3A_441 = arith.andi %bitcast3A_438, %and3A_440 : vector<16xi32>
      %shift_right_logical3A_442 = arith.constant 11 : i32
      %shift_right_logical3A_443 = vector.broadcast %shift_right_logical3A_442 : i32 to vector<16xi32>
      %shift_right_logical3A_444 = arith.shrui %bitcast3A_438, %shift_right_logical3A_443 : vector<16xi32>
      %shift_left3A_445 = arith.constant 13 : i32
      %shift_left3A_446 = vector.broadcast %shift_left3A_445 : i32 to vector<16xi32>
      %shift_left3A_447 = arith.shli %shift_right_logical3A_444, %shift_left3A_446 : vector<16xi32>
      %mul3A_448 = arith.constant 16 : i32
      %mul3A_449 = arith.muli %scan3A_433, %mul3A_448 : i32
      %add3A_450 = vector.broadcast %mul3A_449 : i32 to vector<16xi32>
      %add3A_451 = arith.addi %add3A_450, %iota3A : vector<16xi32>
      %or3A_452 = arith.ori %shift_left3A_447, %add3A_451 : vector<16xi32>
      %mul3A_453 = arith.constant 16 : i32
      %mul3A_454 = arith.muli %scan3A_433, %mul3A_453 : i32
      %get3A_455 = arith.index_cast %mul3A_454 : i32 to index
      %get3A_456 = tpu.vector_load %arg9[%get3A_455] {strides = array<i32>} : memref<8192xf32, #tpu.memory_space<vmem>>, vector<16xf32>,
      %bitcast3A_457 = vector.bitcast %get3A_456 : vector<16xf32> to vector<16xi32>
      %and3A_458 = arith.constant 2047 : i32
      %and3A_459 = vector.broadcast %and3A_458 : i32 to vector<16xi32>
      %and3A_460 = arith.andi %bitcast3A_457, %and3A_459 : vector<16xi32>
      %shift_right_logical3A_461 = arith.constant 11 : i32
      %shift_right_logical3A_462 = vector.broadcast %shift_right_logical3A_461 : i32 to vector<16xi32>
      %shift_right_logical3A_463 = arith.shrui %bitcast3A_457, %shift_right_logical3A_462 : vector<16xi32>
      %shift_left3A_464 = arith.constant 13 : i32
      %shift_left3A_465 = vector.broadcast %shift_left3A_464 : i32 to vector<16xi32>
      %shift_left3A_466 = arith.shli %shift_right_logical3A_463, %shift_left3A_465 : vector<16xi32>
      %mul3A_467 = arith.constant 16 : i32
      %mul3A_468 = arith.muli %scan3A_433, %mul3A_467 : i32
      %add3A_469 = vector.broadcast %mul3A_468 : i32 to vector<16xi32>
      %add3A_470 = arith.addi %add3A_469, %iota3A : vector<16xi32>
      %or3A_471 = arith.ori %shift_left3A_466, %add3A_470 : vector<16xi32>
      %mul3A_472 = arith.constant 16 : i32
      %mul3A_473 = arith.muli %scan3A_433, %mul3A_472 : i32
      %get3A_474 = arith.index_cast %mul3A_473 : i32 to index
      %get3A_475 = tpu.vector_load %arg14[%get3A_474] {strides = array<i32>} : memref<8192xf32, #tpu.memory_space<vmem>>, vector<16xf32>,
      %bitcast3A_476 = vector.bitcast %get3A_475 : vector<16xf32> to vector<16xi32>
      %and3A_477 = arith.constant 2047 : i32
      %and3A_478 = vector.broadcast %and3A_477 : i32 to vector<16xi32>
      %and3A_479 = arith.andi %bitcast3A_476, %and3A_478 : vector<16xi32>
      %shift_right_logical3A_480 = arith.constant 11 : i32
      %shift_right_logical3A_481 = vector.broadcast %shift_right_logical3A_480 : i32 to vector<16xi32>
      %shift_right_logical3A_482 = arith.shrui %bitcast3A_476, %shift_right_logical3A_481 : vector<16xi32>
      %shift_left3A_483 = arith.constant 13 : i32
      %shift_left3A_484 = vector.broadcast %shift_left3A_483 : i32 to vector<16xi32>
      %shift_left3A_485 = arith.shli %shift_right_logical3A_482, %shift_left3A_484 : vector<16xi32>
      %mul3A_486 = arith.constant 16 : i32
      %mul3A_487 = arith.muli %scan3A_433, %mul3A_486 : i32
      %add3A_488 = vector.broadcast %mul3A_487 : i32 to vector<16xi32>
      %add3A_489 = arith.addi %add3A_488, %iota3A : vector<16xi32>
      %or3A_490 = arith.ori %shift_left3A_485, %add3A_489 : vector<16xi32>
      %mul3A_491 = arith.constant 16 : i32
      %mul3A_492 = arith.muli %scan3A_433, %mul3A_491 : i32
      %get3A_493 = arith.index_cast %mul3A_492 : i32 to index
      %get3A_494 = tpu.vector_load %arg19[%get3A_493] {strides = array<i32>} : memref<8192xf32, #tpu.memory_space<vmem>>, vector<16xf32>,
      %bitcast3A_495 = vector.bitcast %get3A_494 : vector<16xf32> to vector<16xi32>
      %and3A_496 = arith.constant 2047 : i32
      %and3A_497 = vector.broadcast %and3A_496 : i32 to vector<16xi32>
      %and3A_498 = arith.andi %bitcast3A_495, %and3A_497 : vector<16xi32>
      %shift_right_logical3A_499 = arith.constant 11 : i32
      %shift_right_logical3A_500 = vector.broadcast %shift_right_logical3A_499 : i32 to vector<16xi32>
      %shift_right_logical3A_501 = arith.shrui %bitcast3A_495, %shift_right_logical3A_500 : vector<16xi32>
      %shift_left3A_502 = arith.constant 13 : i32
      %shift_left3A_503 = vector.broadcast %shift_left3A_502 : i32 to vector<16xi32>
      %shift_left3A_504 = arith.shli %shift_right_logical3A_501, %shift_left3A_503 : vector<16xi32>
      %mul3A_505 = arith.constant 16 : i32
      %mul3A_506 = arith.muli %scan3A_433, %mul3A_505 : i32
      %add3A_507 = vector.broadcast %mul3A_506 : i32 to vector<16xi32>
      %add3A_508 = arith.addi %add3A_507, %iota3A : vector<16xi32>
      %or3A_509 = arith.ori %shift_left3A_504, %add3A_508 : vector<16xi32>
      %broadcast_in_dim3A_510 = arith.constant true
      %broadcast_in_dim3A_511 = vector.broadcast %broadcast_in_dim3A_510 : i1 to vector<16xi1>
      %unique3A_512, %unique3A_513 = tpu.scan_count mask(%broadcast_in_dim3A_511 : vector<16xi1>) value(%and3A_441 : vector<16xi32>) : vector<16xi1>, vector<16xi32>
      %broadcast_in_dim3A_514 = arith.constant true
      %broadcast_in_dim3A_515 = vector.broadcast %broadcast_in_dim3A_514 : i1 to vector<16xi1>
      %unique3A_516, %unique3A_517 = tpu.scan_count mask(%broadcast_in_dim3A_515 : vector<16xi1>) value(%and3A_460 : vector<16xi32>) : vector<16xi1>, vector<16xi32>
      %broadcast_in_dim3A_518 = arith.constant true
      %broadcast_in_dim3A_519 = vector.broadcast %broadcast_in_dim3A_518 : i1 to vector<16xi1>
      %unique3A_520, %unique3A_521 = tpu.scan_count mask(%broadcast_in_dim3A_519 : vector<16xi1>) value(%and3A_479 : vector<16xi32>) : vector<16xi1>, vector<16xi32>
      %broadcast_in_dim3A_522 = arith.constant true
      %broadcast_in_dim3A_523 = vector.broadcast %broadcast_in_dim3A_522 : i1 to vector<16xi1>
      %unique3A_524, %unique3A_525 = tpu.scan_count mask(%broadcast_in_dim3A_523 : vector<16xi1>) value(%and3A_498 : vector<16xi32>) : vector<16xi1>, vector<16xi32>
      %gather3A_526 = tpu.vector_load_idx %arg7[%and3A_441] : memref<2048xi32, #tpu.memory_space<vmem>>[vector<16xi32>], vector<16xi32>,
      %add3A_527 = arith.addi %gather3A_526, %unique3A_513 : vector<16xi32>
      tpu.vector_store_idx %arg5[%add3A_527], %or3A_452 : memref<8192xi32, #tpu.memory_space<vmem>>[vector<16xi32>], vector<16xi32>,
      tpu.vector_store_idx %arg7[%and3A_441], %broadcast_in_dim3A_69 {add = true} : memref<2048xi32, #tpu.memory_space<vmem>>[vector<16xi32>], vector<16xi32>,
      %shift_right_logical3A_528 = arith.constant 13 : i32
      %shift_right_logical3A_529 = vector.broadcast %shift_right_logical3A_528 : i32 to vector<16xi32>
      %shift_right_logical3A_530 = arith.shrui %or3A_452, %shift_right_logical3A_529 : vector<16xi32>
      %and3A_531 = arith.constant 2047 : i32
      %and3A_532 = vector.broadcast %and3A_531 : i32 to vector<16xi32>
      %and3A_533 = arith.andi %shift_right_logical3A_530, %and3A_532 : vector<16xi32>
      tpu.vector_store_idx %arg8[%and3A_533], %broadcast_in_dim3A_69 {add = true} : memref<2048xi32, #tpu.memory_space<vmem>>[vector<16xi32>], vector<16xi32>,
      %gather3A_534 = tpu.vector_load_idx %arg12[%and3A_460] : memref<2048xi32, #tpu.memory_space<vmem>>[vector<16xi32>], vector<16xi32>,
      %add3A_535 = arith.addi %gather3A_534, %unique3A_517 : vector<16xi32>
      tpu.vector_store_idx %arg10[%add3A_535], %or3A_471 : memref<8192xi32, #tpu.memory_space<vmem>>[vector<16xi32>], vector<16xi32>,
      tpu.vector_store_idx %arg12[%and3A_460], %broadcast_in_dim3A_69 {add = true} : memref<2048xi32, #tpu.memory_space<vmem>>[vector<16xi32>], vector<16xi32>,
      %shift_right_logical3A_536 = arith.constant 13 : i32
      %shift_right_logical3A_537 = vector.broadcast %shift_right_logical3A_536 : i32 to vector<16xi32>
      %shift_right_logical3A_538 = arith.shrui %or3A_471, %shift_right_logical3A_537 : vector<16xi32>
      %and3A_539 = arith.constant 2047 : i32
      %and3A_540 = vector.broadcast %and3A_539 : i32 to vector<16xi32>
      %and3A_541 = arith.andi %shift_right_logical3A_538, %and3A_540 : vector<16xi32>
      tpu.vector_store_idx %arg13[%and3A_541], %broadcast_in_dim3A_69 {add = true} : memref<2048xi32, #tpu.memory_space<vmem>>[vector<16xi32>], vector<16xi32>,
      %gather3A_542 = tpu.vector_load_idx %arg17[%and3A_479] : memref<2048xi32, #tpu.memory_space<vmem>>[vector<16xi32>], vector<16xi32>,
      %add3A_543 = arith.addi %gather3A_542, %unique3A_521 : vector<16xi32>
      tpu.vector_store_idx %arg15[%add3A_543], %or3A_490 : memref<8192xi32, #tpu.memory_space<vmem>>[vector<16xi32>], vector<16xi32>,
      tpu.vector_store_idx %arg17[%and3A_479], %broadcast_in_dim3A_69 {add = true} : memref<2048xi32, #tpu.memory_space<vmem>>[vector<16xi32>], vector<16xi32>,
      %shift_right_logical3A_544 = arith.constant 13 : i32
      %shift_right_logical3A_545 = vector.broadcast %shift_right_logical3A_544 : i32 to vector<16xi32>
      %shift_right_logical3A_546 = arith.shrui %or3A_490, %shift_right_logical3A_545 : vector<16xi32>
      %and3A_547 = arith.constant 2047 : i32
      %and3A_548 = vector.broadcast %and3A_547 : i32 to vector<16xi32>
      %and3A_549 = arith.andi %shift_right_logical3A_546, %and3A_548 : vector<16xi32>
      tpu.vector_store_idx %arg18[%and3A_549], %broadcast_in_dim3A_69 {add = true} : memref<2048xi32, #tpu.memory_space<vmem>>[vector<16xi32>], vector<16xi32>,
      %gather3A_550 = tpu.vector_load_idx %arg22[%and3A_498] : memref<2048xi32, #tpu.memory_space<vmem>>[vector<16xi32>], vector<16xi32>,
      %add3A_551 = arith.addi %gather3A_550, %unique3A_525 : vector<16xi32>
      tpu.vector_store_idx %arg20[%add3A_551], %or3A_509 : memref<8192xi32, #tpu.memory_space<vmem>>[vector<16xi32>], vector<16xi32>,
      tpu.vector_store_idx %arg22[%and3A_498], %broadcast_in_dim3A_69 {add = true} : memref<2048xi32, #tpu.memory_space<vmem>>[vector<16xi32>], vector<16xi32>,
      %shift_right_logical3A_552 = arith.constant 13 : i32
      %shift_right_logical3A_553 = vector.broadcast %shift_right_logical3A_552 : i32 to vector<16xi32>
      %shift_right_logical3A_554 = arith.shrui %or3A_509, %shift_right_logical3A_553 : vector<16xi32>
      %and3A_555 = arith.constant 2047 : i32
      %and3A_556 = vector.broadcast %and3A_555 : i32 to vector<16xi32>
      %and3A_557 = arith.andi %shift_right_logical3A_554, %and3A_556 : vector<16xi32>
      tpu.vector_store_idx %arg23[%and3A_557], %broadcast_in_dim3A_69 {add = true} : memref<2048xi32, #tpu.memory_space<vmem>>[vector<16xi32>], vector<16xi32>,
      %scan3A_558 = arith.constant 3 : i32
      %scan3A_559 = arith.addi %scan3A_188, %scan3A_558 : i32
      %mul3A_560 = arith.constant 16 : i32
      %mul3A_561 = arith.muli %scan3A_559, %mul3A_560 : i32
      %get3A_562 = arith.index_cast %mul3A_561 : i32 to index
      %get3A_563 = tpu.vector_load %arg4[%get3A_562] {strides = array<i32>} : memref<8192xf32, #tpu.memory_space<vmem>>, vector<16xf32>,
      %bitcast3A_564 = vector.bitcast %get3A_563 : vector<16xf32> to vector<16xi32>
      %and3A_565 = arith.constant 2047 : i32
      %and3A_566 = vector.broadcast %and3A_565 : i32 to vector<16xi32>
      %and3A_567 = arith.andi %bitcast3A_564, %and3A_566 : vector<16xi32>
      %shift_right_logical3A_568 = arith.constant 11 : i32
      %shift_right_logical3A_569 = vector.broadcast %shift_right_logical3A_568 : i32 to vector<16xi32>
      %shift_right_logical3A_570 = arith.shrui %bitcast3A_564, %shift_right_logical3A_569 : vector<16xi32>
      %shift_left3A_571 = arith.constant 13 : i32
      %shift_left3A_572 = vector.broadcast %shift_left3A_571 : i32 to vector<16xi32>
      %shift_left3A_573 = arith.shli %shift_right_logical3A_570, %shift_left3A_572 : vector<16xi32>
      %mul3A_574 = arith.constant 16 : i32
      %mul3A_575 = arith.muli %scan3A_559, %mul3A_574 : i32
      %add3A_576 = vector.broadcast %mul3A_575 : i32 to vector<16xi32>
      %add3A_577 = arith.addi %add3A_576, %iota3A : vector<16xi32>
      %or3A_578 = arith.ori %shift_left3A_573, %add3A_577 : vector<16xi32>
      %mul3A_579 = arith.constant 16 : i32
      %mul3A_580 = arith.muli %scan3A_559, %mul3A_579 : i32
      %get3A_581 = arith.index_cast %mul3A_580 : i32 to index
      %get3A_582 = tpu.vector_load %arg9[%get3A_581] {strides = array<i32>} : memref<8192xf32, #tpu.memory_space<vmem>>, vector<16xf32>,
      %bitcast3A_583 = vector.bitcast %get3A_582 : vector<16xf32> to vector<16xi32>
      %and3A_584 = arith.constant 2047 : i32
      %and3A_585 = vector.broadcast %and3A_584 : i32 to vector<16xi32>
      %and3A_586 = arith.andi %bitcast3A_583, %and3A_585 : vector<16xi32>
      %shift_right_logical3A_587 = arith.constant 11 : i32
      %shift_right_logical3A_588 = vector.broadcast %shift_right_logical3A_587 : i32 to vector<16xi32>
      %shift_right_logical3A_589 = arith.shrui %bitcast3A_583, %shift_right_logical3A_588 : vector<16xi32>
      %shift_left3A_590 = arith.constant 13 : i32
      %shift_left3A_591 = vector.broadcast %shift_left3A_590 : i32 to vector<16xi32>
      %shift_left3A_592 = arith.shli %shift_right_logical3A_589, %shift_left3A_591 : vector<16xi32>
      %mul3A_593 = arith.constant 16 : i32
      %mul3A_594 = arith.muli %scan3A_559, %mul3A_593 : i32
      %add3A_595 = vector.broadcast %mul3A_594 : i32 to vector<16xi32>
      %add3A_596 = arith.addi %add3A_595, %iota3A : vector<16xi32>
      %or3A_597 = arith.ori %shift_left3A_592, %add3A_596 : vector<16xi32>
      %mul3A_598 = arith.constant 16 : i32
      %mul3A_599 = arith.muli %scan3A_559, %mul3A_598 : i32
      %get3A_600 = arith.index_cast %mul3A_599 : i32 to index
      %get3A_601 = tpu.vector_load %arg14[%get3A_600] {strides = array<i32>} : memref<8192xf32, #tpu.memory_space<vmem>>, vector<16xf32>,
      %bitcast3A_602 = vector.bitcast %get3A_601 : vector<16xf32> to vector<16xi32>
      %and3A_603 = arith.constant 2047 : i32
      %and3A_604 = vector.broadcast %and3A_603 : i32 to vector<16xi32>
      %and3A_605 = arith.andi %bitcast3A_602, %and3A_604 : vector<16xi32>
      %shift_right_logical3A_606 = arith.constant 11 : i32
      %shift_right_logical3A_607 = vector.broadcast %shift_right_logical3A_606 : i32 to vector<16xi32>
      %shift_right_logical3A_608 = arith.shrui %bitcast3A_602, %shift_right_logical3A_607 : vector<16xi32>
      %shift_left3A_609 = arith.constant 13 : i32
      %shift_left3A_610 = vector.broadcast %shift_left3A_609 : i32 to vector<16xi32>
      %shift_left3A_611 = arith.shli %shift_right_logical3A_608, %shift_left3A_610 : vector<16xi32>
      %mul3A_612 = arith.constant 16 : i32
      %mul3A_613 = arith.muli %scan3A_559, %mul3A_612 : i32
      %add3A_614 = vector.broadcast %mul3A_613 : i32 to vector<16xi32>
      %add3A_615 = arith.addi %add3A_614, %iota3A : vector<16xi32>
      %or3A_616 = arith.ori %shift_left3A_611, %add3A_615 : vector<16xi32>
      %mul3A_617 = arith.constant 16 : i32
      %mul3A_618 = arith.muli %scan3A_559, %mul3A_617 : i32
      %get3A_619 = arith.index_cast %mul3A_618 : i32 to index
      %get3A_620 = tpu.vector_load %arg19[%get3A_619] {strides = array<i32>} : memref<8192xf32, #tpu.memory_space<vmem>>, vector<16xf32>,
      %bitcast3A_621 = vector.bitcast %get3A_620 : vector<16xf32> to vector<16xi32>
      %and3A_622 = arith.constant 2047 : i32
      %and3A_623 = vector.broadcast %and3A_622 : i32 to vector<16xi32>
      %and3A_624 = arith.andi %bitcast3A_621, %and3A_623 : vector<16xi32>
      %shift_right_logical3A_625 = arith.constant 11 : i32
      %shift_right_logical3A_626 = vector.broadcast %shift_right_logical3A_625 : i32 to vector<16xi32>
      %shift_right_logical3A_627 = arith.shrui %bitcast3A_621, %shift_right_logical3A_626 : vector<16xi32>
      %shift_left3A_628 = arith.constant 13 : i32
      %shift_left3A_629 = vector.broadcast %shift_left3A_628 : i32 to vector<16xi32>
      %shift_left3A_630 = arith.shli %shift_right_logical3A_627, %shift_left3A_629 : vector<16xi32>
      %mul3A_631 = arith.constant 16 : i32
      %mul3A_632 = arith.muli %scan3A_559, %mul3A_631 : i32
      %add3A_633 = vector.broadcast %mul3A_632 : i32 to vector<16xi32>
      %add3A_634 = arith.addi %add3A_633, %iota3A : vector<16xi32>
      %or3A_635 = arith.ori %shift_left3A_630, %add3A_634 : vector<16xi32>
      %broadcast_in_dim3A_636 = arith.constant true
      %broadcast_in_dim3A_637 = vector.broadcast %broadcast_in_dim3A_636 : i1 to vector<16xi1>
      %unique3A_638, %unique3A_639 = tpu.scan_count mask(%broadcast_in_dim3A_637 : vector<16xi1>) value(%and3A_567 : vector<16xi32>) : vector<16xi1>, vector<16xi32>
      %broadcast_in_dim3A_640 = arith.constant true
      %broadcast_in_dim3A_641 = vector.broadcast %broadcast_in_dim3A_640 : i1 to vector<16xi1>
      %unique3A_642, %unique3A_643 = tpu.scan_count mask(%broadcast_in_dim3A_641 : vector<16xi1>) value(%and3A_586 : vector<16xi32>) : vector<16xi1>, vector<16xi32>
      %broadcast_in_dim3A_644 = arith.constant true
      %broadcast_in_dim3A_645 = vector.broadcast %broadcast_in_dim3A_644 : i1 to vector<16xi1>
      %unique3A_646, %unique3A_647 = tpu.scan_count mask(%broadcast_in_dim3A_645 : vector<16xi1>) value(%and3A_605 : vector<16xi32>) : vector<16xi1>, vector<16xi32>
      %broadcast_in_dim3A_648 = arith.constant true
      %broadcast_in_dim3A_649 = vector.broadcast %broadcast_in_dim3A_648 : i1 to vector<16xi1>
      %unique3A_650, %unique3A_651 = tpu.scan_count mask(%broadcast_in_dim3A_649 : vector<16xi1>) value(%and3A_624 : vector<16xi32>) : vector<16xi1>, vector<16xi32>
      %gather3A_652 = tpu.vector_load_idx %arg7[%and3A_567] : memref<2048xi32, #tpu.memory_space<vmem>>[vector<16xi32>], vector<16xi32>,
      %add3A_653 = arith.addi %gather3A_652, %unique3A_639 : vector<16xi32>
      tpu.vector_store_idx %arg5[%add3A_653], %or3A_578 : memref<8192xi32, #tpu.memory_space<vmem>>[vector<16xi32>], vector<16xi32>,
      tpu.vector_store_idx %arg7[%and3A_567], %broadcast_in_dim3A_69 {add = true} : memref<2048xi32, #tpu.memory_space<vmem>>[vector<16xi32>], vector<16xi32>,
      %shift_right_logical3A_654 = arith.constant 13 : i32
      %shift_right_logical3A_655 = vector.broadcast %shift_right_logical3A_654 : i32 to vector<16xi32>
      %shift_right_logical3A_656 = arith.shrui %or3A_578, %shift_right_logical3A_655 : vector<16xi32>
      %and3A_657 = arith.constant 2047 : i32
      %and3A_658 = vector.broadcast %and3A_657 : i32 to vector<16xi32>
      %and3A_659 = arith.andi %shift_right_logical3A_656, %and3A_658 : vector<16xi32>
      tpu.vector_store_idx %arg8[%and3A_659], %broadcast_in_dim3A_69 {add = true} : memref<2048xi32, #tpu.memory_space<vmem>>[vector<16xi32>], vector<16xi32>,
      %gather3A_660 = tpu.vector_load_idx %arg12[%and3A_586] : memref<2048xi32, #tpu.memory_space<vmem>>[vector<16xi32>], vector<16xi32>,
      %add3A_661 = arith.addi %gather3A_660, %unique3A_643 : vector<16xi32>
      tpu.vector_store_idx %arg10[%add3A_661], %or3A_597 : memref<8192xi32, #tpu.memory_space<vmem>>[vector<16xi32>], vector<16xi32>,
      tpu.vector_store_idx %arg12[%and3A_586], %broadcast_in_dim3A_69 {add = true} : memref<2048xi32, #tpu.memory_space<vmem>>[vector<16xi32>], vector<16xi32>,
      %shift_right_logical3A_662 = arith.constant 13 : i32
      %shift_right_logical3A_663 = vector.broadcast %shift_right_logical3A_662 : i32 to vector<16xi32>
      %shift_right_logical3A_664 = arith.shrui %or3A_597, %shift_right_logical3A_663 : vector<16xi32>
      %and3A_665 = arith.constant 2047 : i32
      %and3A_666 = vector.broadcast %and3A_665 : i32 to vector<16xi32>
      %and3A_667 = arith.andi %shift_right_logical3A_664, %and3A_666 : vector<16xi32>
      tpu.vector_store_idx %arg13[%and3A_667], %broadcast_in_dim3A_69 {add = true} : memref<2048xi32, #tpu.memory_space<vmem>>[vector<16xi32>], vector<16xi32>,
      %gather3A_668 = tpu.vector_load_idx %arg17[%and3A_605] : memref<2048xi32, #tpu.memory_space<vmem>>[vector<16xi32>], vector<16xi32>,
      %add3A_669 = arith.addi %gather3A_668, %unique3A_647 : vector<16xi32>
      tpu.vector_store_idx %arg15[%add3A_669], %or3A_616 : memref<8192xi32, #tpu.memory_space<vmem>>[vector<16xi32>], vector<16xi32>,
      tpu.vector_store_idx %arg17[%and3A_605], %broadcast_in_dim3A_69 {add = true} : memref<2048xi32, #tpu.memory_space<vmem>>[vector<16xi32>], vector<16xi32>,
      %shift_right_logical3A_670 = arith.constant 13 : i32
      %shift_right_logical3A_671 = vector.broadcast %shift_right_logical3A_670 : i32 to vector<16xi32>
      %shift_right_logical3A_672 = arith.shrui %or3A_616, %shift_right_logical3A_671 : vector<16xi32>
      %and3A_673 = arith.constant 2047 : i32
      %and3A_674 = vector.broadcast %and3A_673 : i32 to vector<16xi32>
      %and3A_675 = arith.andi %shift_right_logical3A_672, %and3A_674 : vector<16xi32>
      tpu.vector_store_idx %arg18[%and3A_675], %broadcast_in_dim3A_69 {add = true} : memref<2048xi32, #tpu.memory_space<vmem>>[vector<16xi32>], vector<16xi32>,
      %gather3A_676 = tpu.vector_load_idx %arg22[%and3A_624] : memref<2048xi32, #tpu.memory_space<vmem>>[vector<16xi32>], vector<16xi32>,
      %add3A_677 = arith.addi %gather3A_676, %unique3A_651 : vector<16xi32>
      tpu.vector_store_idx %arg20[%add3A_677], %or3A_635 : memref<8192xi32, #tpu.memory_space<vmem>>[vector<16xi32>], vector<16xi32>,
      tpu.vector_store_idx %arg22[%and3A_624], %broadcast_in_dim3A_69 {add = true} : memref<2048xi32, #tpu.memory_space<vmem>>[vector<16xi32>], vector<16xi32>,
      %shift_right_logical3A_678 = arith.constant 13 : i32
      %shift_right_logical3A_679 = vector.broadcast %shift_right_logical3A_678 : i32 to vector<16xi32>
      %shift_right_logical3A_680 = arith.shrui %or3A_635, %shift_right_logical3A_679 : vector<16xi32>
      %and3A_681 = arith.constant 2047 : i32
      %and3A_682 = vector.broadcast %and3A_681 : i32 to vector<16xi32>
      %and3A_683 = arith.andi %shift_right_logical3A_680, %and3A_682 : vector<16xi32>
      tpu.vector_store_idx %arg23[%and3A_683], %broadcast_in_dim3A_69 {add = true} : memref<2048xi32, #tpu.memory_space<vmem>>[vector<16xi32>], vector<16xi32>,
    }
    %scan3A_97 = arith.constant 512 : i32
    %sub3A_98 = arith.constant 0 : i32
    %sub3A_99 = arith.subi %sub3A_98, %reduce_min3A_13 : i32
    %scan3A_100 = arith.constant 0 : i32
    %scan3A_101 = arith.constant 128 : i32
    %scan3A_102 = arith.addi %scan3A_100, %scan3A_101 : i32
    %scan3A_103 = arith.constant 1 : i32
    %scan3A_104:4 = scf.for %scan3A_188 = %scan3A_100 to %scan3A_102 step %scan3A_103 iter_args(%scan3A_189 = %sub3A_99, %scan3A_190 = %sub3A_99, %scan3A_191 = %sub3A_99, %scan3A_192 = %sub3A_99) -> (i32, i32, i32, i32)  : i32 {
      %mul3A_193 = arith.constant 16 : i32
      %mul3A_194 = arith.muli %scan3A_188, %mul3A_193 : i32
      %get3A = arith.index_cast %mul3A_194 : i32 to index
      %get3A_195 = tpu.vector_load %arg8[%get3A] {strides = array<i32>} : memref<2048xi32, #tpu.memory_space<vmem>>, vector<16xi32>,
      %broadcast_in_dim3A_196 = arith.constant true
      %broadcast_in_dim3A_197 = vector.broadcast %broadcast_in_dim3A_196 : i1 to vector<16xi1>
      %masked_cumsum3A = tpu.scan <sum>, %get3A_195 masked %broadcast_in_dim3A_197 : vector<16xi32>, vector<16xi1> -> vector<16xi32>
      %sub3A_198 = arith.subi %masked_cumsum3A, %get3A_195 : vector<16xi32>
      %add3A_199 = vector.broadcast %scan3A_189 : i32 to vector<16xi32>
      %add3A_200 = arith.addi %sub3A_198, %add3A_199 : vector<16xi32>
      %mul3A_201 = arith.constant 16 : i32
      %mul3A_202 = arith.muli %scan3A_188, %mul3A_201 : i32
      %swap3A = arith.index_cast %mul3A_202 : i32 to index
      %swap3A_203 = tpu.vector_load %arg8[%swap3A] {strides = array<i32>} : memref<2048xi32, #tpu.memory_space<vmem>>, vector<16xi32>,
      tpu.vector_store %arg8[%swap3A], %add3A_200 {strides = array<i32>} : memref<2048xi32, #tpu.memory_space<vmem>>, vector<16xi32>,
      %reduce_max3A = arith.constant true
      %reduce_max3A_204 = vector.broadcast %reduce_max3A : i1 to vector<16xi1>
      %reduce_max3A_205 = arith.constant -2147483648 : i32
      %reduce_max3A_206 = vector.broadcast %reduce_max3A_205 : i32 to vector<16xi32>
      %reduce_max3A_207 = arith.xori %masked_cumsum3A, %reduce_max3A_206 : vector<16xi32>
      %reduce_max3A_208 = tpu.scan <max>, %reduce_max3A_207 masked %reduce_max3A_204 : vector<16xi32>, vector<16xi1> -> vector<16xi32>
      %reduce_max3A_209 = arith.xori %reduce_max3A_208, %reduce_max3A_206 : vector<16xi32>
      %reduce_max3A_210 = vector.extract %reduce_max3A_209[15] : i32 from vector<16xi32>
      %add3A_211 = arith.addi %scan3A_189, %reduce_max3A_210 : i32
      %mul3A_212 = arith.constant 16 : i32
      %mul3A_213 = arith.muli %scan3A_188, %mul3A_212 : i32
      %get3A_214 = arith.index_cast %mul3A_213 : i32 to index
      %get3A_215 = tpu.vector_load %arg13[%get3A_214] {strides = array<i32>} : memref<2048xi32, #tpu.memory_space<vmem>>, vector<16xi32>,
      %broadcast_in_dim3A_216 = arith.constant true
      %broadcast_in_dim3A_217 = vector.broadcast %broadcast_in_dim3A_216 : i1 to vector<16xi1>
      %masked_cumsum3A_218 = tpu.scan <sum>, %get3A_215 masked %broadcast_in_dim3A_217 : vector<16xi32>, vector<16xi1> -> vector<16xi32>
      %sub3A_219 = arith.subi %masked_cumsum3A_218, %get3A_215 : vector<16xi32>
      %add3A_220 = vector.broadcast %scan3A_190 : i32 to vector<16xi32>
      %add3A_221 = arith.addi %sub3A_219, %add3A_220 : vector<16xi32>
      %mul3A_222 = arith.constant 16 : i32
      %mul3A_223 = arith.muli %scan3A_188, %mul3A_222 : i32
      %swap3A_224 = arith.index_cast %mul3A_223 : i32 to index
      %swap3A_225 = tpu.vector_load %arg13[%swap3A_224] {strides = array<i32>} : memref<2048xi32, #tpu.memory_space<vmem>>, vector<16xi32>,
      tpu.vector_store %arg13[%swap3A_224], %add3A_221 {strides = array<i32>} : memref<2048xi32, #tpu.memory_space<vmem>>, vector<16xi32>,
      %reduce_max3A_226 = arith.constant true
      %reduce_max3A_227 = vector.broadcast %reduce_max3A_226 : i1 to vector<16xi1>
      %reduce_max3A_228 = arith.constant -2147483648 : i32
      %reduce_max3A_229 = vector.broadcast %reduce_max3A_228 : i32 to vector<16xi32>
      %reduce_max3A_230 = arith.xori %masked_cumsum3A_218, %reduce_max3A_229 : vector<16xi32>
      %reduce_max3A_231 = tpu.scan <max>, %reduce_max3A_230 masked %reduce_max3A_227 : vector<16xi32>, vector<16xi1> -> vector<16xi32>
      %reduce_max3A_232 = arith.xori %reduce_max3A_231, %reduce_max3A_229 : vector<16xi32>
      %reduce_max3A_233 = vector.extract %reduce_max3A_232[15] : i32 from vector<16xi32>
      %add3A_234 = arith.addi %scan3A_190, %reduce_max3A_233 : i32
      %mul3A_235 = arith.constant 16 : i32
      %mul3A_236 = arith.muli %scan3A_188, %mul3A_235 : i32
      %get3A_237 = arith.index_cast %mul3A_236 : i32 to index
      %get3A_238 = tpu.vector_load %arg18[%get3A_237] {strides = array<i32>} : memref<2048xi32, #tpu.memory_space<vmem>>, vector<16xi32>,
      %broadcast_in_dim3A_239 = arith.constant true
      %broadcast_in_dim3A_240 = vector.broadcast %broadcast_in_dim3A_239 : i1 to vector<16xi1>
      %masked_cumsum3A_241 = tpu.scan <sum>, %get3A_238 masked %broadcast_in_dim3A_240 : vector<16xi32>, vector<16xi1> -> vector<16xi32>
      %sub3A_242 = arith.subi %masked_cumsum3A_241, %get3A_238 : vector<16xi32>
      %add3A_243 = vector.broadcast %scan3A_191 : i32 to vector<16xi32>
      %add3A_244 = arith.addi %sub3A_242, %add3A_243 : vector<16xi32>
      %mul3A_245 = arith.constant 16 : i32
      %mul3A_246 = arith.muli %scan3A_188, %mul3A_245 : i32
      %swap3A_247 = arith.index_cast %mul3A_246 : i32 to index
      %swap3A_248 = tpu.vector_load %arg18[%swap3A_247] {strides = array<i32>} : memref<2048xi32, #tpu.memory_space<vmem>>, vector<16xi32>,
      tpu.vector_store %arg18[%swap3A_247], %add3A_244 {strides = array<i32>} : memref<2048xi32, #tpu.memory_space<vmem>>, vector<16xi32>,
      %reduce_max3A_249 = arith.constant true
      %reduce_max3A_250 = vector.broadcast %reduce_max3A_249 : i1 to vector<16xi1>
      %reduce_max3A_251 = arith.constant -2147483648 : i32
      %reduce_max3A_252 = vector.broadcast %reduce_max3A_251 : i32 to vector<16xi32>
      %reduce_max3A_253 = arith.xori %masked_cumsum3A_241, %reduce_max3A_252 : vector<16xi32>
      %reduce_max3A_254 = tpu.scan <max>, %reduce_max3A_253 masked %reduce_max3A_250 : vector<16xi32>, vector<16xi1> -> vector<16xi32>
      %reduce_max3A_255 = arith.xori %reduce_max3A_254, %reduce_max3A_252 : vector<16xi32>
      %reduce_max3A_256 = vector.extract %reduce_max3A_255[15] : i32 from vector<16xi32>
      %add3A_257 = arith.addi %scan3A_191, %reduce_max3A_256 : i32
      %mul3A_258 = arith.constant 16 : i32
      %mul3A_259 = arith.muli %scan3A_188, %mul3A_258 : i32
      %get3A_260 = arith.index_cast %mul3A_259 : i32 to index
      %get3A_261 = tpu.vector_load %arg23[%get3A_260] {strides = array<i32>} : memref<2048xi32, #tpu.memory_space<vmem>>, vector<16xi32>,
      %broadcast_in_dim3A_262 = arith.constant true
      %broadcast_in_dim3A_263 = vector.broadcast %broadcast_in_dim3A_262 : i1 to vector<16xi1>
      %masked_cumsum3A_264 = tpu.scan <sum>, %get3A_261 masked %broadcast_in_dim3A_263 : vector<16xi32>, vector<16xi1> -> vector<16xi32>
      %sub3A_265 = arith.subi %masked_cumsum3A_264, %get3A_261 : vector<16xi32>
      %add3A_266 = vector.broadcast %scan3A_192 : i32 to vector<16xi32>
      %add3A_267 = arith.addi %sub3A_265, %add3A_266 : vector<16xi32>
      %mul3A_268 = arith.constant 16 : i32
      %mul3A_269 = arith.muli %scan3A_188, %mul3A_268 : i32
      %swap3A_270 = arith.index_cast %mul3A_269 : i32 to index
      %swap3A_271 = tpu.vector_load %arg23[%swap3A_270] {strides = array<i32>} : memref<2048xi32, #tpu.memory_space<vmem>>, vector<16xi32>,
      tpu.vector_store %arg23[%swap3A_270], %add3A_267 {strides = array<i32>} : memref<2048xi32, #tpu.memory_space<vmem>>, vector<16xi32>,
      %reduce_max3A_272 = arith.constant true
      %reduce_max3A_273 = vector.broadcast %reduce_max3A_272 : i1 to vector<16xi1>
      %reduce_max3A_274 = arith.constant -2147483648 : i32
      %reduce_max3A_275 = vector.broadcast %reduce_max3A_274 : i32 to vector<16xi32>
      %reduce_max3A_276 = arith.xori %masked_cumsum3A_264, %reduce_max3A_275 : vector<16xi32>
      %reduce_max3A_277 = tpu.scan <max>, %reduce_max3A_276 masked %reduce_max3A_273 : vector<16xi32>, vector<16xi1> -> vector<16xi32>
      %reduce_max3A_278 = arith.xori %reduce_max3A_277, %reduce_max3A_275 : vector<16xi32>
      %reduce_max3A_279 = vector.extract %reduce_max3A_278[15] : i32 from vector<16xi32>
      %add3A_280 = arith.addi %scan3A_192, %reduce_max3A_279 : i32
      scf.yield %add3A_211, %add3A_234, %add3A_257, %add3A_280 : i32, i32, i32, i32
    }
    %scan3A_105 = arith.constant 128 : i32
    %scan3A_106 = arith.constant 0 : i32
    %scan3A_107 = arith.constant 0 : i32
    %scan3A_108 = arith.constant 16 : i32
    %scan3A_109 = arith.addi %scan3A_107, %scan3A_108 : i32
    %scan3A_110 = arith.constant 4 : i32
    scf.for %scan3A_188 = %scan3A_107 to %scan3A_109 step %scan3A_110  : i32 {
      %mul3A_189 = arith.constant 16 : i32
      %mul3A_190 = arith.muli %scan3A_188, %mul3A_189 : i32
      %swap3A = arith.index_cast %mul3A_190 : i32 to index
      %swap3A_191 = tpu.vector_load %arg7[%swap3A] {strides = array<i32>} : memref<2048xi32, #tpu.memory_space<vmem>>, vector<16xi32>,
      tpu.vector_store %arg7[%swap3A], %broadcast_in_dim3A_71 {strides = array<i32>} : memref<2048xi32, #tpu.memory_space<vmem>>, vector<16xi32>,
      %mul3A_192 = arith.constant 16 : i32
      %mul3A_193 = arith.muli %scan3A_188, %mul3A_192 : i32
      %swap3A_194 = arith.index_cast %mul3A_193 : i32 to index
      %swap3A_195 = tpu.vector_load %arg12[%swap3A_194] {strides = array<i32>} : memref<2048xi32, #tpu.memory_space<vmem>>, vector<16xi32>,
      tpu.vector_store %arg12[%swap3A_194], %broadcast_in_dim3A_71 {strides = array<i32>} : memref<2048xi32, #tpu.memory_space<vmem>>, vector<16xi32>,
      %mul3A_196 = arith.constant 16 : i32
      %mul3A_197 = arith.muli %scan3A_188, %mul3A_196 : i32
      %swap3A_198 = arith.index_cast %mul3A_197 : i32 to index
      %swap3A_199 = tpu.vector_load %arg17[%swap3A_198] {strides = array<i32>} : memref<2048xi32, #tpu.memory_space<vmem>>, vector<16xi32>,
      tpu.vector_store %arg17[%swap3A_198], %broadcast_in_dim3A_71 {strides = array<i32>} : memref<2048xi32, #tpu.memory_space<vmem>>, vector<16xi32>,
      %mul3A_200 = arith.constant 16 : i32
      %mul3A_201 = arith.muli %scan3A_188, %mul3A_200 : i32
      %swap3A_202 = arith.index_cast %mul3A_201 : i32 to index
      %swap3A_203 = tpu.vector_load %arg22[%swap3A_202] {strides = array<i32>} : memref<2048xi32, #tpu.memory_space<vmem>>, vector<16xi32>,
      tpu.vector_store %arg22[%swap3A_202], %broadcast_in_dim3A_71 {strides = array<i32>} : memref<2048xi32, #tpu.memory_space<vmem>>, vector<16xi32>,
      %scan3A_204 = arith.constant 1 : i32
      %scan3A_205 = arith.addi %scan3A_188, %scan3A_204 : i32
      %mul3A_206 = arith.constant 16 : i32
      %mul3A_207 = arith.muli %scan3A_205, %mul3A_206 : i32
      %swap3A_208 = arith.index_cast %mul3A_207 : i32 to index
      %swap3A_209 = tpu.vector_load %arg7[%swap3A_208] {strides = array<i32>} : memref<2048xi32, #tpu.memory_space<vmem>>, vector<16xi32>,
      tpu.vector_store %arg7[%swap3A_208], %broadcast_in_dim3A_71 {strides = array<i32>} : memref<2048xi32, #tpu.memory_space<vmem>>, vector<16xi32>,
      %mul3A_210 = arith.constant 16 : i32
      %mul3A_211 = arith.muli %scan3A_205, %mul3A_210 : i32
      %swap3A_212 = arith.index_cast %mul3A_211 : i32 to index
      %swap3A_213 = tpu.vector_load %arg12[%swap3A_212] {strides = array<i32>} : memref<2048xi32, #tpu.memory_space<vmem>>, vector<16xi32>,
      tpu.vector_store %arg12[%swap3A_212], %broadcast_in_dim3A_71 {strides = array<i32>} : memref<2048xi32, #tpu.memory_space<vmem>>, vector<16xi32>,
      %mul3A_214 = arith.constant 16 : i32
      %mul3A_215 = arith.muli %scan3A_205, %mul3A_214 : i32
      %swap3A_216 = arith.index_cast %mul3A_215 : i32 to index
      %swap3A_217 = tpu.vector_load %arg17[%swap3A_216] {strides = array<i32>} : memref<2048xi32, #tpu.memory_space<vmem>>, vector<16xi32>,
      tpu.vector_store %arg17[%swap3A_216], %broadcast_in_dim3A_71 {strides = array<i32>} : memref<2048xi32, #tpu.memory_space<vmem>>, vector<16xi32>,
      %mul3A_218 = arith.constant 16 : i32
      %mul3A_219 = arith.muli %scan3A_205, %mul3A_218 : i32
      %swap3A_220 = arith.index_cast %mul3A_219 : i32 to index
      %swap3A_221 = tpu.vector_load %arg22[%swap3A_220] {strides = array<i32>} : memref<2048xi32, #tpu.memory_space<vmem>>, vector<16xi32>,
      tpu.vector_store %arg22[%swap3A_220], %broadcast_in_dim3A_71 {strides = array<i32>} : memref<2048xi32, #tpu.memory_space<vmem>>, vector<16xi32>,
      %scan3A_222 = arith.constant 2 : i32
      %scan3A_223 = arith.addi %scan3A_188, %scan3A_222 : i32
      %mul3A_224 = arith.constant 16 : i32
      %mul3A_225 = arith.muli %scan3A_223, %mul3A_224 : i32
      %swap3A_226 = arith.index_cast %mul3A_225 : i32 to index
      %swap3A_227 = tpu.vector_load %arg7[%swap3A_226] {strides = array<i32>} : memref<2048xi32, #tpu.memory_space<vmem>>, vector<16xi32>,
      tpu.vector_store %arg7[%swap3A_226], %broadcast_in_dim3A_71 {strides = array<i32>} : memref<2048xi32, #tpu.memory_space<vmem>>, vector<16xi32>,
      %mul3A_228 = arith.constant 16 : i32
      %mul3A_229 = arith.muli %scan3A_223, %mul3A_228 : i32
      %swap3A_230 = arith.index_cast %mul3A_229 : i32 to index
      %swap3A_231 = tpu.vector_load %arg12[%swap3A_230] {strides = array<i32>} : memref<2048xi32, #tpu.memory_space<vmem>>, vector<16xi32>,
      tpu.vector_store %arg12[%swap3A_230], %broadcast_in_dim3A_71 {strides = array<i32>} : memref<2048xi32, #tpu.memory_space<vmem>>, vector<16xi32>,
      %mul3A_232 = arith.constant 16 : i32
      %mul3A_233 = arith.muli %scan3A_223, %mul3A_232 : i32
      %swap3A_234 = arith.index_cast %mul3A_233 : i32 to index
      %swap3A_235 = tpu.vector_load %arg17[%swap3A_234] {strides = array<i32>} : memref<2048xi32, #tpu.memory_space<vmem>>, vector<16xi32>,
      tpu.vector_store %arg17[%swap3A_234], %broadcast_in_dim3A_71 {strides = array<i32>} : memref<2048xi32, #tpu.memory_space<vmem>>, vector<16xi32>,
      %mul3A_236 = arith.constant 16 : i32
      %mul3A_237 = arith.muli %scan3A_223, %mul3A_236 : i32
      %swap3A_238 = arith.index_cast %mul3A_237 : i32 to index
      %swap3A_239 = tpu.vector_load %arg22[%swap3A_238] {strides = array<i32>} : memref<2048xi32, #tpu.memory_space<vmem>>, vector<16xi32>,
      tpu.vector_store %arg22[%swap3A_238], %broadcast_in_dim3A_71 {strides = array<i32>} : memref<2048xi32, #tpu.memory_space<vmem>>, vector<16xi32>,
      %scan3A_240 = arith.constant 3 : i32
      %scan3A_241 = arith.addi %scan3A_188, %scan3A_240 : i32
      %mul3A_242 = arith.constant 16 : i32
      %mul3A_243 = arith.muli %scan3A_241, %mul3A_242 : i32
      %swap3A_244 = arith.index_cast %mul3A_243 : i32 to index
      %swap3A_245 = tpu.vector_load %arg7[%swap3A_244] {strides = array<i32>} : memref<2048xi32, #tpu.memory_space<vmem>>, vector<16xi32>,
      tpu.vector_store %arg7[%swap3A_244], %broadcast_in_dim3A_71 {strides = array<i32>} : memref<2048xi32, #tpu.memory_space<vmem>>, vector<16xi32>,
      %mul3A_246 = arith.constant 16 : i32
      %mul3A_247 = arith.muli %scan3A_241, %mul3A_246 : i32
      %swap3A_248 = arith.index_cast %mul3A_247 : i32 to index
      %swap3A_249 = tpu.vector_load %arg12[%swap3A_248] {strides = array<i32>} : memref<2048xi32, #tpu.memory_space<vmem>>, vector<16xi32>,
      tpu.vector_store %arg12[%swap3A_248], %broadcast_in_dim3A_71 {strides = array<i32>} : memref<2048xi32, #tpu.memory_space<vmem>>, vector<16xi32>,
      %mul3A_250 = arith.constant 16 : i32
      %mul3A_251 = arith.muli %scan3A_241, %mul3A_250 : i32
      %swap3A_252 = arith.index_cast %mul3A_251 : i32 to index
      %swap3A_253 = tpu.vector_load %arg17[%swap3A_252] {strides = array<i32>} : memref<2048xi32, #tpu.memory_space<vmem>>, vector<16xi32>,
      tpu.vector_store %arg17[%swap3A_252], %broadcast_in_dim3A_71 {strides = array<i32>} : memref<2048xi32, #tpu.memory_space<vmem>>, vector<16xi32>,
      %mul3A_254 = arith.constant 16 : i32
      %mul3A_255 = arith.muli %scan3A_241, %mul3A_254 : i32
      %swap3A_256 = arith.index_cast %mul3A_255 : i32 to index
      %swap3A_257 = tpu.vector_load %arg22[%swap3A_256] {strides = array<i32>} : memref<2048xi32, #tpu.memory_space<vmem>>, vector<16xi32>,
      tpu.vector_store %arg22[%swap3A_256], %broadcast_in_dim3A_71 {strides = array<i32>} : memref<2048xi32, #tpu.memory_space<vmem>>, vector<16xi32>,
    }
    %scan3A_111 = arith.constant 16 : i32
    %scan3A_112 = arith.constant 0 : i32
    %scan3A_113 = arith.constant 0 : i32
    %scan3A_114 = arith.constant 512 : i32
    %scan3A_115 = arith.addi %scan3A_113, %scan3A_114 : i32
    %scan3A_116 = arith.constant 4 : i32
    scf.for %scan3A_188 = %scan3A_113 to %scan3A_115 step %scan3A_116  : i32 {
      %mul3A_189 = arith.constant 16 : i32
      %mul3A_190 = arith.muli %scan3A_188, %mul3A_189 : i32
      %get3A = arith.index_cast %mul3A_190 : i32 to index
      %get3A_191 = tpu.vector_load %arg5[%get3A] {strides = array<i32>} : memref<8192xi32, #tpu.memory_space<vmem>>, vector<16xi32>,
      %mul3A_192 = arith.constant 16 : i32
      %mul3A_193 = arith.muli %scan3A_188, %mul3A_192 : i32
      %get3A_194 = arith.index_cast %mul3A_193 : i32 to index
      %get3A_195 = tpu.vector_load %arg10[%get3A_194] {strides = array<i32>} : memref<8192xi32, #tpu.memory_space<vmem>>, vector<16xi32>,
      %mul3A_196 = arith.constant 16 : i32
      %mul3A_197 = arith.muli %scan3A_188, %mul3A_196 : i32
      %get3A_198 = arith.index_cast %mul3A_197 : i32 to index
      %get3A_199 = tpu.vector_load %arg15[%get3A_198] {strides = array<i32>} : memref<8192xi32, #tpu.memory_space<vmem>>, vector<16xi32>,
      %mul3A_200 = arith.constant 16 : i32
      %mul3A_201 = arith.muli %scan3A_188, %mul3A_200 : i32
      %get3A_202 = arith.index_cast %mul3A_201 : i32 to index
      %get3A_203 = tpu.vector_load %arg20[%get3A_202] {strides = array<i32>} : memref<8192xi32, #tpu.memory_space<vmem>>, vector<16xi32>,
      %shift_right_logical3A = arith.constant 13 : i32
      %shift_right_logical3A_204 = vector.broadcast %shift_right_logical3A : i32 to vector<16xi32>
      %shift_right_logical3A_205 = arith.shrui %get3A_191, %shift_right_logical3A_204 : vector<16xi32>
      %and3A = arith.constant 2047 : i32
      %and3A_206 = vector.broadcast %and3A : i32 to vector<16xi32>
      %and3A_207 = arith.andi %shift_right_logical3A_205, %and3A_206 : vector<16xi32>
      %shift_right_logical3A_208 = arith.constant 13 : i32
      %shift_right_logical3A_209 = vector.broadcast %shift_right_logical3A_208 : i32 to vector<16xi32>
      %shift_right_logical3A_210 = arith.shrui %get3A_195, %shift_right_logical3A_209 : vector<16xi32>
      %and3A_211 = arith.constant 2047 : i32
      %and3A_212 = vector.broadcast %and3A_211 : i32 to vector<16xi32>
      %and3A_213 = arith.andi %shift_right_logical3A_210, %and3A_212 : vector<16xi32>
      %shift_right_logical3A_214 = arith.constant 13 : i32
      %shift_right_logical3A_215 = vector.broadcast %shift_right_logical3A_214 : i32 to vector<16xi32>
      %shift_right_logical3A_216 = arith.shrui %get3A_199, %shift_right_logical3A_215 : vector<16xi32>
      %and3A_217 = arith.constant 2047 : i32
      %and3A_218 = vector.broadcast %and3A_217 : i32 to vector<16xi32>
      %and3A_219 = arith.andi %shift_right_logical3A_216, %and3A_218 : vector<16xi32>
      %shift_right_logical3A_220 = arith.constant 13 : i32
      %shift_right_logical3A_221 = vector.broadcast %shift_right_logical3A_220 : i32 to vector<16xi32>
      %shift_right_logical3A_222 = arith.shrui %get3A_203, %shift_right_logical3A_221 : vector<16xi32>
      %and3A_223 = arith.constant 2047 : i32
      %and3A_224 = vector.broadcast %and3A_223 : i32 to vector<16xi32>
      %and3A_225 = arith.andi %shift_right_logical3A_222, %and3A_224 : vector<16xi32>
      %broadcast_in_dim3A_226 = arith.constant true
      %broadcast_in_dim3A_227 = vector.broadcast %broadcast_in_dim3A_226 : i1 to vector<16xi1>
      %unique3A_228, %unique3A_229 = tpu.scan_count mask(%broadcast_in_dim3A_227 : vector<16xi1>) value(%and3A_207 : vector<16xi32>) : vector<16xi1>, vector<16xi32>
      %broadcast_in_dim3A_230 = arith.constant true
      %broadcast_in_dim3A_231 = vector.broadcast %broadcast_in_dim3A_230 : i1 to vector<16xi1>
      %unique3A_232, %unique3A_233 = tpu.scan_count mask(%broadcast_in_dim3A_231 : vector<16xi1>) value(%and3A_213 : vector<16xi32>) : vector<16xi1>, vector<16xi32>
      %broadcast_in_dim3A_234 = arith.constant true
      %broadcast_in_dim3A_235 = vector.broadcast %broadcast_in_dim3A_234 : i1 to vector<16xi1>
      %unique3A_236, %unique3A_237 = tpu.scan_count mask(%broadcast_in_dim3A_235 : vector<16xi1>) value(%and3A_219 : vector<16xi32>) : vector<16xi1>, vector<16xi32>
      %broadcast_in_dim3A_238 = arith.constant true
      %broadcast_in_dim3A_239 = vector.broadcast %broadcast_in_dim3A_238 : i1 to vector<16xi1>
      %unique3A_240, %unique3A_241 = tpu.scan_count mask(%broadcast_in_dim3A_239 : vector<16xi1>) value(%and3A_225 : vector<16xi32>) : vector<16xi1>, vector<16xi32>
      %gather3A = tpu.vector_load_idx %arg8[%and3A_207] : memref<2048xi32, #tpu.memory_space<vmem>>[vector<16xi32>], vector<16xi32>,
      %add3A_242 = arith.addi %gather3A, %unique3A_229 : vector<16xi32>
      tpu.vector_store_idx %arg6[%add3A_242], %get3A_191 : memref<8192xi32, #tpu.memory_space<vmem>>[vector<16xi32>], vector<16xi32>,
      tpu.vector_store_idx %arg8[%and3A_207], %broadcast_in_dim3A_69 {add = true} : memref<2048xi32, #tpu.memory_space<vmem>>[vector<16xi32>], vector<16xi32>,
      %shift_right_logical3A_243 = arith.constant 24 : i32
      %shift_right_logical3A_244 = vector.broadcast %shift_right_logical3A_243 : i32 to vector<16xi32>
      %shift_right_logical3A_245 = arith.shrui %get3A_191, %shift_right_logical3A_244 : vector<16xi32>
      tpu.vector_store_idx %arg7[%shift_right_logical3A_245], %broadcast_in_dim3A_69 {add = true} : memref<2048xi32, #tpu.memory_space<vmem>>[vector<16xi32>], vector<16xi32>,
      %gather3A_246 = tpu.vector_load_idx %arg13[%and3A_213] : memref<2048xi32, #tpu.memory_space<vmem>>[vector<16xi32>], vector<16xi32>,
      %add3A_247 = arith.addi %gather3A_246, %unique3A_233 : vector<16xi32>
      tpu.vector_store_idx %arg11[%add3A_247], %get3A_195 : memref<8192xi32, #tpu.memory_space<vmem>>[vector<16xi32>], vector<16xi32>,
      tpu.vector_store_idx %arg13[%and3A_213], %broadcast_in_dim3A_69 {add = true} : memref<2048xi32, #tpu.memory_space<vmem>>[vector<16xi32>], vector<16xi32>,
      %shift_right_logical3A_248 = arith.constant 24 : i32
      %shift_right_logical3A_249 = vector.broadcast %shift_right_logical3A_248 : i32 to vector<16xi32>
      %shift_right_logical3A_250 = arith.shrui %get3A_195, %shift_right_logical3A_249 : vector<16xi32>
      tpu.vector_store_idx %arg12[%shift_right_logical3A_250], %broadcast_in_dim3A_69 {add = true} : memref<2048xi32, #tpu.memory_space<vmem>>[vector<16xi32>], vector<16xi32>,
      %gather3A_251 = tpu.vector_load_idx %arg18[%and3A_219] : memref<2048xi32, #tpu.memory_space<vmem>>[vector<16xi32>], vector<16xi32>,
      %add3A_252 = arith.addi %gather3A_251, %unique3A_237 : vector<16xi32>
      tpu.vector_store_idx %arg16[%add3A_252], %get3A_199 : memref<8192xi32, #tpu.memory_space<vmem>>[vector<16xi32>], vector<16xi32>,
      tpu.vector_store_idx %arg18[%and3A_219], %broadcast_in_dim3A_69 {add = true} : memref<2048xi32, #tpu.memory_space<vmem>>[vector<16xi32>], vector<16xi32>,
      %shift_right_logical3A_253 = arith.constant 24 : i32
      %shift_right_logical3A_254 = vector.broadcast %shift_right_logical3A_253 : i32 to vector<16xi32>
      %shift_right_logical3A_255 = arith.shrui %get3A_199, %shift_right_logical3A_254 : vector<16xi32>
      tpu.vector_store_idx %arg17[%shift_right_logical3A_255], %broadcast_in_dim3A_69 {add = true} : memref<2048xi32, #tpu.memory_space<vmem>>[vector<16xi32>], vector<16xi32>,
      %gather3A_256 = tpu.vector_load_idx %arg23[%and3A_225] : memref<2048xi32, #tpu.memory_space<vmem>>[vector<16xi32>], vector<16xi32>,
      %add3A_257 = arith.addi %gather3A_256, %unique3A_241 : vector<16xi32>
      tpu.vector_store_idx %arg21[%add3A_257], %get3A_203 : memref<8192xi32, #tpu.memory_space<vmem>>[vector<16xi32>], vector<16xi32>,
      tpu.vector_store_idx %arg23[%and3A_225], %broadcast_in_dim3A_69 {add = true} : memref<2048xi32, #tpu.memory_space<vmem>>[vector<16xi32>], vector<16xi32>,
      %shift_right_logical3A_258 = arith.constant 24 : i32
      %shift_right_logical3A_259 = vector.broadcast %shift_right_logical3A_258 : i32 to vector<16xi32>
      %shift_right_logical3A_260 = arith.shrui %get3A_203, %shift_right_logical3A_259 : vector<16xi32>
      tpu.vector_store_idx %arg22[%shift_right_logical3A_260], %broadcast_in_dim3A_69 {add = true} : memref<2048xi32, #tpu.memory_space<vmem>>[vector<16xi32>], vector<16xi32>,
      %scan3A_261 = arith.constant 1 : i32
      %scan3A_262 = arith.addi %scan3A_188, %scan3A_261 : i32
      %mul3A_263 = arith.constant 16 : i32
      %mul3A_264 = arith.muli %scan3A_262, %mul3A_263 : i32
      %get3A_265 = arith.index_cast %mul3A_264 : i32 to index
      %get3A_266 = tpu.vector_load %arg5[%get3A_265] {strides = array<i32>} : memref<8192xi32, #tpu.memory_space<vmem>>, vector<16xi32>,
      %mul3A_267 = arith.constant 16 : i32
      %mul3A_268 = arith.muli %scan3A_262, %mul3A_267 : i32
      %get3A_269 = arith.index_cast %mul3A_268 : i32 to index
      %get3A_270 = tpu.vector_load %arg10[%get3A_269] {strides = array<i32>} : memref<8192xi32, #tpu.memory_space<vmem>>, vector<16xi32>,
      %mul3A_271 = arith.constant 16 : i32
      %mul3A_272 = arith.muli %scan3A_262, %mul3A_271 : i32
      %get3A_273 = arith.index_cast %mul3A_272 : i32 to index
      %get3A_274 = tpu.vector_load %arg15[%get3A_273] {strides = array<i32>} : memref<8192xi32, #tpu.memory_space<vmem>>, vector<16xi32>,
      %mul3A_275 = arith.constant 16 : i32
      %mul3A_276 = arith.muli %scan3A_262, %mul3A_275 : i32
      %get3A_277 = arith.index_cast %mul3A_276 : i32 to index
      %get3A_278 = tpu.vector_load %arg20[%get3A_277] {strides = array<i32>} : memref<8192xi32, #tpu.memory_space<vmem>>, vector<16xi32>,
      %shift_right_logical3A_279 = arith.constant 13 : i32
      %shift_right_logical3A_280 = vector.broadcast %shift_right_logical3A_279 : i32 to vector<16xi32>
      %shift_right_logical3A_281 = arith.shrui %get3A_266, %shift_right_logical3A_280 : vector<16xi32>
      %and3A_282 = arith.constant 2047 : i32
      %and3A_283 = vector.broadcast %and3A_282 : i32 to vector<16xi32>
      %and3A_284 = arith.andi %shift_right_logical3A_281, %and3A_283 : vector<16xi32>
      %shift_right_logical3A_285 = arith.constant 13 : i32
      %shift_right_logical3A_286 = vector.broadcast %shift_right_logical3A_285 : i32 to vector<16xi32>
      %shift_right_logical3A_287 = arith.shrui %get3A_270, %shift_right_logical3A_286 : vector<16xi32>
      %and3A_288 = arith.constant 2047 : i32
      %and3A_289 = vector.broadcast %and3A_288 : i32 to vector<16xi32>
      %and3A_290 = arith.andi %shift_right_logical3A_287, %and3A_289 : vector<16xi32>
      %shift_right_logical3A_291 = arith.constant 13 : i32
      %shift_right_logical3A_292 = vector.broadcast %shift_right_logical3A_291 : i32 to vector<16xi32>
      %shift_right_logical3A_293 = arith.shrui %get3A_274, %shift_right_logical3A_292 : vector<16xi32>
      %and3A_294 = arith.constant 2047 : i32
      %and3A_295 = vector.broadcast %and3A_294 : i32 to vector<16xi32>
      %and3A_296 = arith.andi %shift_right_logical3A_293, %and3A_295 : vector<16xi32>
      %shift_right_logical3A_297 = arith.constant 13 : i32
      %shift_right_logical3A_298 = vector.broadcast %shift_right_logical3A_297 : i32 to vector<16xi32>
      %shift_right_logical3A_299 = arith.shrui %get3A_278, %shift_right_logical3A_298 : vector<16xi32>
      %and3A_300 = arith.constant 2047 : i32
      %and3A_301 = vector.broadcast %and3A_300 : i32 to vector<16xi32>
      %and3A_302 = arith.andi %shift_right_logical3A_299, %and3A_301 : vector<16xi32>
      %broadcast_in_dim3A_303 = arith.constant true
      %broadcast_in_dim3A_304 = vector.broadcast %broadcast_in_dim3A_303 : i1 to vector<16xi1>
      %unique3A_305, %unique3A_306 = tpu.scan_count mask(%broadcast_in_dim3A_304 : vector<16xi1>) value(%and3A_284 : vector<16xi32>) : vector<16xi1>, vector<16xi32>
      %broadcast_in_dim3A_307 = arith.constant true
      %broadcast_in_dim3A_308 = vector.broadcast %broadcast_in_dim3A_307 : i1 to vector<16xi1>
      %unique3A_309, %unique3A_310 = tpu.scan_count mask(%broadcast_in_dim3A_308 : vector<16xi1>) value(%and3A_290 : vector<16xi32>) : vector<16xi1>, vector<16xi32>
      %broadcast_in_dim3A_311 = arith.constant true
      %broadcast_in_dim3A_312 = vector.broadcast %broadcast_in_dim3A_311 : i1 to vector<16xi1>
      %unique3A_313, %unique3A_314 = tpu.scan_count mask(%broadcast_in_dim3A_312 : vector<16xi1>) value(%and3A_296 : vector<16xi32>) : vector<16xi1>, vector<16xi32>
      %broadcast_in_dim3A_315 = arith.constant true
      %broadcast_in_dim3A_316 = vector.broadcast %broadcast_in_dim3A_315 : i1 to vector<16xi1>
      %unique3A_317, %unique3A_318 = tpu.scan_count mask(%broadcast_in_dim3A_316 : vector<16xi1>) value(%and3A_302 : vector<16xi32>) : vector<16xi1>, vector<16xi32>
      %gather3A_319 = tpu.vector_load_idx %arg8[%and3A_284] : memref<2048xi32, #tpu.memory_space<vmem>>[vector<16xi32>], vector<16xi32>,
      %add3A_320 = arith.addi %gather3A_319, %unique3A_306 : vector<16xi32>
      tpu.vector_store_idx %arg6[%add3A_320], %get3A_266 : memref<8192xi32, #tpu.memory_space<vmem>>[vector<16xi32>], vector<16xi32>,
      tpu.vector_store_idx %arg8[%and3A_284], %broadcast_in_dim3A_69 {add = true} : memref<2048xi32, #tpu.memory_space<vmem>>[vector<16xi32>], vector<16xi32>,
      %shift_right_logical3A_321 = arith.constant 24 : i32
      %shift_right_logical3A_322 = vector.broadcast %shift_right_logical3A_321 : i32 to vector<16xi32>
      %shift_right_logical3A_323 = arith.shrui %get3A_266, %shift_right_logical3A_322 : vector<16xi32>
      tpu.vector_store_idx %arg7[%shift_right_logical3A_323], %broadcast_in_dim3A_69 {add = true} : memref<2048xi32, #tpu.memory_space<vmem>>[vector<16xi32>], vector<16xi32>,
      %gather3A_324 = tpu.vector_load_idx %arg13[%and3A_290] : memref<2048xi32, #tpu.memory_space<vmem>>[vector<16xi32>], vector<16xi32>,
      %add3A_325 = arith.addi %gather3A_324, %unique3A_310 : vector<16xi32>
      tpu.vector_store_idx %arg11[%add3A_325], %get3A_270 : memref<8192xi32, #tpu.memory_space<vmem>>[vector<16xi32>], vector<16xi32>,
      tpu.vector_store_idx %arg13[%and3A_290], %broadcast_in_dim3A_69 {add = true} : memref<2048xi32, #tpu.memory_space<vmem>>[vector<16xi32>], vector<16xi32>,
      %shift_right_logical3A_326 = arith.constant 24 : i32
      %shift_right_logical3A_327 = vector.broadcast %shift_right_logical3A_326 : i32 to vector<16xi32>
      %shift_right_logical3A_328 = arith.shrui %get3A_270, %shift_right_logical3A_327 : vector<16xi32>
      tpu.vector_store_idx %arg12[%shift_right_logical3A_328], %broadcast_in_dim3A_69 {add = true} : memref<2048xi32, #tpu.memory_space<vmem>>[vector<16xi32>], vector<16xi32>,
      %gather3A_329 = tpu.vector_load_idx %arg18[%and3A_296] : memref<2048xi32, #tpu.memory_space<vmem>>[vector<16xi32>], vector<16xi32>,
      %add3A_330 = arith.addi %gather3A_329, %unique3A_314 : vector<16xi32>
      tpu.vector_store_idx %arg16[%add3A_330], %get3A_274 : memref<8192xi32, #tpu.memory_space<vmem>>[vector<16xi32>], vector<16xi32>,
      tpu.vector_store_idx %arg18[%and3A_296], %broadcast_in_dim3A_69 {add = true} : memref<2048xi32, #tpu.memory_space<vmem>>[vector<16xi32>], vector<16xi32>,
      %shift_right_logical3A_331 = arith.constant 24 : i32
      %shift_right_logical3A_332 = vector.broadcast %shift_right_logical3A_331 : i32 to vector<16xi32>
      %shift_right_logical3A_333 = arith.shrui %get3A_274, %shift_right_logical3A_332 : vector<16xi32>
      tpu.vector_store_idx %arg17[%shift_right_logical3A_333], %broadcast_in_dim3A_69 {add = true} : memref<2048xi32, #tpu.memory_space<vmem>>[vector<16xi32>], vector<16xi32>,
      %gather3A_334 = tpu.vector_load_idx %arg23[%and3A_302] : memref<2048xi32, #tpu.memory_space<vmem>>[vector<16xi32>], vector<16xi32>,
      %add3A_335 = arith.addi %gather3A_334, %unique3A_318 : vector<16xi32>
      tpu.vector_store_idx %arg21[%add3A_335], %get3A_278 : memref<8192xi32, #tpu.memory_space<vmem>>[vector<16xi32>], vector<16xi32>,
      tpu.vector_store_idx %arg23[%and3A_302], %broadcast_in_dim3A_69 {add = true} : memref<2048xi32, #tpu.memory_space<vmem>>[vector<16xi32>], vector<16xi32>,
      %shift_right_logical3A_336 = arith.constant 24 : i32
      %shift_right_logical3A_337 = vector.broadcast %shift_right_logical3A_336 : i32 to vector<16xi32>
      %shift_right_logical3A_338 = arith.shrui %get3A_278, %shift_right_logical3A_337 : vector<16xi32>
      tpu.vector_store_idx %arg22[%shift_right_logical3A_338], %broadcast_in_dim3A_69 {add = true} : memref<2048xi32, #tpu.memory_space<vmem>>[vector<16xi32>], vector<16xi32>,
      %scan3A_339 = arith.constant 2 : i32
      %scan3A_340 = arith.addi %scan3A_188, %scan3A_339 : i32
      %mul3A_341 = arith.constant 16 : i32
      %mul3A_342 = arith.muli %scan3A_340, %mul3A_341 : i32
      %get3A_343 = arith.index_cast %mul3A_342 : i32 to index
      %get3A_344 = tpu.vector_load %arg5[%get3A_343] {strides = array<i32>} : memref<8192xi32, #tpu.memory_space<vmem>>, vector<16xi32>,
      %mul3A_345 = arith.constant 16 : i32
      %mul3A_346 = arith.muli %scan3A_340, %mul3A_345 : i32
      %get3A_347 = arith.index_cast %mul3A_346 : i32 to index
      %get3A_348 = tpu.vector_load %arg10[%get3A_347] {strides = array<i32>} : memref<8192xi32, #tpu.memory_space<vmem>>, vector<16xi32>,
      %mul3A_349 = arith.constant 16 : i32
      %mul3A_350 = arith.muli %scan3A_340, %mul3A_349 : i32
      %get3A_351 = arith.index_cast %mul3A_350 : i32 to index
      %get3A_352 = tpu.vector_load %arg15[%get3A_351] {strides = array<i32>} : memref<8192xi32, #tpu.memory_space<vmem>>, vector<16xi32>,
      %mul3A_353 = arith.constant 16 : i32
      %mul3A_354 = arith.muli %scan3A_340, %mul3A_353 : i32
      %get3A_355 = arith.index_cast %mul3A_354 : i32 to index
      %get3A_356 = tpu.vector_load %arg20[%get3A_355] {strides = array<i32>} : memref<8192xi32, #tpu.memory_space<vmem>>, vector<16xi32>,
      %shift_right_logical3A_357 = arith.constant 13 : i32
      %shift_right_logical3A_358 = vector.broadcast %shift_right_logical3A_357 : i32 to vector<16xi32>
      %shift_right_logical3A_359 = arith.shrui %get3A_344, %shift_right_logical3A_358 : vector<16xi32>
      %and3A_360 = arith.constant 2047 : i32
      %and3A_361 = vector.broadcast %and3A_360 : i32 to vector<16xi32>
      %and3A_362 = arith.andi %shift_right_logical3A_359, %and3A_361 : vector<16xi32>
      %shift_right_logical3A_363 = arith.constant 13 : i32
      %shift_right_logical3A_364 = vector.broadcast %shift_right_logical3A_363 : i32 to vector<16xi32>
      %shift_right_logical3A_365 = arith.shrui %get3A_348, %shift_right_logical3A_364 : vector<16xi32>
      %and3A_366 = arith.constant 2047 : i32
      %and3A_367 = vector.broadcast %and3A_366 : i32 to vector<16xi32>
      %and3A_368 = arith.andi %shift_right_logical3A_365, %and3A_367 : vector<16xi32>
      %shift_right_logical3A_369 = arith.constant 13 : i32
      %shift_right_logical3A_370 = vector.broadcast %shift_right_logical3A_369 : i32 to vector<16xi32>
      %shift_right_logical3A_371 = arith.shrui %get3A_352, %shift_right_logical3A_370 : vector<16xi32>
      %and3A_372 = arith.constant 2047 : i32
      %and3A_373 = vector.broadcast %and3A_372 : i32 to vector<16xi32>
      %and3A_374 = arith.andi %shift_right_logical3A_371, %and3A_373 : vector<16xi32>
      %shift_right_logical3A_375 = arith.constant 13 : i32
      %shift_right_logical3A_376 = vector.broadcast %shift_right_logical3A_375 : i32 to vector<16xi32>
      %shift_right_logical3A_377 = arith.shrui %get3A_356, %shift_right_logical3A_376 : vector<16xi32>
      %and3A_378 = arith.constant 2047 : i32
      %and3A_379 = vector.broadcast %and3A_378 : i32 to vector<16xi32>
      %and3A_380 = arith.andi %shift_right_logical3A_377, %and3A_379 : vector<16xi32>
      %broadcast_in_dim3A_381 = arith.constant true
      %broadcast_in_dim3A_382 = vector.broadcast %broadcast_in_dim3A_381 : i1 to vector<16xi1>
      %unique3A_383, %unique3A_384 = tpu.scan_count mask(%broadcast_in_dim3A_382 : vector<16xi1>) value(%and3A_362 : vector<16xi32>) : vector<16xi1>, vector<16xi32>
      %broadcast_in_dim3A_385 = arith.constant true
      %broadcast_in_dim3A_386 = vector.broadcast %broadcast_in_dim3A_385 : i1 to vector<16xi1>
      %unique3A_387, %unique3A_388 = tpu.scan_count mask(%broadcast_in_dim3A_386 : vector<16xi1>) value(%and3A_368 : vector<16xi32>) : vector<16xi1>, vector<16xi32>
      %broadcast_in_dim3A_389 = arith.constant true
      %broadcast_in_dim3A_390 = vector.broadcast %broadcast_in_dim3A_389 : i1 to vector<16xi1>
      %unique3A_391, %unique3A_392 = tpu.scan_count mask(%broadcast_in_dim3A_390 : vector<16xi1>) value(%and3A_374 : vector<16xi32>) : vector<16xi1>, vector<16xi32>
      %broadcast_in_dim3A_393 = arith.constant true
      %broadcast_in_dim3A_394 = vector.broadcast %broadcast_in_dim3A_393 : i1 to vector<16xi1>
      %unique3A_395, %unique3A_396 = tpu.scan_count mask(%broadcast_in_dim3A_394 : vector<16xi1>) value(%and3A_380 : vector<16xi32>) : vector<16xi1>, vector<16xi32>
      %gather3A_397 = tpu.vector_load_idx %arg8[%and3A_362] : memref<2048xi32, #tpu.memory_space<vmem>>[vector<16xi32>], vector<16xi32>,
      %add3A_398 = arith.addi %gather3A_397, %unique3A_384 : vector<16xi32>
      tpu.vector_store_idx %arg6[%add3A_398], %get3A_344 : memref<8192xi32, #tpu.memory_space<vmem>>[vector<16xi32>], vector<16xi32>,
      tpu.vector_store_idx %arg8[%and3A_362], %broadcast_in_dim3A_69 {add = true} : memref<2048xi32, #tpu.memory_space<vmem>>[vector<16xi32>], vector<16xi32>,
      %shift_right_logical3A_399 = arith.constant 24 : i32
      %shift_right_logical3A_400 = vector.broadcast %shift_right_logical3A_399 : i32 to vector<16xi32>
      %shift_right_logical3A_401 = arith.shrui %get3A_344, %shift_right_logical3A_400 : vector<16xi32>
      tpu.vector_store_idx %arg7[%shift_right_logical3A_401], %broadcast_in_dim3A_69 {add = true} : memref<2048xi32, #tpu.memory_space<vmem>>[vector<16xi32>], vector<16xi32>,
      %gather3A_402 = tpu.vector_load_idx %arg13[%and3A_368] : memref<2048xi32, #tpu.memory_space<vmem>>[vector<16xi32>], vector<16xi32>,
      %add3A_403 = arith.addi %gather3A_402, %unique3A_388 : vector<16xi32>
      tpu.vector_store_idx %arg11[%add3A_403], %get3A_348 : memref<8192xi32, #tpu.memory_space<vmem>>[vector<16xi32>], vector<16xi32>,
      tpu.vector_store_idx %arg13[%and3A_368], %broadcast_in_dim3A_69 {add = true} : memref<2048xi32, #tpu.memory_space<vmem>>[vector<16xi32>], vector<16xi32>,
      %shift_right_logical3A_404 = arith.constant 24 : i32
      %shift_right_logical3A_405 = vector.broadcast %shift_right_logical3A_404 : i32 to vector<16xi32>
      %shift_right_logical3A_406 = arith.shrui %get3A_348, %shift_right_logical3A_405 : vector<16xi32>
      tpu.vector_store_idx %arg12[%shift_right_logical3A_406], %broadcast_in_dim3A_69 {add = true} : memref<2048xi32, #tpu.memory_space<vmem>>[vector<16xi32>], vector<16xi32>,
      %gather3A_407 = tpu.vector_load_idx %arg18[%and3A_374] : memref<2048xi32, #tpu.memory_space<vmem>>[vector<16xi32>], vector<16xi32>,
      %add3A_408 = arith.addi %gather3A_407, %unique3A_392 : vector<16xi32>
      tpu.vector_store_idx %arg16[%add3A_408], %get3A_352 : memref<8192xi32, #tpu.memory_space<vmem>>[vector<16xi32>], vector<16xi32>,
      tpu.vector_store_idx %arg18[%and3A_374], %broadcast_in_dim3A_69 {add = true} : memref<2048xi32, #tpu.memory_space<vmem>>[vector<16xi32>], vector<16xi32>,
      %shift_right_logical3A_409 = arith.constant 24 : i32
      %shift_right_logical3A_410 = vector.broadcast %shift_right_logical3A_409 : i32 to vector<16xi32>
      %shift_right_logical3A_411 = arith.shrui %get3A_352, %shift_right_logical3A_410 : vector<16xi32>
      tpu.vector_store_idx %arg17[%shift_right_logical3A_411], %broadcast_in_dim3A_69 {add = true} : memref<2048xi32, #tpu.memory_space<vmem>>[vector<16xi32>], vector<16xi32>,
      %gather3A_412 = tpu.vector_load_idx %arg23[%and3A_380] : memref<2048xi32, #tpu.memory_space<vmem>>[vector<16xi32>], vector<16xi32>,
      %add3A_413 = arith.addi %gather3A_412, %unique3A_396 : vector<16xi32>
      tpu.vector_store_idx %arg21[%add3A_413], %get3A_356 : memref<8192xi32, #tpu.memory_space<vmem>>[vector<16xi32>], vector<16xi32>,
      tpu.vector_store_idx %arg23[%and3A_380], %broadcast_in_dim3A_69 {add = true} : memref<2048xi32, #tpu.memory_space<vmem>>[vector<16xi32>], vector<16xi32>,
      %shift_right_logical3A_414 = arith.constant 24 : i32
      %shift_right_logical3A_415 = vector.broadcast %shift_right_logical3A_414 : i32 to vector<16xi32>
      %shift_right_logical3A_416 = arith.shrui %get3A_356, %shift_right_logical3A_415 : vector<16xi32>
      tpu.vector_store_idx %arg22[%shift_right_logical3A_416], %broadcast_in_dim3A_69 {add = true} : memref<2048xi32, #tpu.memory_space<vmem>>[vector<16xi32>], vector<16xi32>,
      %scan3A_417 = arith.constant 3 : i32
      %scan3A_418 = arith.addi %scan3A_188, %scan3A_417 : i32
      %mul3A_419 = arith.constant 16 : i32
      %mul3A_420 = arith.muli %scan3A_418, %mul3A_419 : i32
      %get3A_421 = arith.index_cast %mul3A_420 : i32 to index
      %get3A_422 = tpu.vector_load %arg5[%get3A_421] {strides = array<i32>} : memref<8192xi32, #tpu.memory_space<vmem>>, vector<16xi32>,
      %mul3A_423 = arith.constant 16 : i32
      %mul3A_424 = arith.muli %scan3A_418, %mul3A_423 : i32
      %get3A_425 = arith.index_cast %mul3A_424 : i32 to index
      %get3A_426 = tpu.vector_load %arg10[%get3A_425] {strides = array<i32>} : memref<8192xi32, #tpu.memory_space<vmem>>, vector<16xi32>,
      %mul3A_427 = arith.constant 16 : i32
      %mul3A_428 = arith.muli %scan3A_418, %mul3A_427 : i32
      %get3A_429 = arith.index_cast %mul3A_428 : i32 to index
      %get3A_430 = tpu.vector_load %arg15[%get3A_429] {strides = array<i32>} : memref<8192xi32, #tpu.memory_space<vmem>>, vector<16xi32>,
      %mul3A_431 = arith.constant 16 : i32
      %mul3A_432 = arith.muli %scan3A_418, %mul3A_431 : i32
      %get3A_433 = arith.index_cast %mul3A_432 : i32 to index
      %get3A_434 = tpu.vector_load %arg20[%get3A_433] {strides = array<i32>} : memref<8192xi32, #tpu.memory_space<vmem>>, vector<16xi32>,
      %shift_right_logical3A_435 = arith.constant 13 : i32
      %shift_right_logical3A_436 = vector.broadcast %shift_right_logical3A_435 : i32 to vector<16xi32>
      %shift_right_logical3A_437 = arith.shrui %get3A_422, %shift_right_logical3A_436 : vector<16xi32>
      %and3A_438 = arith.constant 2047 : i32
      %and3A_439 = vector.broadcast %and3A_438 : i32 to vector<16xi32>
      %and3A_440 = arith.andi %shift_right_logical3A_437, %and3A_439 : vector<16xi32>
      %shift_right_logical3A_441 = arith.constant 13 : i32
      %shift_right_logical3A_442 = vector.broadcast %shift_right_logical3A_441 : i32 to vector<16xi32>
      %shift_right_logical3A_443 = arith.shrui %get3A_426, %shift_right_logical3A_442 : vector<16xi32>
      %and3A_444 = arith.constant 2047 : i32
      %and3A_445 = vector.broadcast %and3A_444 : i32 to vector<16xi32>
      %and3A_446 = arith.andi %shift_right_logical3A_443, %and3A_445 : vector<16xi32>
      %shift_right_logical3A_447 = arith.constant 13 : i32
      %shift_right_logical3A_448 = vector.broadcast %shift_right_logical3A_447 : i32 to vector<16xi32>
      %shift_right_logical3A_449 = arith.shrui %get3A_430, %shift_right_logical3A_448 : vector<16xi32>
      %and3A_450 = arith.constant 2047 : i32
      %and3A_451 = vector.broadcast %and3A_450 : i32 to vector<16xi32>
      %and3A_452 = arith.andi %shift_right_logical3A_449, %and3A_451 : vector<16xi32>
      %shift_right_logical3A_453 = arith.constant 13 : i32
      %shift_right_logical3A_454 = vector.broadcast %shift_right_logical3A_453 : i32 to vector<16xi32>
      %shift_right_logical3A_455 = arith.shrui %get3A_434, %shift_right_logical3A_454 : vector<16xi32>
      %and3A_456 = arith.constant 2047 : i32
      %and3A_457 = vector.broadcast %and3A_456 : i32 to vector<16xi32>
      %and3A_458 = arith.andi %shift_right_logical3A_455, %and3A_457 : vector<16xi32>
      %broadcast_in_dim3A_459 = arith.constant true
      %broadcast_in_dim3A_460 = vector.broadcast %broadcast_in_dim3A_459 : i1 to vector<16xi1>
      %unique3A_461, %unique3A_462 = tpu.scan_count mask(%broadcast_in_dim3A_460 : vector<16xi1>) value(%and3A_440 : vector<16xi32>) : vector<16xi1>, vector<16xi32>
      %broadcast_in_dim3A_463 = arith.constant true
      %broadcast_in_dim3A_464 = vector.broadcast %broadcast_in_dim3A_463 : i1 to vector<16xi1>
      %unique3A_465, %unique3A_466 = tpu.scan_count mask(%broadcast_in_dim3A_464 : vector<16xi1>) value(%and3A_446 : vector<16xi32>) : vector<16xi1>, vector<16xi32>
      %broadcast_in_dim3A_467 = arith.constant true
      %broadcast_in_dim3A_468 = vector.broadcast %broadcast_in_dim3A_467 : i1 to vector<16xi1>
      %unique3A_469, %unique3A_470 = tpu.scan_count mask(%broadcast_in_dim3A_468 : vector<16xi1>) value(%and3A_452 : vector<16xi32>) : vector<16xi1>, vector<16xi32>
      %broadcast_in_dim3A_471 = arith.constant true
      %broadcast_in_dim3A_472 = vector.broadcast %broadcast_in_dim3A_471 : i1 to vector<16xi1>
      %unique3A_473, %unique3A_474 = tpu.scan_count mask(%broadcast_in_dim3A_472 : vector<16xi1>) value(%and3A_458 : vector<16xi32>) : vector<16xi1>, vector<16xi32>
      %gather3A_475 = tpu.vector_load_idx %arg8[%and3A_440] : memref<2048xi32, #tpu.memory_space<vmem>>[vector<16xi32>], vector<16xi32>,
      %add3A_476 = arith.addi %gather3A_475, %unique3A_462 : vector<16xi32>
      tpu.vector_store_idx %arg6[%add3A_476], %get3A_422 : memref<8192xi32, #tpu.memory_space<vmem>>[vector<16xi32>], vector<16xi32>,
      tpu.vector_store_idx %arg8[%and3A_440], %broadcast_in_dim3A_69 {add = true} : memref<2048xi32, #tpu.memory_space<vmem>>[vector<16xi32>], vector<16xi32>,
      %shift_right_logical3A_477 = arith.constant 24 : i32
      %shift_right_logical3A_478 = vector.broadcast %shift_right_logical3A_477 : i32 to vector<16xi32>
      %shift_right_logical3A_479 = arith.shrui %get3A_422, %shift_right_logical3A_478 : vector<16xi32>
      tpu.vector_store_idx %arg7[%shift_right_logical3A_479], %broadcast_in_dim3A_69 {add = true} : memref<2048xi32, #tpu.memory_space<vmem>>[vector<16xi32>], vector<16xi32>,
      %gather3A_480 = tpu.vector_load_idx %arg13[%and3A_446] : memref<2048xi32, #tpu.memory_space<vmem>>[vector<16xi32>], vector<16xi32>,
      %add3A_481 = arith.addi %gather3A_480, %unique3A_466 : vector<16xi32>
      tpu.vector_store_idx %arg11[%add3A_481], %get3A_426 : memref<8192xi32, #tpu.memory_space<vmem>>[vector<16xi32>], vector<16xi32>,
      tpu.vector_store_idx %arg13[%and3A_446], %broadcast_in_dim3A_69 {add = true} : memref<2048xi32, #tpu.memory_space<vmem>>[vector<16xi32>], vector<16xi32>,
      %shift_right_logical3A_482 = arith.constant 24 : i32
      %shift_right_logical3A_483 = vector.broadcast %shift_right_logical3A_482 : i32 to vector<16xi32>
      %shift_right_logical3A_484 = arith.shrui %get3A_426, %shift_right_logical3A_483 : vector<16xi32>
      tpu.vector_store_idx %arg12[%shift_right_logical3A_484], %broadcast_in_dim3A_69 {add = true} : memref<2048xi32, #tpu.memory_space<vmem>>[vector<16xi32>], vector<16xi32>,
      %gather3A_485 = tpu.vector_load_idx %arg18[%and3A_452] : memref<2048xi32, #tpu.memory_space<vmem>>[vector<16xi32>], vector<16xi32>,
      %add3A_486 = arith.addi %gather3A_485, %unique3A_470 : vector<16xi32>
      tpu.vector_store_idx %arg16[%add3A_486], %get3A_430 : memref<8192xi32, #tpu.memory_space<vmem>>[vector<16xi32>], vector<16xi32>,
      tpu.vector_store_idx %arg18[%and3A_452], %broadcast_in_dim3A_69 {add = true} : memref<2048xi32, #tpu.memory_space<vmem>>[vector<16xi32>], vector<16xi32>,
      %shift_right_logical3A_487 = arith.constant 24 : i32
      %shift_right_logical3A_488 = vector.broadcast %shift_right_logical3A_487 : i32 to vector<16xi32>
      %shift_right_logical3A_489 = arith.shrui %get3A_430, %shift_right_logical3A_488 : vector<16xi32>
      tpu.vector_store_idx %arg17[%shift_right_logical3A_489], %broadcast_in_dim3A_69 {add = true} : memref<2048xi32, #tpu.memory_space<vmem>>[vector<16xi32>], vector<16xi32>,
      %gather3A_490 = tpu.vector_load_idx %arg23[%and3A_458] : memref<2048xi32, #tpu.memory_space<vmem>>[vector<16xi32>], vector<16xi32>,
      %add3A_491 = arith.addi %gather3A_490, %unique3A_474 : vector<16xi32>
      tpu.vector_store_idx %arg21[%add3A_491], %get3A_434 : memref<8192xi32, #tpu.memory_space<vmem>>[vector<16xi32>], vector<16xi32>,
      tpu.vector_store_idx %arg23[%and3A_458], %broadcast_in_dim3A_69 {add = true} : memref<2048xi32, #tpu.memory_space<vmem>>[vector<16xi32>], vector<16xi32>,
      %shift_right_logical3A_492 = arith.constant 24 : i32
      %shift_right_logical3A_493 = vector.broadcast %shift_right_logical3A_492 : i32 to vector<16xi32>
      %shift_right_logical3A_494 = arith.shrui %get3A_434, %shift_right_logical3A_493 : vector<16xi32>
      tpu.vector_store_idx %arg22[%shift_right_logical3A_494], %broadcast_in_dim3A_69 {add = true} : memref<2048xi32, #tpu.memory_space<vmem>>[vector<16xi32>], vector<16xi32>,
    }
    %scan3A_117 = arith.constant 512 : i32
    %sub3A_118 = arith.constant 0 : i32
    %sub3A_119 = arith.subi %sub3A_118, %reduce_min3A_13 : i32
    %scan3A_120 = arith.constant 0 : i32
    %scan3A_121 = arith.constant 16 : i32
    %scan3A_122 = arith.addi %scan3A_120, %scan3A_121 : i32
    %scan3A_123 = arith.constant 1 : i32
    %scan3A_124:4 = scf.for %scan3A_188 = %scan3A_120 to %scan3A_122 step %scan3A_123 iter_args(%scan3A_189 = %sub3A_119, %scan3A_190 = %sub3A_119, %scan3A_191 = %sub3A_119, %scan3A_192 = %sub3A_119) -> (i32, i32, i32, i32)  : i32 {
      %mul3A_193 = arith.constant 16 : i32
      %mul3A_194 = arith.muli %scan3A_188, %mul3A_193 : i32
      %get3A = arith.index_cast %mul3A_194 : i32 to index
      %get3A_195 = tpu.vector_load %arg7[%get3A] {strides = array<i32>} : memref<2048xi32, #tpu.memory_space<vmem>>, vector<16xi32>,
      %broadcast_in_dim3A_196 = arith.constant true
      %broadcast_in_dim3A_197 = vector.broadcast %broadcast_in_dim3A_196 : i1 to vector<16xi1>
      %masked_cumsum3A = tpu.scan <sum>, %get3A_195 masked %broadcast_in_dim3A_197 : vector<16xi32>, vector<16xi1> -> vector<16xi32>
      %sub3A_198 = arith.subi %masked_cumsum3A, %get3A_195 : vector<16xi32>
      %add3A_199 = vector.broadcast %scan3A_189 : i32 to vector<16xi32>
      %add3A_200 = arith.addi %sub3A_198, %add3A_199 : vector<16xi32>
      %mul3A_201 = arith.constant 16 : i32
      %mul3A_202 = arith.muli %scan3A_188, %mul3A_201 : i32
      %swap3A = arith.index_cast %mul3A_202 : i32 to index
      %swap3A_203 = tpu.vector_load %arg7[%swap3A] {strides = array<i32>} : memref<2048xi32, #tpu.memory_space<vmem>>, vector<16xi32>,
      tpu.vector_store %arg7[%swap3A], %add3A_200 {strides = array<i32>} : memref<2048xi32, #tpu.memory_space<vmem>>, vector<16xi32>,
      %reduce_max3A = arith.constant true
      %reduce_max3A_204 = vector.broadcast %reduce_max3A : i1 to vector<16xi1>
      %reduce_max3A_205 = arith.constant -2147483648 : i32
      %reduce_max3A_206 = vector.broadcast %reduce_max3A_205 : i32 to vector<16xi32>
      %reduce_max3A_207 = arith.xori %masked_cumsum3A, %reduce_max3A_206 : vector<16xi32>
      %reduce_max3A_208 = tpu.scan <max>, %reduce_max3A_207 masked %reduce_max3A_204 : vector<16xi32>, vector<16xi1> -> vector<16xi32>
      %reduce_max3A_209 = arith.xori %reduce_max3A_208, %reduce_max3A_206 : vector<16xi32>
      %reduce_max3A_210 = vector.extract %reduce_max3A_209[15] : i32 from vector<16xi32>
      %add3A_211 = arith.addi %scan3A_189, %reduce_max3A_210 : i32
      %mul3A_212 = arith.constant 16 : i32
      %mul3A_213 = arith.muli %scan3A_188, %mul3A_212 : i32
      %get3A_214 = arith.index_cast %mul3A_213 : i32 to index
      %get3A_215 = tpu.vector_load %arg12[%get3A_214] {strides = array<i32>} : memref<2048xi32, #tpu.memory_space<vmem>>, vector<16xi32>,
      %broadcast_in_dim3A_216 = arith.constant true
      %broadcast_in_dim3A_217 = vector.broadcast %broadcast_in_dim3A_216 : i1 to vector<16xi1>
      %masked_cumsum3A_218 = tpu.scan <sum>, %get3A_215 masked %broadcast_in_dim3A_217 : vector<16xi32>, vector<16xi1> -> vector<16xi32>
      %sub3A_219 = arith.subi %masked_cumsum3A_218, %get3A_215 : vector<16xi32>
      %add3A_220 = vector.broadcast %scan3A_190 : i32 to vector<16xi32>
      %add3A_221 = arith.addi %sub3A_219, %add3A_220 : vector<16xi32>
      %mul3A_222 = arith.constant 16 : i32
      %mul3A_223 = arith.muli %scan3A_188, %mul3A_222 : i32
      %swap3A_224 = arith.index_cast %mul3A_223 : i32 to index
      %swap3A_225 = tpu.vector_load %arg12[%swap3A_224] {strides = array<i32>} : memref<2048xi32, #tpu.memory_space<vmem>>, vector<16xi32>,
      tpu.vector_store %arg12[%swap3A_224], %add3A_221 {strides = array<i32>} : memref<2048xi32, #tpu.memory_space<vmem>>, vector<16xi32>,
      %reduce_max3A_226 = arith.constant true
      %reduce_max3A_227 = vector.broadcast %reduce_max3A_226 : i1 to vector<16xi1>
      %reduce_max3A_228 = arith.constant -2147483648 : i32
      %reduce_max3A_229 = vector.broadcast %reduce_max3A_228 : i32 to vector<16xi32>
      %reduce_max3A_230 = arith.xori %masked_cumsum3A_218, %reduce_max3A_229 : vector<16xi32>
      %reduce_max3A_231 = tpu.scan <max>, %reduce_max3A_230 masked %reduce_max3A_227 : vector<16xi32>, vector<16xi1> -> vector<16xi32>
      %reduce_max3A_232 = arith.xori %reduce_max3A_231, %reduce_max3A_229 : vector<16xi32>
      %reduce_max3A_233 = vector.extract %reduce_max3A_232[15] : i32 from vector<16xi32>
      %add3A_234 = arith.addi %scan3A_190, %reduce_max3A_233 : i32
      %mul3A_235 = arith.constant 16 : i32
      %mul3A_236 = arith.muli %scan3A_188, %mul3A_235 : i32
      %get3A_237 = arith.index_cast %mul3A_236 : i32 to index
      %get3A_238 = tpu.vector_load %arg17[%get3A_237] {strides = array<i32>} : memref<2048xi32, #tpu.memory_space<vmem>>, vector<16xi32>,
      %broadcast_in_dim3A_239 = arith.constant true
      %broadcast_in_dim3A_240 = vector.broadcast %broadcast_in_dim3A_239 : i1 to vector<16xi1>
      %masked_cumsum3A_241 = tpu.scan <sum>, %get3A_238 masked %broadcast_in_dim3A_240 : vector<16xi32>, vector<16xi1> -> vector<16xi32>
      %sub3A_242 = arith.subi %masked_cumsum3A_241, %get3A_238 : vector<16xi32>
      %add3A_243 = vector.broadcast %scan3A_191 : i32 to vector<16xi32>
      %add3A_244 = arith.addi %sub3A_242, %add3A_243 : vector<16xi32>
      %mul3A_245 = arith.constant 16 : i32
      %mul3A_246 = arith.muli %scan3A_188, %mul3A_245 : i32
      %swap3A_247 = arith.index_cast %mul3A_246 : i32 to index
      %swap3A_248 = tpu.vector_load %arg17[%swap3A_247] {strides = array<i32>} : memref<2048xi32, #tpu.memory_space<vmem>>, vector<16xi32>,
      tpu.vector_store %arg17[%swap3A_247], %add3A_244 {strides = array<i32>} : memref<2048xi32, #tpu.memory_space<vmem>>, vector<16xi32>,
      %reduce_max3A_249 = arith.constant true
      %reduce_max3A_250 = vector.broadcast %reduce_max3A_249 : i1 to vector<16xi1>
      %reduce_max3A_251 = arith.constant -2147483648 : i32
      %reduce_max3A_252 = vector.broadcast %reduce_max3A_251 : i32 to vector<16xi32>
      %reduce_max3A_253 = arith.xori %masked_cumsum3A_241, %reduce_max3A_252 : vector<16xi32>
      %reduce_max3A_254 = tpu.scan <max>, %reduce_max3A_253 masked %reduce_max3A_250 : vector<16xi32>, vector<16xi1> -> vector<16xi32>
      %reduce_max3A_255 = arith.xori %reduce_max3A_254, %reduce_max3A_252 : vector<16xi32>
      %reduce_max3A_256 = vector.extract %reduce_max3A_255[15] : i32 from vector<16xi32>
      %add3A_257 = arith.addi %scan3A_191, %reduce_max3A_256 : i32
      %mul3A_258 = arith.constant 16 : i32
      %mul3A_259 = arith.muli %scan3A_188, %mul3A_258 : i32
      %get3A_260 = arith.index_cast %mul3A_259 : i32 to index
      %get3A_261 = tpu.vector_load %arg22[%get3A_260] {strides = array<i32>} : memref<2048xi32, #tpu.memory_space<vmem>>, vector<16xi32>,
      %broadcast_in_dim3A_262 = arith.constant true
      %broadcast_in_dim3A_263 = vector.broadcast %broadcast_in_dim3A_262 : i1 to vector<16xi1>
      %masked_cumsum3A_264 = tpu.scan <sum>, %get3A_261 masked %broadcast_in_dim3A_263 : vector<16xi32>, vector<16xi1> -> vector<16xi32>
      %sub3A_265 = arith.subi %masked_cumsum3A_264, %get3A_261 : vector<16xi32>
      %add3A_266 = vector.broadcast %scan3A_192 : i32 to vector<16xi32>
      %add3A_267 = arith.addi %sub3A_265, %add3A_266 : vector<16xi32>
      %mul3A_268 = arith.constant 16 : i32
      %mul3A_269 = arith.muli %scan3A_188, %mul3A_268 : i32
      %swap3A_270 = arith.index_cast %mul3A_269 : i32 to index
      %swap3A_271 = tpu.vector_load %arg22[%swap3A_270] {strides = array<i32>} : memref<2048xi32, #tpu.memory_space<vmem>>, vector<16xi32>,
      tpu.vector_store %arg22[%swap3A_270], %add3A_267 {strides = array<i32>} : memref<2048xi32, #tpu.memory_space<vmem>>, vector<16xi32>,
      %reduce_max3A_272 = arith.constant true
      %reduce_max3A_273 = vector.broadcast %reduce_max3A_272 : i1 to vector<16xi1>
      %reduce_max3A_274 = arith.constant -2147483648 : i32
      %reduce_max3A_275 = vector.broadcast %reduce_max3A_274 : i32 to vector<16xi32>
      %reduce_max3A_276 = arith.xori %masked_cumsum3A_264, %reduce_max3A_275 : vector<16xi32>
      %reduce_max3A_277 = tpu.scan <max>, %reduce_max3A_276 masked %reduce_max3A_273 : vector<16xi32>, vector<16xi1> -> vector<16xi32>
      %reduce_max3A_278 = arith.xori %reduce_max3A_277, %reduce_max3A_275 : vector<16xi32>
      %reduce_max3A_279 = vector.extract %reduce_max3A_278[15] : i32 from vector<16xi32>
      %add3A_280 = arith.addi %scan3A_192, %reduce_max3A_279 : i32
      scf.yield %add3A_211, %add3A_234, %add3A_257, %add3A_280 : i32, i32, i32, i32
    }
    %scan3A_125 = arith.constant 16 : i32
    %scan3A_126 = arith.constant 0 : i32
    %scan3A_127 = arith.constant 0 : i32
    %scan3A_128 = arith.constant 512 : i32
    %scan3A_129 = arith.addi %scan3A_127, %scan3A_128 : i32
    %scan3A_130 = arith.constant 4 : i32
    scf.for %scan3A_188 = %scan3A_127 to %scan3A_129 step %scan3A_130  : i32 {
      %mul3A_189 = arith.constant 16 : i32
      %mul3A_190 = arith.muli %scan3A_188, %mul3A_189 : i32
      %get3A = arith.index_cast %mul3A_190 : i32 to index
      %get3A_191 = tpu.vector_load %arg6[%get3A] {strides = array<i32>} : memref<8192xi32, #tpu.memory_space<vmem>>, vector<16xi32>,
      %mul3A_192 = arith.constant 16 : i32
      %mul3A_193 = arith.muli %scan3A_188, %mul3A_192 : i32
      %get3A_194 = arith.index_cast %mul3A_193 : i32 to index
      %get3A_195 = tpu.vector_load %arg11[%get3A_194] {strides = array<i32>} : memref<8192xi32, #tpu.memory_space<vmem>>, vector<16xi32>,
      %mul3A_196 = arith.constant 16 : i32
      %mul3A_197 = arith.muli %scan3A_188, %mul3A_196 : i32
      %get3A_198 = arith.index_cast %mul3A_197 : i32 to index
      %get3A_199 = tpu.vector_load %arg16[%get3A_198] {strides = array<i32>} : memref<8192xi32, #tpu.memory_space<vmem>>, vector<16xi32>,
      %mul3A_200 = arith.constant 16 : i32
      %mul3A_201 = arith.muli %scan3A_188, %mul3A_200 : i32
      %get3A_202 = arith.index_cast %mul3A_201 : i32 to index
      %get3A_203 = tpu.vector_load %arg21[%get3A_202] {strides = array<i32>} : memref<8192xi32, #tpu.memory_space<vmem>>, vector<16xi32>,
      %shift_right_logical3A = arith.constant 24 : i32
      %shift_right_logical3A_204 = vector.broadcast %shift_right_logical3A : i32 to vector<16xi32>
      %shift_right_logical3A_205 = arith.shrui %get3A_191, %shift_right_logical3A_204 : vector<16xi32>
      %shift_right_logical3A_206 = arith.constant 24 : i32
      %shift_right_logical3A_207 = vector.broadcast %shift_right_logical3A_206 : i32 to vector<16xi32>
      %shift_right_logical3A_208 = arith.shrui %get3A_195, %shift_right_logical3A_207 : vector<16xi32>
      %shift_right_logical3A_209 = arith.constant 24 : i32
      %shift_right_logical3A_210 = vector.broadcast %shift_right_logical3A_209 : i32 to vector<16xi32>
      %shift_right_logical3A_211 = arith.shrui %get3A_199, %shift_right_logical3A_210 : vector<16xi32>
      %shift_right_logical3A_212 = arith.constant 24 : i32
      %shift_right_logical3A_213 = vector.broadcast %shift_right_logical3A_212 : i32 to vector<16xi32>
      %shift_right_logical3A_214 = arith.shrui %get3A_203, %shift_right_logical3A_213 : vector<16xi32>
      %broadcast_in_dim3A_215 = arith.constant true
      %broadcast_in_dim3A_216 = vector.broadcast %broadcast_in_dim3A_215 : i1 to vector<16xi1>
      %unique3A_217, %unique3A_218 = tpu.scan_count mask(%broadcast_in_dim3A_216 : vector<16xi1>) value(%shift_right_logical3A_205 : vector<16xi32>) : vector<16xi1>, vector<16xi32>
      %broadcast_in_dim3A_219 = arith.constant true
      %broadcast_in_dim3A_220 = vector.broadcast %broadcast_in_dim3A_219 : i1 to vector<16xi1>
      %unique3A_221, %unique3A_222 = tpu.scan_count mask(%broadcast_in_dim3A_220 : vector<16xi1>) value(%shift_right_logical3A_208 : vector<16xi32>) : vector<16xi1>, vector<16xi32>
      %broadcast_in_dim3A_223 = arith.constant true
      %broadcast_in_dim3A_224 = vector.broadcast %broadcast_in_dim3A_223 : i1 to vector<16xi1>
      %unique3A_225, %unique3A_226 = tpu.scan_count mask(%broadcast_in_dim3A_224 : vector<16xi1>) value(%shift_right_logical3A_211 : vector<16xi32>) : vector<16xi1>, vector<16xi32>
      %broadcast_in_dim3A_227 = arith.constant true
      %broadcast_in_dim3A_228 = vector.broadcast %broadcast_in_dim3A_227 : i1 to vector<16xi1>
      %unique3A_229, %unique3A_230 = tpu.scan_count mask(%broadcast_in_dim3A_228 : vector<16xi1>) value(%shift_right_logical3A_214 : vector<16xi32>) : vector<16xi1>, vector<16xi32>
      %gather3A = tpu.vector_load_idx %arg7[%shift_right_logical3A_205] : memref<2048xi32, #tpu.memory_space<vmem>>[vector<16xi32>], vector<16xi32>,
      %add3A_231 = arith.addi %gather3A, %unique3A_218 : vector<16xi32>
      %and3A = arith.constant 8191 : i32
      %and3A_232 = vector.broadcast %and3A : i32 to vector<16xi32>
      %and3A_233 = arith.andi %get3A_191, %and3A_232 : vector<16xi32>
      tpu.vector_store_idx %arg5[%add3A_231], %and3A_233 : memref<8192xi32, #tpu.memory_space<vmem>>[vector<16xi32>], vector<16xi32>,
      tpu.vector_store_idx %arg7[%shift_right_logical3A_205], %broadcast_in_dim3A_69 {add = true} : memref<2048xi32, #tpu.memory_space<vmem>>[vector<16xi32>], vector<16xi32>,
      %gather3A_234 = tpu.vector_load_idx %arg12[%shift_right_logical3A_208] : memref<2048xi32, #tpu.memory_space<vmem>>[vector<16xi32>], vector<16xi32>,
      %add3A_235 = arith.addi %gather3A_234, %unique3A_222 : vector<16xi32>
      %and3A_236 = arith.constant 8191 : i32
      %and3A_237 = vector.broadcast %and3A_236 : i32 to vector<16xi32>
      %and3A_238 = arith.andi %get3A_195, %and3A_237 : vector<16xi32>
      tpu.vector_store_idx %arg10[%add3A_235], %and3A_238 : memref<8192xi32, #tpu.memory_space<vmem>>[vector<16xi32>], vector<16xi32>,
      tpu.vector_store_idx %arg12[%shift_right_logical3A_208], %broadcast_in_dim3A_69 {add = true} : memref<2048xi32, #tpu.memory_space<vmem>>[vector<16xi32>], vector<16xi32>,
      %gather3A_239 = tpu.vector_load_idx %arg17[%shift_right_logical3A_211] : memref<2048xi32, #tpu.memory_space<vmem>>[vector<16xi32>], vector<16xi32>,
      %add3A_240 = arith.addi %gather3A_239, %unique3A_226 : vector<16xi32>
      %and3A_241 = arith.constant 8191 : i32
      %and3A_242 = vector.broadcast %and3A_241 : i32 to vector<16xi32>
      %and3A_243 = arith.andi %get3A_199, %and3A_242 : vector<16xi32>
      tpu.vector_store_idx %arg15[%add3A_240], %and3A_243 : memref<8192xi32, #tpu.memory_space<vmem>>[vector<16xi32>], vector<16xi32>,
      tpu.vector_store_idx %arg17[%shift_right_logical3A_211], %broadcast_in_dim3A_69 {add = true} : memref<2048xi32, #tpu.memory_space<vmem>>[vector<16xi32>], vector<16xi32>,
      %gather3A_244 = tpu.vector_load_idx %arg22[%shift_right_logical3A_214] : memref<2048xi32, #tpu.memory_space<vmem>>[vector<16xi32>], vector<16xi32>,
      %add3A_245 = arith.addi %gather3A_244, %unique3A_230 : vector<16xi32>
      %and3A_246 = arith.constant 8191 : i32
      %and3A_247 = vector.broadcast %and3A_246 : i32 to vector<16xi32>
      %and3A_248 = arith.andi %get3A_203, %and3A_247 : vector<16xi32>
      tpu.vector_store_idx %arg20[%add3A_245], %and3A_248 : memref<8192xi32, #tpu.memory_space<vmem>>[vector<16xi32>], vector<16xi32>,
      tpu.vector_store_idx %arg22[%shift_right_logical3A_214], %broadcast_in_dim3A_69 {add = true} : memref<2048xi32, #tpu.memory_space<vmem>>[vector<16xi32>], vector<16xi32>,
      %scan3A_249 = arith.constant 1 : i32
      %scan3A_250 = arith.addi %scan3A_188, %scan3A_249 : i32
      %mul3A_251 = arith.constant 16 : i32
      %mul3A_252 = arith.muli %scan3A_250, %mul3A_251 : i32
      %get3A_253 = arith.index_cast %mul3A_252 : i32 to index
      %get3A_254 = tpu.vector_load %arg6[%get3A_253] {strides = array<i32>} : memref<8192xi32, #tpu.memory_space<vmem>>, vector<16xi32>,
      %mul3A_255 = arith.constant 16 : i32
      %mul3A_256 = arith.muli %scan3A_250, %mul3A_255 : i32
      %get3A_257 = arith.index_cast %mul3A_256 : i32 to index
      %get3A_258 = tpu.vector_load %arg11[%get3A_257] {strides = array<i32>} : memref<8192xi32, #tpu.memory_space<vmem>>, vector<16xi32>,
      %mul3A_259 = arith.constant 16 : i32
      %mul3A_260 = arith.muli %scan3A_250, %mul3A_259 : i32
      %get3A_261 = arith.index_cast %mul3A_260 : i32 to index
      %get3A_262 = tpu.vector_load %arg16[%get3A_261] {strides = array<i32>} : memref<8192xi32, #tpu.memory_space<vmem>>, vector<16xi32>,
      %mul3A_263 = arith.constant 16 : i32
      %mul3A_264 = arith.muli %scan3A_250, %mul3A_263 : i32
      %get3A_265 = arith.index_cast %mul3A_264 : i32 to index
      %get3A_266 = tpu.vector_load %arg21[%get3A_265] {strides = array<i32>} : memref<8192xi32, #tpu.memory_space<vmem>>, vector<16xi32>,
      %shift_right_logical3A_267 = arith.constant 24 : i32
      %shift_right_logical3A_268 = vector.broadcast %shift_right_logical3A_267 : i32 to vector<16xi32>
      %shift_right_logical3A_269 = arith.shrui %get3A_254, %shift_right_logical3A_268 : vector<16xi32>
      %shift_right_logical3A_270 = arith.constant 24 : i32
      %shift_right_logical3A_271 = vector.broadcast %shift_right_logical3A_270 : i32 to vector<16xi32>
      %shift_right_logical3A_272 = arith.shrui %get3A_258, %shift_right_logical3A_271 : vector<16xi32>
      %shift_right_logical3A_273 = arith.constant 24 : i32
      %shift_right_logical3A_274 = vector.broadcast %shift_right_logical3A_273 : i32 to vector<16xi32>
      %shift_right_logical3A_275 = arith.shrui %get3A_262, %shift_right_logical3A_274 : vector<16xi32>
      %shift_right_logical3A_276 = arith.constant 24 : i32
      %shift_right_logical3A_277 = vector.broadcast %shift_right_logical3A_276 : i32 to vector<16xi32>
      %shift_right_logical3A_278 = arith.shrui %get3A_266, %shift_right_logical3A_277 : vector<16xi32>
      %broadcast_in_dim3A_279 = arith.constant true
      %broadcast_in_dim3A_280 = vector.broadcast %broadcast_in_dim3A_279 : i1 to vector<16xi1>
      %unique3A_281, %unique3A_282 = tpu.scan_count mask(%broadcast_in_dim3A_280 : vector<16xi1>) value(%shift_right_logical3A_269 : vector<16xi32>) : vector<16xi1>, vector<16xi32>
      %broadcast_in_dim3A_283 = arith.constant true
      %broadcast_in_dim3A_284 = vector.broadcast %broadcast_in_dim3A_283 : i1 to vector<16xi1>
      %unique3A_285, %unique3A_286 = tpu.scan_count mask(%broadcast_in_dim3A_284 : vector<16xi1>) value(%shift_right_logical3A_272 : vector<16xi32>) : vector<16xi1>, vector<16xi32>
      %broadcast_in_dim3A_287 = arith.constant true
      %broadcast_in_dim3A_288 = vector.broadcast %broadcast_in_dim3A_287 : i1 to vector<16xi1>
      %unique3A_289, %unique3A_290 = tpu.scan_count mask(%broadcast_in_dim3A_288 : vector<16xi1>) value(%shift_right_logical3A_275 : vector<16xi32>) : vector<16xi1>, vector<16xi32>
      %broadcast_in_dim3A_291 = arith.constant true
      %broadcast_in_dim3A_292 = vector.broadcast %broadcast_in_dim3A_291 : i1 to vector<16xi1>
      %unique3A_293, %unique3A_294 = tpu.scan_count mask(%broadcast_in_dim3A_292 : vector<16xi1>) value(%shift_right_logical3A_278 : vector<16xi32>) : vector<16xi1>, vector<16xi32>
      %gather3A_295 = tpu.vector_load_idx %arg7[%shift_right_logical3A_269] : memref<2048xi32, #tpu.memory_space<vmem>>[vector<16xi32>], vector<16xi32>,
      %add3A_296 = arith.addi %gather3A_295, %unique3A_282 : vector<16xi32>
      %and3A_297 = arith.constant 8191 : i32
      %and3A_298 = vector.broadcast %and3A_297 : i32 to vector<16xi32>
      %and3A_299 = arith.andi %get3A_254, %and3A_298 : vector<16xi32>
      tpu.vector_store_idx %arg5[%add3A_296], %and3A_299 : memref<8192xi32, #tpu.memory_space<vmem>>[vector<16xi32>], vector<16xi32>,
      tpu.vector_store_idx %arg7[%shift_right_logical3A_269], %broadcast_in_dim3A_69 {add = true} : memref<2048xi32, #tpu.memory_space<vmem>>[vector<16xi32>], vector<16xi32>,
      %gather3A_300 = tpu.vector_load_idx %arg12[%shift_right_logical3A_272] : memref<2048xi32, #tpu.memory_space<vmem>>[vector<16xi32>], vector<16xi32>,
      %add3A_301 = arith.addi %gather3A_300, %unique3A_286 : vector<16xi32>
      %and3A_302 = arith.constant 8191 : i32
      %and3A_303 = vector.broadcast %and3A_302 : i32 to vector<16xi32>
      %and3A_304 = arith.andi %get3A_258, %and3A_303 : vector<16xi32>
      tpu.vector_store_idx %arg10[%add3A_301], %and3A_304 : memref<8192xi32, #tpu.memory_space<vmem>>[vector<16xi32>], vector<16xi32>,
      tpu.vector_store_idx %arg12[%shift_right_logical3A_272], %broadcast_in_dim3A_69 {add = true} : memref<2048xi32, #tpu.memory_space<vmem>>[vector<16xi32>], vector<16xi32>,
      %gather3A_305 = tpu.vector_load_idx %arg17[%shift_right_logical3A_275] : memref<2048xi32, #tpu.memory_space<vmem>>[vector<16xi32>], vector<16xi32>,
      %add3A_306 = arith.addi %gather3A_305, %unique3A_290 : vector<16xi32>
      %and3A_307 = arith.constant 8191 : i32
      %and3A_308 = vector.broadcast %and3A_307 : i32 to vector<16xi32>
      %and3A_309 = arith.andi %get3A_262, %and3A_308 : vector<16xi32>
      tpu.vector_store_idx %arg15[%add3A_306], %and3A_309 : memref<8192xi32, #tpu.memory_space<vmem>>[vector<16xi32>], vector<16xi32>,
      tpu.vector_store_idx %arg17[%shift_right_logical3A_275], %broadcast_in_dim3A_69 {add = true} : memref<2048xi32, #tpu.memory_space<vmem>>[vector<16xi32>], vector<16xi32>,
      %gather3A_310 = tpu.vector_load_idx %arg22[%shift_right_logical3A_278] : memref<2048xi32, #tpu.memory_space<vmem>>[vector<16xi32>], vector<16xi32>,
      %add3A_311 = arith.addi %gather3A_310, %unique3A_294 : vector<16xi32>
      %and3A_312 = arith.constant 8191 : i32
      %and3A_313 = vector.broadcast %and3A_312 : i32 to vector<16xi32>
      %and3A_314 = arith.andi %get3A_266, %and3A_313 : vector<16xi32>
      tpu.vector_store_idx %arg20[%add3A_311], %and3A_314 : memref<8192xi32, #tpu.memory_space<vmem>>[vector<16xi32>], vector<16xi32>,
      tpu.vector_store_idx %arg22[%shift_right_logical3A_278], %broadcast_in_dim3A_69 {add = true} : memref<2048xi32, #tpu.memory_space<vmem>>[vector<16xi32>], vector<16xi32>,
      %scan3A_315 = arith.constant 2 : i32
      %scan3A_316 = arith.addi %scan3A_188, %scan3A_315 : i32
      %mul3A_317 = arith.constant 16 : i32
      %mul3A_318 = arith.muli %scan3A_316, %mul3A_317 : i32
      %get3A_319 = arith.index_cast %mul3A_318 : i32 to index
      %get3A_320 = tpu.vector_load %arg6[%get3A_319] {strides = array<i32>} : memref<8192xi32, #tpu.memory_space<vmem>>, vector<16xi32>,
      %mul3A_321 = arith.constant 16 : i32
      %mul3A_322 = arith.muli %scan3A_316, %mul3A_321 : i32
      %get3A_323 = arith.index_cast %mul3A_322 : i32 to index
      %get3A_324 = tpu.vector_load %arg11[%get3A_323] {strides = array<i32>} : memref<8192xi32, #tpu.memory_space<vmem>>, vector<16xi32>,
      %mul3A_325 = arith.constant 16 : i32
      %mul3A_326 = arith.muli %scan3A_316, %mul3A_325 : i32
      %get3A_327 = arith.index_cast %mul3A_326 : i32 to index
      %get3A_328 = tpu.vector_load %arg16[%get3A_327] {strides = array<i32>} : memref<8192xi32, #tpu.memory_space<vmem>>, vector<16xi32>,
      %mul3A_329 = arith.constant 16 : i32
      %mul3A_330 = arith.muli %scan3A_316, %mul3A_329 : i32
      %get3A_331 = arith.index_cast %mul3A_330 : i32 to index
      %get3A_332 = tpu.vector_load %arg21[%get3A_331] {strides = array<i32>} : memref<8192xi32, #tpu.memory_space<vmem>>, vector<16xi32>,
      %shift_right_logical3A_333 = arith.constant 24 : i32
      %shift_right_logical3A_334 = vector.broadcast %shift_right_logical3A_333 : i32 to vector<16xi32>
      %shift_right_logical3A_335 = arith.shrui %get3A_320, %shift_right_logical3A_334 : vector<16xi32>
      %shift_right_logical3A_336 = arith.constant 24 : i32
      %shift_right_logical3A_337 = vector.broadcast %shift_right_logical3A_336 : i32 to vector<16xi32>
      %shift_right_logical3A_338 = arith.shrui %get3A_324, %shift_right_logical3A_337 : vector<16xi32>
      %shift_right_logical3A_339 = arith.constant 24 : i32
      %shift_right_logical3A_340 = vector.broadcast %shift_right_logical3A_339 : i32 to vector<16xi32>
      %shift_right_logical3A_341 = arith.shrui %get3A_328, %shift_right_logical3A_340 : vector<16xi32>
      %shift_right_logical3A_342 = arith.constant 24 : i32
      %shift_right_logical3A_343 = vector.broadcast %shift_right_logical3A_342 : i32 to vector<16xi32>
      %shift_right_logical3A_344 = arith.shrui %get3A_332, %shift_right_logical3A_343 : vector<16xi32>
      %broadcast_in_dim3A_345 = arith.constant true
      %broadcast_in_dim3A_346 = vector.broadcast %broadcast_in_dim3A_345 : i1 to vector<16xi1>
      %unique3A_347, %unique3A_348 = tpu.scan_count mask(%broadcast_in_dim3A_346 : vector<16xi1>) value(%shift_right_logical3A_335 : vector<16xi32>) : vector<16xi1>, vector<16xi32>
      %broadcast_in_dim3A_349 = arith.constant true
      %broadcast_in_dim3A_350 = vector.broadcast %broadcast_in_dim3A_349 : i1 to vector<16xi1>
      %unique3A_351, %unique3A_352 = tpu.scan_count mask(%broadcast_in_dim3A_350 : vector<16xi1>) value(%shift_right_logical3A_338 : vector<16xi32>) : vector<16xi1>, vector<16xi32>
      %broadcast_in_dim3A_353 = arith.constant true
      %broadcast_in_dim3A_354 = vector.broadcast %broadcast_in_dim3A_353 : i1 to vector<16xi1>
      %unique3A_355, %unique3A_356 = tpu.scan_count mask(%broadcast_in_dim3A_354 : vector<16xi1>) value(%shift_right_logical3A_341 : vector<16xi32>) : vector<16xi1>, vector<16xi32>
      %broadcast_in_dim3A_357 = arith.constant true
      %broadcast_in_dim3A_358 = vector.broadcast %broadcast_in_dim3A_357 : i1 to vector<16xi1>
      %unique3A_359, %unique3A_360 = tpu.scan_count mask(%broadcast_in_dim3A_358 : vector<16xi1>) value(%shift_right_logical3A_344 : vector<16xi32>) : vector<16xi1>, vector<16xi32>
      %gather3A_361 = tpu.vector_load_idx %arg7[%shift_right_logical3A_335] : memref<2048xi32, #tpu.memory_space<vmem>>[vector<16xi32>], vector<16xi32>,
      %add3A_362 = arith.addi %gather3A_361, %unique3A_348 : vector<16xi32>
      %and3A_363 = arith.constant 8191 : i32
      %and3A_364 = vector.broadcast %and3A_363 : i32 to vector<16xi32>
      %and3A_365 = arith.andi %get3A_320, %and3A_364 : vector<16xi32>
      tpu.vector_store_idx %arg5[%add3A_362], %and3A_365 : memref<8192xi32, #tpu.memory_space<vmem>>[vector<16xi32>], vector<16xi32>,
      tpu.vector_store_idx %arg7[%shift_right_logical3A_335], %broadcast_in_dim3A_69 {add = true} : memref<2048xi32, #tpu.memory_space<vmem>>[vector<16xi32>], vector<16xi32>,
      %gather3A_366 = tpu.vector_load_idx %arg12[%shift_right_logical3A_338] : memref<2048xi32, #tpu.memory_space<vmem>>[vector<16xi32>], vector<16xi32>,
      %add3A_367 = arith.addi %gather3A_366, %unique3A_352 : vector<16xi32>
      %and3A_368 = arith.constant 8191 : i32
      %and3A_369 = vector.broadcast %and3A_368 : i32 to vector<16xi32>
      %and3A_370 = arith.andi %get3A_324, %and3A_369 : vector<16xi32>
      tpu.vector_store_idx %arg10[%add3A_367], %and3A_370 : memref<8192xi32, #tpu.memory_space<vmem>>[vector<16xi32>], vector<16xi32>,
      tpu.vector_store_idx %arg12[%shift_right_logical3A_338], %broadcast_in_dim3A_69 {add = true} : memref<2048xi32, #tpu.memory_space<vmem>>[vector<16xi32>], vector<16xi32>,
      %gather3A_371 = tpu.vector_load_idx %arg17[%shift_right_logical3A_341] : memref<2048xi32, #tpu.memory_space<vmem>>[vector<16xi32>], vector<16xi32>,
      %add3A_372 = arith.addi %gather3A_371, %unique3A_356 : vector<16xi32>
      %and3A_373 = arith.constant 8191 : i32
      %and3A_374 = vector.broadcast %and3A_373 : i32 to vector<16xi32>
      %and3A_375 = arith.andi %get3A_328, %and3A_374 : vector<16xi32>
      tpu.vector_store_idx %arg15[%add3A_372], %and3A_375 : memref<8192xi32, #tpu.memory_space<vmem>>[vector<16xi32>], vector<16xi32>,
      tpu.vector_store_idx %arg17[%shift_right_logical3A_341], %broadcast_in_dim3A_69 {add = true} : memref<2048xi32, #tpu.memory_space<vmem>>[vector<16xi32>], vector<16xi32>,
      %gather3A_376 = tpu.vector_load_idx %arg22[%shift_right_logical3A_344] : memref<2048xi32, #tpu.memory_space<vmem>>[vector<16xi32>], vector<16xi32>,
      %add3A_377 = arith.addi %gather3A_376, %unique3A_360 : vector<16xi32>
      %and3A_378 = arith.constant 8191 : i32
      %and3A_379 = vector.broadcast %and3A_378 : i32 to vector<16xi32>
      %and3A_380 = arith.andi %get3A_332, %and3A_379 : vector<16xi32>
      tpu.vector_store_idx %arg20[%add3A_377], %and3A_380 : memref<8192xi32, #tpu.memory_space<vmem>>[vector<16xi32>], vector<16xi32>,
      tpu.vector_store_idx %arg22[%shift_right_logical3A_344], %broadcast_in_dim3A_69 {add = true} : memref<2048xi32, #tpu.memory_space<vmem>>[vector<16xi32>], vector<16xi32>,
      %scan3A_381 = arith.constant 3 : i32
      %scan3A_382 = arith.addi %scan3A_188, %scan3A_381 : i32
      %mul3A_383 = arith.constant 16 : i32
      %mul3A_384 = arith.muli %scan3A_382, %mul3A_383 : i32
      %get3A_385 = arith.index_cast %mul3A_384 : i32 to index
      %get3A_386 = tpu.vector_load %arg6[%get3A_385] {strides = array<i32>} : memref<8192xi32, #tpu.memory_space<vmem>>, vector<16xi32>,
      %mul3A_387 = arith.constant 16 : i32
      %mul3A_388 = arith.muli %scan3A_382, %mul3A_387 : i32
      %get3A_389 = arith.index_cast %mul3A_388 : i32 to index
      %get3A_390 = tpu.vector_load %arg11[%get3A_389] {strides = array<i32>} : memref<8192xi32, #tpu.memory_space<vmem>>, vector<16xi32>,
      %mul3A_391 = arith.constant 16 : i32
      %mul3A_392 = arith.muli %scan3A_382, %mul3A_391 : i32
      %get3A_393 = arith.index_cast %mul3A_392 : i32 to index
      %get3A_394 = tpu.vector_load %arg16[%get3A_393] {strides = array<i32>} : memref<8192xi32, #tpu.memory_space<vmem>>, vector<16xi32>,
      %mul3A_395 = arith.constant 16 : i32
      %mul3A_396 = arith.muli %scan3A_382, %mul3A_395 : i32
      %get3A_397 = arith.index_cast %mul3A_396 : i32 to index
      %get3A_398 = tpu.vector_load %arg21[%get3A_397] {strides = array<i32>} : memref<8192xi32, #tpu.memory_space<vmem>>, vector<16xi32>,
      %shift_right_logical3A_399 = arith.constant 24 : i32
      %shift_right_logical3A_400 = vector.broadcast %shift_right_logical3A_399 : i32 to vector<16xi32>
      %shift_right_logical3A_401 = arith.shrui %get3A_386, %shift_right_logical3A_400 : vector<16xi32>
      %shift_right_logical3A_402 = arith.constant 24 : i32
      %shift_right_logical3A_403 = vector.broadcast %shift_right_logical3A_402 : i32 to vector<16xi32>
      %shift_right_logical3A_404 = arith.shrui %get3A_390, %shift_right_logical3A_403 : vector<16xi32>
      %shift_right_logical3A_405 = arith.constant 24 : i32
      %shift_right_logical3A_406 = vector.broadcast %shift_right_logical3A_405 : i32 to vector<16xi32>
      %shift_right_logical3A_407 = arith.shrui %get3A_394, %shift_right_logical3A_406 : vector<16xi32>
      %shift_right_logical3A_408 = arith.constant 24 : i32
      %shift_right_logical3A_409 = vector.broadcast %shift_right_logical3A_408 : i32 to vector<16xi32>
      %shift_right_logical3A_410 = arith.shrui %get3A_398, %shift_right_logical3A_409 : vector<16xi32>
      %broadcast_in_dim3A_411 = arith.constant true
      %broadcast_in_dim3A_412 = vector.broadcast %broadcast_in_dim3A_411 : i1 to vector<16xi1>
      %unique3A_413, %unique3A_414 = tpu.scan_count mask(%broadcast_in_dim3A_412 : vector<16xi1>) value(%shift_right_logical3A_401 : vector<16xi32>) : vector<16xi1>, vector<16xi32>
      %broadcast_in_dim3A_415 = arith.constant true
      %broadcast_in_dim3A_416 = vector.broadcast %broadcast_in_dim3A_415 : i1 to vector<16xi1>
      %unique3A_417, %unique3A_418 = tpu.scan_count mask(%broadcast_in_dim3A_416 : vector<16xi1>) value(%shift_right_logical3A_404 : vector<16xi32>) : vector<16xi1>, vector<16xi32>
      %broadcast_in_dim3A_419 = arith.constant true
      %broadcast_in_dim3A_420 = vector.broadcast %broadcast_in_dim3A_419 : i1 to vector<16xi1>
      %unique3A_421, %unique3A_422 = tpu.scan_count mask(%broadcast_in_dim3A_420 : vector<16xi1>) value(%shift_right_logical3A_407 : vector<16xi32>) : vector<16xi1>, vector<16xi32>
      %broadcast_in_dim3A_423 = arith.constant true
      %broadcast_in_dim3A_424 = vector.broadcast %broadcast_in_dim3A_423 : i1 to vector<16xi1>
      %unique3A_425, %unique3A_426 = tpu.scan_count mask(%broadcast_in_dim3A_424 : vector<16xi1>) value(%shift_right_logical3A_410 : vector<16xi32>) : vector<16xi1>, vector<16xi32>
      %gather3A_427 = tpu.vector_load_idx %arg7[%shift_right_logical3A_401] : memref<2048xi32, #tpu.memory_space<vmem>>[vector<16xi32>], vector<16xi32>,
      %add3A_428 = arith.addi %gather3A_427, %unique3A_414 : vector<16xi32>
      %and3A_429 = arith.constant 8191 : i32
      %and3A_430 = vector.broadcast %and3A_429 : i32 to vector<16xi32>
      %and3A_431 = arith.andi %get3A_386, %and3A_430 : vector<16xi32>
      tpu.vector_store_idx %arg5[%add3A_428], %and3A_431 : memref<8192xi32, #tpu.memory_space<vmem>>[vector<16xi32>], vector<16xi32>,
      tpu.vector_store_idx %arg7[%shift_right_logical3A_401], %broadcast_in_dim3A_69 {add = true} : memref<2048xi32, #tpu.memory_space<vmem>>[vector<16xi32>], vector<16xi32>,
      %gather3A_432 = tpu.vector_load_idx %arg12[%shift_right_logical3A_404] : memref<2048xi32, #tpu.memory_space<vmem>>[vector<16xi32>], vector<16xi32>,
      %add3A_433 = arith.addi %gather3A_432, %unique3A_418 : vector<16xi32>
      %and3A_434 = arith.constant 8191 : i32
      %and3A_435 = vector.broadcast %and3A_434 : i32 to vector<16xi32>
      %and3A_436 = arith.andi %get3A_390, %and3A_435 : vector<16xi32>
      tpu.vector_store_idx %arg10[%add3A_433], %and3A_436 : memref<8192xi32, #tpu.memory_space<vmem>>[vector<16xi32>], vector<16xi32>,
      tpu.vector_store_idx %arg12[%shift_right_logical3A_404], %broadcast_in_dim3A_69 {add = true} : memref<2048xi32, #tpu.memory_space<vmem>>[vector<16xi32>], vector<16xi32>,
      %gather3A_437 = tpu.vector_load_idx %arg17[%shift_right_logical3A_407] : memref<2048xi32, #tpu.memory_space<vmem>>[vector<16xi32>], vector<16xi32>,
      %add3A_438 = arith.addi %gather3A_437, %unique3A_422 : vector<16xi32>
      %and3A_439 = arith.constant 8191 : i32
      %and3A_440 = vector.broadcast %and3A_439 : i32 to vector<16xi32>
      %and3A_441 = arith.andi %get3A_394, %and3A_440 : vector<16xi32>
      tpu.vector_store_idx %arg15[%add3A_438], %and3A_441 : memref<8192xi32, #tpu.memory_space<vmem>>[vector<16xi32>], vector<16xi32>,
      tpu.vector_store_idx %arg17[%shift_right_logical3A_407], %broadcast_in_dim3A_69 {add = true} : memref<2048xi32, #tpu.memory_space<vmem>>[vector<16xi32>], vector<16xi32>,
      %gather3A_442 = tpu.vector_load_idx %arg22[%shift_right_logical3A_410] : memref<2048xi32, #tpu.memory_space<vmem>>[vector<16xi32>], vector<16xi32>,
      %add3A_443 = arith.addi %gather3A_442, %unique3A_426 : vector<16xi32>
      %and3A_444 = arith.constant 8191 : i32
      %and3A_445 = vector.broadcast %and3A_444 : i32 to vector<16xi32>
      %and3A_446 = arith.andi %get3A_398, %and3A_445 : vector<16xi32>
      tpu.vector_store_idx %arg20[%add3A_443], %and3A_446 : memref<8192xi32, #tpu.memory_space<vmem>>[vector<16xi32>], vector<16xi32>,
      tpu.vector_store_idx %arg22[%shift_right_logical3A_410], %broadcast_in_dim3A_69 {add = true} : memref<2048xi32, #tpu.memory_space<vmem>>[vector<16xi32>], vector<16xi32>,
    }
    %scan3A_131 = arith.constant 512 : i32
    %add3A_132 = arith.constant 0 : i32
    %add3A_133 = arith.addi %mul3A_2, %add3A_132 : i32
    %dma_start3A_134 = arith.constant 0 : i32
    %dma_start3A_135 = tpu.memref_slice %arg3[%add3A_133, %dma_start3A_134] : memref<128x8192xi32, #tpu.memory_space<hbm>> -> memref<1x8192xi32, #tpu.memory_space<hbm>>
    %dma_start3A_136 = tpu.memref_squeeze %dma_start3A_135 : memref<1x8192xi32, #tpu.memory_space<hbm>> -> memref<8192xi32, #tpu.memory_space<hbm>>
    %dma_start3A_137 = arith.constant 0 : i32
    %dma_start3A_138 = tpu.memref_slice %arg3[%add3A_133, %dma_start3A_137] : memref<128x8192xi32, #tpu.memory_space<hbm>> -> memref<1x8192xi32, #tpu.memory_space<hbm>>
    %dma_start3A_139 = tpu.memref_squeeze %dma_start3A_138 : memref<1x8192xi32, #tpu.memory_space<hbm>> -> memref<8192xi32, #tpu.memory_space<hbm>>
    tpu.enqueue_dma source(%arg5 : memref<8192xi32, #tpu.memory_space<vmem>>) target(%dma_start3A_139 : memref<8192xi32, #tpu.memory_space<hbm>>) target_semaphore(%arg24 : memref<!tpu.dma_semaphore, #tpu.memory_space<semaphore_mem>>)
    %add3A_140 = arith.constant 1 : i32
    %add3A_141 = arith.addi %mul3A_2, %add3A_140 : i32
    %dma_start3A_142 = arith.constant 0 : i32
    %dma_start3A_143 = tpu.memref_slice %arg3[%add3A_141, %dma_start3A_142] : memref<128x8192xi32, #tpu.memory_space<hbm>> -> memref<1x8192xi32, #tpu.memory_space<hbm>>
    %dma_start3A_144 = tpu.memref_squeeze %dma_start3A_143 : memref<1x8192xi32, #tpu.memory_space<hbm>> -> memref<8192xi32, #tpu.memory_space<hbm>>
    %dma_start3A_145 = arith.constant 0 : i32
    %dma_start3A_146 = tpu.memref_slice %arg3[%add3A_141, %dma_start3A_145] : memref<128x8192xi32, #tpu.memory_space<hbm>> -> memref<1x8192xi32, #tpu.memory_space<hbm>>
    %dma_start3A_147 = tpu.memref_squeeze %dma_start3A_146 : memref<1x8192xi32, #tpu.memory_space<hbm>> -> memref<8192xi32, #tpu.memory_space<hbm>>
    tpu.enqueue_dma source(%arg10 : memref<8192xi32, #tpu.memory_space<vmem>>) target(%dma_start3A_147 : memref<8192xi32, #tpu.memory_space<hbm>>) target_semaphore(%arg24 : memref<!tpu.dma_semaphore, #tpu.memory_space<semaphore_mem>>)
    %add3A_148 = arith.constant 2 : i32
    %add3A_149 = arith.addi %mul3A_2, %add3A_148 : i32
    %dma_start3A_150 = arith.constant 0 : i32
    %dma_start3A_151 = tpu.memref_slice %arg3[%add3A_149, %dma_start3A_150] : memref<128x8192xi32, #tpu.memory_space<hbm>> -> memref<1x8192xi32, #tpu.memory_space<hbm>>
    %dma_start3A_152 = tpu.memref_squeeze %dma_start3A_151 : memref<1x8192xi32, #tpu.memory_space<hbm>> -> memref<8192xi32, #tpu.memory_space<hbm>>
    %dma_start3A_153 = arith.constant 0 : i32
    %dma_start3A_154 = tpu.memref_slice %arg3[%add3A_149, %dma_start3A_153] : memref<128x8192xi32, #tpu.memory_space<hbm>> -> memref<1x8192xi32, #tpu.memory_space<hbm>>
    %dma_start3A_155 = tpu.memref_squeeze %dma_start3A_154 : memref<1x8192xi32, #tpu.memory_space<hbm>> -> memref<8192xi32, #tpu.memory_space<hbm>>
    tpu.enqueue_dma source(%arg15 : memref<8192xi32, #tpu.memory_space<vmem>>) target(%dma_start3A_155 : memref<8192xi32, #tpu.memory_space<hbm>>) target_semaphore(%arg24 : memref<!tpu.dma_semaphore, #tpu.memory_space<semaphore_mem>>)
    %add3A_156 = arith.constant 3 : i32
    %add3A_157 = arith.addi %mul3A_2, %add3A_156 : i32
    %dma_start3A_158 = arith.constant 0 : i32
    %dma_start3A_159 = tpu.memref_slice %arg3[%add3A_157, %dma_start3A_158] : memref<128x8192xi32, #tpu.memory_space<hbm>> -> memref<1x8192xi32, #tpu.memory_space<hbm>>
    %dma_start3A_160 = tpu.memref_squeeze %dma_start3A_159 : memref<1x8192xi32, #tpu.memory_space<hbm>> -> memref<8192xi32, #tpu.memory_space<hbm>>
    %dma_start3A_161 = arith.constant 0 : i32
    %dma_start3A_162 = tpu.memref_slice %arg3[%add3A_157, %dma_start3A_161] : memref<128x8192xi32, #tpu.memory_space<hbm>> -> memref<1x8192xi32, #tpu.memory_space<hbm>>
    %dma_start3A_163 = tpu.memref_squeeze %dma_start3A_162 : memref<1x8192xi32, #tpu.memory_space<hbm>> -> memref<8192xi32, #tpu.memory_space<hbm>>
    tpu.enqueue_dma source(%arg20 : memref<8192xi32, #tpu.memory_space<vmem>>) target(%dma_start3A_163 : memref<8192xi32, #tpu.memory_space<hbm>>) target_semaphore(%arg24 : memref<!tpu.dma_semaphore, #tpu.memory_space<semaphore_mem>>)
    %dma_wait3A_164 = arith.constant 0 : i32
    %dma_wait3A_165 = tpu.memref_slice %arg3[%add3A_133, %dma_wait3A_164] : memref<128x8192xi32, #tpu.memory_space<hbm>> -> memref<1x8192xi32, #tpu.memory_space<hbm>>
    %dma_wait3A_166 = tpu.memref_squeeze %dma_wait3A_165 : memref<1x8192xi32, #tpu.memory_space<hbm>> -> memref<8192xi32, #tpu.memory_space<hbm>>
    %dma_wait3A_167 = arith.constant 0 : i32
    %dma_wait3A_168 = tpu.memref_slice %arg3[%add3A_133, %dma_wait3A_167] : memref<128x8192xi32, #tpu.memory_space<hbm>> -> memref<1x8192xi32, #tpu.memory_space<hbm>>
    %dma_wait3A_169 = tpu.memref_squeeze %dma_wait3A_168 : memref<1x8192xi32, #tpu.memory_space<hbm>> -> memref<8192xi32, #tpu.memory_space<hbm>>
    tpu.wait_dma2 semaphore(%arg24 : memref<!tpu.dma_semaphore, #tpu.memory_space<semaphore_mem>>) src(%arg5 : memref<8192xi32, #tpu.memory_space<vmem>>) dst(%dma_wait3A_169 : memref<8192xi32, #tpu.memory_space<hbm>>)
    %dma_wait3A_170 = arith.constant 0 : i32
    %dma_wait3A_171 = tpu.memref_slice %arg3[%add3A_141, %dma_wait3A_170] : memref<128x8192xi32, #tpu.memory_space<hbm>> -> memref<1x8192xi32, #tpu.memory_space<hbm>>
    %dma_wait3A_172 = tpu.memref_squeeze %dma_wait3A_171 : memref<1x8192xi32, #tpu.memory_space<hbm>> -> memref<8192xi32, #tpu.memory_space<hbm>>
    %dma_wait3A_173 = arith.constant 0 : i32
    %dma_wait3A_174 = tpu.memref_slice %arg3[%add3A_141, %dma_wait3A_173] : memref<128x8192xi32, #tpu.memory_space<hbm>> -> memref<1x8192xi32, #tpu.memory_space<hbm>>
    %dma_wait3A_175 = tpu.memref_squeeze %dma_wait3A_174 : memref<1x8192xi32, #tpu.memory_space<hbm>> -> memref<8192xi32, #tpu.memory_space<hbm>>
    tpu.wait_dma2 semaphore(%arg24 : memref<!tpu.dma_semaphore, #tpu.memory_space<semaphore_mem>>) src(%arg10 : memref<8192xi32, #tpu.memory_space<vmem>>) dst(%dma_wait3A_175 : memref<8192xi32, #tpu.memory_space<hbm>>)
    %dma_wait3A_176 = arith.constant 0 : i32
    %dma_wait3A_177 = tpu.memref_slice %arg3[%add3A_149, %dma_wait3A_176] : memref<128x8192xi32, #tpu.memory_space<hbm>> -> memref<1x8192xi32, #tpu.memory_space<hbm>>
    %dma_wait3A_178 = tpu.memref_squeeze %dma_wait3A_177 : memref<1x8192xi32, #tpu.memory_space<hbm>> -> memref<8192xi32, #tpu.memory_space<hbm>>
    %dma_wait3A_179 = arith.constant 0 : i32
    %dma_wait3A_180 = tpu.memref_slice %arg3[%add3A_149, %dma_wait3A_179] : memref<128x8192xi32, #tpu.memory_space<hbm>> -> memref<1x8192xi32, #tpu.memory_space<hbm>>
    %dma_wait3A_181 = tpu.memref_squeeze %dma_wait3A_180 : memref<1x8192xi32, #tpu.memory_space<hbm>> -> memref<8192xi32, #tpu.memory_space<hbm>>
    tpu.wait_dma2 semaphore(%arg24 : memref<!tpu.dma_semaphore, #tpu.memory_space<semaphore_mem>>) src(%arg15 : memref<8192xi32, #tpu.memory_space<vmem>>) dst(%dma_wait3A_181 : memref<8192xi32, #tpu.memory_space<hbm>>)
    %dma_wait3A_182 = arith.constant 0 : i32
    %dma_wait3A_183 = tpu.memref_slice %arg3[%add3A_157, %dma_wait3A_182] : memref<128x8192xi32, #tpu.memory_space<hbm>> -> memref<1x8192xi32, #tpu.memory_space<hbm>>
    %dma_wait3A_184 = tpu.memref_squeeze %dma_wait3A_183 : memref<1x8192xi32, #tpu.memory_space<hbm>> -> memref<8192xi32, #tpu.memory_space<hbm>>
    %dma_wait3A_185 = arith.constant 0 : i32
    %dma_wait3A_186 = tpu.memref_slice %arg3[%add3A_157, %dma_wait3A_185] : memref<128x8192xi32, #tpu.memory_space<hbm>> -> memref<1x8192xi32, #tpu.memory_space<hbm>>
    %dma_wait3A_187 = tpu.memref_squeeze %dma_wait3A_186 : memref<1x8192xi32, #tpu.memory_space<hbm>> -> memref<8192xi32, #tpu.memory_space<hbm>>
    tpu.wait_dma2 semaphore(%arg24 : memref<!tpu.dma_semaphore, #tpu.memory_space<semaphore_mem>>) src(%arg20 : memref<8192xi32, #tpu.memory_space<vmem>>) dst(%dma_wait3A_187 : memref<8192xi32, #tpu.memory_space<hbm>>)
    return
  }
}

</mosaic_0001>

<sc_bundles>
// kernel: kernel.3.cloned.1.call-start
scs
__scs_entry_jumppad:
0x0: {  	(pc) =	sbr.rel $0x88, $3  }
0x1: {  	(tag) =	ssettag $0x0;
	lr =	simm.s32 $0x1  }
0x2: {  	[smem:$0x3FA0] =	sst lr;
	_ =	strace $0xD0000000  }
0x3: {  	_ = 	snop  }
0x4: {  	_ = 	snop  }
0x5: {  	_ = 	snop  }
0x6: {  	_ = 	snop  }
0x7: {  	_ = 	snop  }
__scs_overlays_trampoline_lowered:
0x8: {  	[smem:$0x3FAF] =	sst s0  }
0x9: {  	[smem:$0x3FB0] =	sst s1  }
0xa: {  	[smem:$0x3FB1] =	sst s2  }
0xb: {  	[smem:$0x3FB2] =	sst s3  }
0xc: {  	[smem:$0x3FB3] =	sst s4  }
0xd: {  	[smem:$0x3FB4] =	sst s5  }
0xe: {  	[smem:$0x3FB5] =	sst s6  }
0xf: {  	[smem:$0x3FB6] =	sst s7  }
0x10: {  	[smem:$0x3FB7] =	sst s8  }
0x11: {  	[smem:$0x3FB8] =	sst s9;
	s0 =	simm.s32 @!p0 $0x0  }
0x12: {  	s1 =	sld [smem:$0x3F9E];
	s0 =	simm.s32 @p0 $0x1  }
0x13: {  	[smem:$0x3FB9] =	sst s0;
	s0 =	simm.s32 @!p1 $0x0  }
0x14: {  	s2 =	sld [smem:$0x3F9D];
	s0 =	simm.s32 @p1 $0x1  }
0x15: {  	[smem:$0x3FBA] =	sst s0;
	s0 =	simm.s32 @!p2 $0x0  }
0x16: {  	s3 =	sld [smem:$0x3FDB];
	s0 =	simm.s32 @p2 $0x1  }
0x17: {  	s4 =	simm.s32 $0x1BF5;
	[smem:$0x3FBC] =	sst s0  }
0x18: {  	s0 =	sld [smem:$0x3F9F];
	_ =	swait.ge [sflag:s4], $0x0  }
0x19: {  	s7 =	sld [smem:$0x3FA0]  }
0x1a: {  	s8 =	sadd.s32 $0xFFFFE003, lr  }
0x1b: {  	s9 =	sadd.s32 $0xFFFFFEF7, lr;
	s5 =	simm.s32 $0xFFFFFFFF;
	p2 =	slt.u32 s8, $0xFFFFF086  }
0x1c: {  	p1 =	slt.u32 s9, $0xF7A;
	s5 =	simm.s32 @!p2 $0x0  }
0x1d: {  	s5 =	simm.s32 @p1 $0x1;
	p0 =	seq.s32 s7, s2  }
0x1e: {  	s7 =	smul.u32 @!p0 $0xF7A, s2;
	p2 =	seq.s32 @!p0 s5, $0x0  }
0x1f: {  	s9 =	smul.u32 $0xF7A, s1;
	s8 =	simm.s32 @!p0 $0x1BF5;
	p2 =	por !p2, p0  }
0x20: {  	[sflag:s8] =	ssyncset.s32 @!p0 $0xFFFFF086;
	s6 =	sadd.s32 @!p0 s3, s7;
	s7 =	simm.s32 @!p0 $0x108  }
0x21: {  	s3 =	sadd.s32 s3, s9;
	s6 =	sadd.s32 @!p0 $0x88, s6;
	s7 =	simm.s32 @p2 $0x1082  }
0x22: {  	[simem:s7], [sflag:s8] =	dma.local @!p0 [hbm:s6], $0xF7A  }
0x23: {  	s9 =	sor.u32 $0xD0000000, s2;
	s6 =	simm.s32 $0x108;
	_ =	swait.ge @!p0 [sflag:s8], $0x0  }
0x24: {  	s3 =	sadd.s32 $0x88, s3;
	s6 =	simm.s32 @!p1 $0x1082;
	[sflag:s4] =	ssyncset.s32 $0xFFFFF086  }
0x25: {  	[simem:s6], [sflag:s4] =	dma.local [hbm:s3], $0xF7A  }
0x26: {  	[smem:$0x3FA0] =	sst s1;
	(tag) =	ssettag s2;
	_ =	strace s9  }
0x27: {  	s1 =	sld [smem:$0x3FB0]  }
0x28: {  	s2 =	sld [smem:$0x3FB1]  }
0x29: {  	s4 =	sld [smem:$0x3FB3]  }
0x2a: {  	p0 =	seq.s32 s5, $0x0;
	s5 =	sld [smem:$0x3FB4]  }
0x2b: {  	s6 =	sld [smem:$0x3FB5]  }
0x2c: {  	s7 =	sld [smem:$0x3FB6]  }
0x2d: {  	s3 =	simm.s32 $0x108;
	s8 =	sld [smem:$0x3FB7]  }
0x2e: {  	s3 =	simm.s32 @!p0 $0x1082;
	s9 =	sld [smem:$0x3FB8]  }
0x2f: {  	lr =	sadd.s32 s0, s3;
	s0 =	sld [smem:$0x3FAF]  }
0x30: {  	s3 =	sld [smem:$0x3FB2]  }
0x31: {  	[smem:$0x3FBB] =	sst s10  }
0x32: {  	s10 =	sld [smem:$0x3FB9];
	_ =	sdelay $0x3  }
0x33: {  	p0 =	seq.s32 s10, $0x1;
	s10 =	sld [smem:$0x3FBB];
	_ =	sdelay $0x3  }
0x34: {  	[smem:$0x3FBB] =	sst s10  }
0x35: {  	s10 =	sld [smem:$0x3FBA];
	_ =	sdelay $0x3  }
0x36: {  	p1 =	seq.s32 s10, $0x1;
	s10 =	sld [smem:$0x3FBB];
	_ =	sdelay $0x3  }
0x37: {  	[smem:$0x3FBB] =	sst s10  }
0x38: {  	s10 =	sld [smem:$0x3FBC]  }
0x39: {  	_ = 	snop;
	(pc) =	sbr.ind lr, $3  }
0x3a: {  	_ = 	snop  }
0x3b: {  	_ = 	snop  }
0x3c: {  	p2 =	seq.s32 s10, $0x1;
	s10 =	sld [smem:$0x3FBB]  }
0x3d: {  	_ =	shalt  }
0x3e: {  	_ =	shalt  }
0x3f: {  	_ =	shalt  }
0x40: {  	_ =	shalt  }
0x41: {  	_ =	shalt  }
0x42: {  	_ =	shalt  }
0x43: {  	_ =	shalt  }
0x44: {  	_ =	shalt  }
0x45: {  	_ =	shalt  }
0x46: {  	_ =	shalt  }
0x47: {  	_ =	shalt  }
0x48: {  	_ =	shalt  }
0x49: {  	_ =	shalt  }
0x4a: {  	_ =	shalt  }
0x4b: {  	_ =	shalt  }
0x4c: {  	_ =	shalt  }
0x4d: {  	_ =	shalt  }
0x4e: {  	_ =	shalt  }
0x4f: {  	_ =	shalt  }
0x50: {  	_ =	shalt  }
0x51: {  	_ =	shalt  }
0x52: {  	_ =	shalt  }
0x53: {  	_ =	shalt  }
0x54: {  	_ =	shalt  }
0x55: {  	_ =	shalt  }
0x56: {  	_ =	shalt  }
0x57: {  	_ =	shalt  }
0x58: {  	_ =	shalt  }
0x59: {  	_ =	shalt  }
0x5a: {  	_ =	shalt  }
0x5b: {  	_ =	shalt  }
0x5c: {  	_ =	shalt  }
0x5d: {  	_ =	shalt  }
0x5e: {  	_ =	shalt  }
0x5f: {  	_ =	shalt  }
0x60: {  	_ =	shalt  }
0x61: {  	_ =	shalt  }
0x62: {  	_ =	shalt  }
0x63: {  	_ =	shalt  }
0x64: {  	_ =	shalt  }
0x65: {  	_ =	shalt  }
0x66: {  	_ =	shalt  }
0x67: {  	_ =	shalt  }
0x68: {  	_ =	shalt  }
0x69: {  	_ =	shalt  }
0x6a: {  	_ =	shalt  }
0x6b: {  	_ =	shalt  }
0x6c: {  	_ =	shalt  }
0x6d: {  	_ =	shalt  }
0x6e: {  	_ =	shalt  }
0x6f: {  	_ =	shalt  }
0x70: {  	_ =	shalt  }
0x71: {  	_ =	shalt  }
0x72: {  	_ =	shalt  }
0x73: {  	_ =	shalt  }
0x74: {  	_ =	shalt  }
0x75: {  	_ =	shalt  }
0x76: {  	_ =	shalt  }
0x77: {  	_ =	shalt  }
0x78: {  	_ =	shalt  }
0x79: {  	_ =	shalt  }
0x7a: {  	_ =	shalt  }
0x7b: {  	_ =	shalt  }
0x7c: {  	_ =	shalt  }
0x7d: {  	_ =	shalt  }
0x7e: {  	_ =	shalt  }
0x7f: {  	_ =	shalt  }
0x80: {  	_ =	shalt  }
0x81: {  	_ =	shalt  }
0x82: {  	_ =	shalt  }
0x83: {  	_ =	shalt  }
0x84: {  	_ =	shalt  }
0x85: {  	_ =	shalt  }
0x86: {  	_ =	shalt  }
0x87: {  	_ =	shalt  }
.Lfunc_end0:
.L_simem_size_0:
called_computation_lowered:
.L_overlay_start_0:
0x88: {  	s2 =	sld [smem:$0x3FD9]  }
0x89: {  	s3 =	sld [smem:$0x3FFE];
	_ =	sdelay $0x1  }
0x8a: {  	s1 =	srdreg.scid  }
0x8b: {  	s0 =	sand.u32 $0x1, s1  }
0x8c: {  	s17 =	sshll.u32 s0, $0xA;
	s2 =	sadd.s32 s3, s2  }
0x8d: {  	s2 =	sadd.s32 s2, s17  }
0x8e: {  	[smem:$0x3FC7] =	sst s2  }
0x8f: {  	_ = 	snop  }
0x90: {  	s2 =	sld [smem:$0x3FC9];
	(tm) =	ssettm $0x1  }
0x91: {  	s18 =	sld [smem:$0x3FFB];
	_ =	sdelay $0x3  }
0x92: {  	_ =	strace s18  }
0x93: {  	s3 =	sld [smem:$0x3FFC];
	_ =	sdelay $0x3  }
0x94: {  	_ =	strace s3  }
0x95: {  	s3 =	sld [smem:$0x3FFD];
	_ =	sdelay $0x3  }
0x96: {  	_ =	strace s3  }
0x97: {  	_ =	strace $0x8FFFFFFF  }
0x98: {  	s19 =	sld [smem:$0x3FDB];
	_ =	sdelay $0x1  }
0x99: {  	s4 =	simm.s32 $_scs_section_size  }
0x9a: {  	s5 =	simm.s32 $_size__tile_overlayer_lowered;
	s6 =	simm.s32 $_tile_overlayer_lowered  }
0x9b: {  	s22 =	simm.s32 $0x1BFF;
	s21 =	sshll.u32 s6, $0x1;
	s3 =	sadd.s32 s4, s19  }
0x9c: {  	s7 =	simm.s32 $0x0;
	s20 =	sshll.u32 s5, $0x1;
	s5 =	sadd.s32 s21, s3  }
0x9d: {  	[timem:s7], [sflag:s22] =	dma.local [hbm:s5], s20  }
0x9e: {  	_ =	swait.ge [sflag:s22], s20  }
0x9f: {  	s4 =	ssub.s32 $0x0, s20;
	[sflag:s22] =	ssyncset.done $0x0  }
0xa0: {  	[sflag:s22] =	ssyncadd.s32 s4;
	_ =	sdelay $0x1  }
0xa1: {  	s23 =	simm.s32 $0x1B8B  }
0xa2: {  	_ =	swait.ge [sflag:s23], $0x1  }
0xa3: {  	[sflag:s23] =	ssyncset.done $0x0  }
0xa4: {  	s25 =	simm.s32 $0x1B8E;
	s24 =	sld [smem:$0x3FFE];
	[sflag:s23] =	ssyncadd.s32 $0xFFFFFFFF  }
0xa5: {  	s26 =	simm.s32 $execute0_lowered;
	[smem:$0x3FD2] =	sst s25  }
0xa6: {  	s5 =	sshll.u32 s26, $0x1;
	_ =	strace $0x80000046;
	[dreg:$0x1] =	wrdreg $0xFFFFFFFF  }
0xa7: {  	s28 =	simm.s32 $_size_execute0_lowered;
	s3 =	sadd.s32 s3, s5;
	[dreg:$0x0] =	wrdreg $0x0  }
0xa8: {  	s5 =	sshll.u32 s28, $0x1;
	[dreg:$0x2] =	wrdreg s3  }
0xa9: {  	[dreg:$0x3] =	wrdreg s5  }
0xaa: {  	[dreg:$0x4] =	wrdreg $0xC0  }
0xab: {  	_ =	task [dreg:s7], $0x5FFFF  }
0xac: {  	[dreg:$0x1] =	wrdreg $0xFFFFFFFF  }
0xad: {  	[dreg:$0x0] =	wrdreg $0x60  }
0xae: {  	[dreg:$0x2] =	wrdreg s2  }
0xaf: {  	[dreg:$0x3] =	wrdreg s24  }
0xb0: {  	[dreg:$0x4] =	wrdreg $0x9  }
0xb1: {  	_ =	task.clear_ibuf [dreg:s7], $0x5FFFF;
	_ =	strace $0x90000046  }
0xb2: {  	s29 =	simm.s32 $0x9;
	_ =	strace $0x80000048  }
0xb3: {  	_ =	swait.ge [sflag:s29], $0x1  }
0xb4: {  	[sflag:s29] =	ssyncadd.s32 $0xFFFFFFFF  }
0xb5: {  	_ =	strace $0x90000048  }
0xb6: {  	_ =	sfence  }
0xb7: {  	s30 =	sld [smem:$0x0];
	_ =	sdelay $0x2  }
0xb8: {  	s31 =	sshll.u32 s1, $0xD;
	s1 =	sshrl.u32 s1, $0x2  }
0xb9: {  	s3 =	sand.u32 $0x4000, s31;
	s1 =	sadd.s32 s1, s30  }
0xba: {  	s0 =	sor.u32 s3, s0;
	s1 =	sshll.u32 s1, $0x11  }
0xbb: {  	s0 =	sor.u32 s1, s0  }
0xbc: {  	s0 =	sadd.s32 $0x8F2B, s0  }
0xbd: {  	[sflag:s0] =	ssyncadd.remote.s32 $0x1  }
0xbe: {  	_ =	sfence.sel $0xFFFF  }
0xbf: {  	[dreg:$0x0] =	wrdreg $0xFFFFFFFF;
	(pc) =	sbr.abs _section_cstart, $3  }
0xc0: {  	[dreg:$0x1] =	wrdreg $0xFFFFFFFF  }
0xc1: {  	_ =	task.clear_ibuf [dreg:s7], $0x2FFFF;
	_ =	strace $0x9FFFFFFF  }
0xc2: {  	(tm) =	ssettm $0x7FFFFFFF  }
0xc3: {  	_ =	shalt  }
tec
execute0_lowered:
.L_overlay_start_1:
0x0: {  	(tag) =	ssettag $0x1  }
0x1: {  	s0 =	rddreg [dreg:$0x0];
	s2 =	simm.s32 $0x0  }
0x2: {  	[smem:$0x7FF] =	sst s2  }
0x3: {  	s1 =	rddreg [dreg:$0x1];
	v0 =	vimm.s32 $0x0;
	_ =	strace $0x80000047  }
0x4: {  	(xrf1) =	vunique.msk.u32 $0xffff, v0;
	_ =	sdelay $0xd  }
0x5: {  	_, v1, _ =	vpop (xrf1)  }
0x6: {  	v1 =	vxor.u32 $0x80000000, v1  }
0x7: {  	(xrf0) =	vmin.scan.msk.u32 $0xffff, v1;
	_ =	sdelay $0x5  }
0x8: {  	v1, _, _ =	vpop (xrf0)  }
0x9: {  	s17 =	srdreg.scid;
	s5 =	stileid.u32;
	s14 =	simm.s32 $0x400;
	(v2sf) =	vpush v1, $0xF  }
0xa: {  	s28 =	simm.s32 $0x10000;
	s29 =	simm.s32 $0x14800;
	s30 =	simm.s32 $0x17000  }
0xb: {  	s31 =	simm.s32 $0x1B800;
	s15 =	simm.s32 $0x12000;
	s2 =	sand.u32 $0x1, s17  }
0xc: {  	s5 =	sshll.u32 s5, $0xD;
	s3 =	ssub.s32 $0x2, s2;
	s2 =	sshll.u32 s2, $0x6  }
0xd: {  	s16 =	simm.s32 $0x19000;
	s1 =	sadd.s32 $0xA00, s1;
	s2 =	sor.u32 s2, s5  }
0xe: {  	s17 =	simm.s32 $0x0;
	s4 =	sshrl.u32 s3, $0x1;
	s5 =	sadd.s32 s0, s2  }
0xf: {  	s19 =	sor.u32 $0x10, s2;
	s22 =	sadd.s32 s1, s2;
	[dreg:$0x3] =	wrdreg s5  }
0x10: {  	s21 =	sor.u32 $0x20, s2;
	s20 =	sadd.s32 s0, s19;
	[dreg:$0x7] =	wrdreg s22  }
0x11: {  	s7 =	sor.u32 $0x30, s2;
	s8 =	sadd.s32 s0, s21;
	[dreg:$0x4] =	wrdreg s20  }
0x12: {  	s4 =	ssub.s32 s3, s4;
	s0 =	sadd.s32 s0, s7;
	[dreg:$0x5] =	wrdreg s8  }
0x13: {  	s2 =	simm.s32 $0xB000;
	s23 =	sadd.s32 s1, s19;
	[dreg:$0x6] =	wrdreg s0  }
0x14: {  	s24 =	sadd.s32 s1, s21;
	s25 =	sadd.s32 s1, s7;
	[dreg:$0x8] =	wrdreg s23  }
0x15: {  	s26 =	smax.u32 s4, $0x1;
	s5 =	simm.s32 $0x80;
	[dreg:$0x9] =	wrdreg s24  }
0x16: {  	s19 =	simm.s32 $0x6000;
	s21 =	simm.s32 $0x14000;
	[dreg:$0xa] =	wrdreg s25  }
0x17: {  	s22 =	simm.s32 $0x1B000;
	[dreg:$0xb] =	wrdreg s26;
	s20 =	simm.s32 $0xD000  }
0x18: {  	s23 =	simm.s32 $0x2000;
	s24 =	simm.s32 $0x6800;
	s6 =	spop (v2sf)  }
0x19: {  	s25 =	simm.s32 $0x9000;
	s26 =	simm.s32 $0xD800;
	s18 =	sxor.u32 $0x7FFFFFFF, s6  }
0x1a: {  	v2 =	vlaneseq.u32;
	s0 =	simm.s32 $0x4000;
	v1 =	vimm.s32 $0x1;
	s3 =	sadd.s32 $0x1, s18;
	s18 =	simm.s32 $0x1  }
.LBB2_1:
0x1b: {  	s1 =	simm.s32 $0x0;
	s4 =	rddreg [dreg:$0x3]  }
0x1c: {  	[tilespmem:s1], [sflag:$0x1] =	stream.strided.gather [hbm4b:s4+s5], $0x2000, s14, s5, $0x38;
	[tilespmem:$0x1C000] =	vst v63  }
0x1d: {  	s6 =	rddreg [dreg:$0x4];
	s7 =	simm.s32 $0x7000  }
0x1e: {  	[tilespmem:s7], [sflag:$0x1] =	stream.strided.gather [hbm4b:s6+s5], $0x2000, s14, s5, $0x38;
	[tilespmem:$0x1C000] =	vst v63  }
0x1f: {  	s8 =	rddreg [dreg:$0x5];
	s9 =	simm.s32 $0xE000  }
0x20: {  	[tilespmem:s9], [sflag:$0x1] =	stream.strided.gather [hbm4b:s8+s5], $0x2000, s14, s5, $0x38;
	[tilespmem:$0x1C000] =	vst v63  }
0x21: {  	s10 =	rddreg [dreg:$0x6];
	s11 =	simm.s32 $0x15000  }
0x22: {  	[tilespmem:s11], [sflag:$0x1] =	stream.strided.gather [hbm4b:s10+s5], $0x2000, s14, s5, $0x38;
	[tilespmem:$0x1C000] =	vst v63  }
0x23: {  	_ =	swait.ge [sflag:s18], $0x2000  }
0x24: {  	[sflag:s18] =	ssyncset.done $0x0  }
0x25: {  	[sflag:s18] =	ssyncadd.s32 $0xFFFFE000  }
0x26: {  	_ =	swait.ge [sflag:s18], $0x2000  }
0x27: {  	[sflag:s18] =	ssyncset.done $0x0  }
0x28: {  	[sflag:s18] =	ssyncadd.s32 $0xFFFFE000  }
0x29: {  	_ =	swait.ge [sflag:s18], $0x2000  }
0x2a: {  	[sflag:s18] =	ssyncset.done $0x0  }
0x2b: {  	[sflag:s18] =	ssyncadd.s32 $0xFFFFE000  }
0x2c: {  	_ =	swait.ge [sflag:s18], $0x2000  }
0x2d: {  	[sflag:s18] =	ssyncset.done $0x0  }
0x2e: {  	s12 =	simm.s32 $0x6020;
	[sflag:s18] =	ssyncadd.s32 $0xFFFFE000  }
0x2f: {  	s13 =	simm.s32 $0xD020;
	[tilespmem:s12+$0xFFFFFFE0] =	vst v0  }
0x30: {  	s7 =	simm.s32 $0x14020;
	[tilespmem:s13+$0xFFFFFFE0] =	vst v0  }
0x31: {  	s8 =	simm.s32 $0x1B020;
	[tilespmem:s7+$0xFFFFFFE0] =	vst v0  }
0x32: {  	[tilespmem:s8+$0xFFFFFFE0] =	vst v0  }
0x33: {  	[tilespmem:s12+$0xFFFFFFF0] =	vst v0  }
0x34: {  	[tilespmem:s13+$0xFFFFFFF0] =	vst v0  }
0x35: {  	[tilespmem:s7+$0xFFFFFFF0] =	vst v0  }
0x36: {  	[tilespmem:s8+$0xFFFFFFF0] =	vst v0  }
0x37: {  	[tilespmem:s12+$0x0] =	vst v0  }
0x38: {  	[tilespmem:s13+$0x0] =	vst v0  }
0x39: {  	[tilespmem:s7+$0x0] =	vst v0  }
0x3a: {  	[tilespmem:s8+$0x0] =	vst v0  }
0x3b: {  	s1 =	simm.s32 $0xE020;
	[tilespmem:s12+$0x10] =	vst v0  }
0x3c: {  	s4 =	simm.s32 $0x7020;
	s6 =	simm.s32 $0x20;
	s9 =	simm.s32 $0x0;
	[tilespmem:s13+$0x10] =	vst v0  }
0x3d: {  	s10 =	simm.s32 $0xD060;
	s11 =	simm.s32 $0x6060;
	s5 =	simm.s32 $0x15020;
	[tilespmem:s7+$0x10] =	vst v0  }
.LBB2_2:
0x3e: {  	s9 =	sadd.s32 $0x4, s9;
	[tilespmem:s8+$0x10] =	vst v0;
	s8 =	sadd.s32 $0x40, s8;
	s7 =	sadd.s32 $0x40, s7  }
0x3f: {  	[tilespmem:s11+$0xFFFFFFE0] =	vst v0;
	p0 =	slt.u32 s9, $0x7C  }
0x40: {  	[tilespmem:s10+$0xFFFFFFE0] =	vst v0  }
0x41: {  	[tilespmem:s7+$0xFFFFFFE0] =	vst v0  }
0x42: {  	[tilespmem:s8+$0xFFFFFFE0] =	vst v0  }
0x43: {  	[tilespmem:s11+$0xFFFFFFF0] =	vst v0  }
0x44: {  	[tilespmem:s10+$0xFFFFFFF0] =	vst v0  }
0x45: {  	[tilespmem:s7+$0xFFFFFFF0] =	vst v0  }
0x46: {  	[tilespmem:s8+$0xFFFFFFF0] =	vst v0  }
0x47: {  	[tilespmem:s11+$0x0] =	vst v0  }
0x48: {  	[tilespmem:s10+$0x0] =	vst v0  }
.Ltmp0:
0x49: {  	[tilespmem:s7+$0x0] =	vst v0;
	(pc) =	sbr.rel @p0 .LBB2_2-.Ltmp0, $4  }
0x4a: {  	[tilespmem:s8+$0x0] =	vst v0  }
0x4b: {  	[tilespmem:s11+$0x10] =	vst v0  }
0x4c: {  	[tilespmem:s10+$0x10] =	vst v0  }
0x4d: {  	s11 =	sadd.s32 $0x40, s11;
	s10 =	sadd.s32 $0x40, s10;
	[tilespmem:s7+$0x10] =	vst v0  }
0x4e: {  	[tilespmem:s8+$0x10] =	vst v0  }
0x4f: {  	v3 =	vld [tilespmem:s6+$0x10]  }
0x50: {  	v4 =	vld [tilespmem:s4+$0x10]  }
0x51: {  	v5 =	vld [tilespmem:s1+$0x10]  }
0x52: {  	v6 =	vld [tilespmem:s5+$0x10]  }
0x53: {  	v7 =	vld [tilespmem:s4+$0xFFFFFFE0]  }
0x54: {  	v8 =	vld [tilespmem:s1+$0xFFFFFFE0]  }
0x55: {  	v9 =	vld [tilespmem:s6+$0xFFFFFFF0]  }
0x56: {  	v10 =	vld [tilespmem:s4+$0xFFFFFFF0];
	v3 =	vand.u32 $0x7FF, v3  }
0x57: {  	v11 =	vld [tilespmem:s1+$0xFFFFFFF0]  }
0x58: {  	v13 =	vld [tilespmem:s6+$0xFFFFFFE0];
	v4 =	vand.u32 $0x7FF, v4  }
0x59: {  	v58 =	vld [tilespmem:s4+$0x0]  }
0x5a: {  	v60 =	vld [tilespmem:s1+$0x0];
	v5 =	vand.u32 $0x7FF, v5  }
0x5b: {  	[tilespmem:v3+s19+$0x0] =	vst.idx.add.s32.msk $0xffff, v1  }
0x5c: {  	v3 =	vld [tilespmem:s5+$0xFFFFFFF0]  }
0x5d: {  	v63 =	vand.u32 $0x7FF, v13;
	[tilespmem:v4+s20+$0x0] =	vst.idx.add.s32.msk $0xffff, v1  }
0x5e: {  	v6 =	vand.u32 $0x7FF, v6;
	v4 =	vld [tilespmem:s6+$0x0]  }
0x5f: {  	[tilespmem:v5+s21+$0x0] =	vst.idx.add.s32.msk $0xffff, v1;
	v5 =	vand.u32 $0x7FF, v9  }
0x60: {  	v12 =	vld [tilespmem:s5+$0x0];
	v59 =	vand.u32 $0x7FF, v10  }
0x61: {  	v14 =	vld [tilespmem:s5+$0xFFFFFFE0];
	v11 =	vand.u32 $0x7FF, v11  }
0x62: {  	[tilespmem:v63+s19+$0x0] =	vst.idx.add.s32.msk $0xffff, v1;
	v3 =	vand.u32 $0x7FF, v3  }
0x63: {  	[tilespmem:v6+s22+$0x0] =	vst.idx.add.s32.msk $0xffff, v1;
	v4 =	vand.u32 $0x7FF, v4  }
0x64: {  	[tilespmem:v5+s19+$0x0] =	vst.idx.add.s32.msk $0xffff, v1;
	v5 =	vand.u32 $0x7FF, v58  }
0x65: {  	v61 =	vand.u32 $0x7FF, v60;
	[tilespmem:v59+s20+$0x0] =	vst.idx.add.s32.msk $0xffff, v1  }
0x66: {  	v62 =	vand.u32 $0x7FF, v12;
	[tilespmem:v11+s21+$0x0] =	vst.idx.add.s32.msk $0xffff, v1  }
0x67: {  	[tilespmem:v3+s22+$0x0] =	vst.idx.add.s32.msk $0xffff, v1;
	v3 =	vand.u32 $0x7FF, v7  }
0x68: {  	[tilespmem:v4+s19+$0x0] =	vst.idx.add.s32.msk $0xffff, v1;
	v4 =	vand.u32 $0x7FF, v8  }
0x69: {  	[tilespmem:v5+s20+$0x0] =	vst.idx.add.s32.msk $0xffff, v1  }
0x6a: {  	[tilespmem:v61+s21+$0x0] =	vst.idx.add.s32.msk $0xffff, v1  }
0x6b: {  	[tilespmem:v62+s22+$0x0] =	vst.idx.add.s32.msk $0xffff, v1  }
0x6c: {  	[tilespmem:v3+s20+$0x0] =	vst.idx.add.s32.msk $0xffff, v1  }
0x6d: {  	s7 =	simm.s32 $0x60;
	s6 =	simm.s32 $0x0;
	v3 =	vand.u32 $0x7FF, v14;
	[tilespmem:v4+s21+$0x0] =	vst.idx.add.s32.msk $0xffff, v1  }
.LBB2_4:
0x6e: {  	v4 =	vld [tilespmem:s7+$0x10];
	s4 =	sadd.s32 $0x40, s4  }
0x6f: {  	s1 =	sadd.s32 $0x40, s1;
	v5 =	vld [tilespmem:s4+$0x10]  }
0x70: {  	s5 =	sadd.s32 $0x40, s5;
	v6 =	vld [tilespmem:s1+$0x10]  }
0x71: {  	s6 =	sadd.s32 $0x4, s6;
	v7 =	vld [tilespmem:s5+$0x10]  }
0x72: {  	p0 =	slt.u32 s6, $0x1FC;
	v8 =	vld [tilespmem:s4+$0xFFFFFFE0]  }
0x73: {  	v9 =	vld [tilespmem:s1+$0xFFFFFFE0];
	v4 =	vand.u32 $0x7FF, v4  }
0x74: {  	v10 =	vld [tilespmem:s5+$0xFFFFFFE0];
	v5 =	vand.u32 $0x7FF, v5  }
0x75: {  	v11 =	vld [tilespmem:s7+$0xFFFFFFF0];
	v6 =	vand.u32 $0x7FF, v6  }
0x76: {  	v12 =	vld [tilespmem:s4+$0xFFFFFFF0];
	v7 =	vand.u32 $0x7FF, v7  }
0x77: {  	v8 =	vand.u32 $0x7FF, v8;
	v13 =	vld [tilespmem:s1+$0xFFFFFFF0]  }
0x78: {  	v9 =	vand.u32 $0x7FF, v9;
	[tilespmem:v4+s19+$0x0] =	vst.idx.add.s32.msk $0xffff, v1  }
0x79: {  	v4 =	vand.u32 $0x7FF, v10;
	[tilespmem:v5+s20+$0x0] =	vst.idx.add.s32.msk $0xffff, v1  }
0x7a: {  	v5 =	vand.u32 $0x7FF, v11;
	[tilespmem:v6+s21+$0x0] =	vst.idx.add.s32.msk $0xffff, v1  }
0x7b: {  	v6 =	vand.u32 $0x7FF, v12;
	[tilespmem:v7+s22+$0x0] =	vst.idx.add.s32.msk $0xffff, v1  }
0x7c: {  	v7 =	vld [tilespmem:s5+$0xFFFFFFF0];
	v10 =	vand.u32 $0x7FF, v13  }
0x7d: {  	v11 =	vld [tilespmem:s7+$0x0]  }
0x7e: {  	v12 =	vld [tilespmem:s4+$0x0]  }
0x7f: {  	v13 =	vld [tilespmem:s1+$0x0]  }
0x80: {  	v14 =	vld [tilespmem:s5+$0x0]  }
0x81: {  	v15 =	vld [tilespmem:s7+$0xFFFFFFE0];
	v7 =	vand.u32 $0x7FF, v7  }
0x82: {  	v11 =	vand.u32 $0x7FF, v11;
	[tilespmem:v3+s22+$0x0] =	vst.idx.add.s32.msk $0xffff, v1;
	v3 =	vmov v4  }
0x83: {  	[tilespmem:v5+s19+$0x0] =	vst.idx.add.s32.msk $0xffff, v1;
	v4 =	vand.u32 $0x7FF, v12  }
0x84: {  	[tilespmem:v6+s20+$0x0] =	vst.idx.add.s32.msk $0xffff, v1;
	v5 =	vand.u32 $0x7FF, v13  }
0x85: {  	[tilespmem:v10+s21+$0x0] =	vst.idx.add.s32.msk $0xffff, v1;
	v6 =	vand.u32 $0x7FF, v14  }
0x86: {  	v10 =	vand.u32 $0x7FF, v15;
	[tilespmem:v7+s22+$0x0] =	vst.idx.add.s32.msk $0xffff, v1  }
0x87: {  	[tilespmem:v11+s19+$0x0] =	vst.idx.add.s32.msk $0xffff, v1  }
0x88: {  	[tilespmem:v4+s20+$0x0] =	vst.idx.add.s32.msk $0xffff, v1  }
.Ltmp1:
0x89: {  	[tilespmem:v5+s21+$0x0] =	vst.idx.add.s32.msk $0xffff, v1;
	(pc) =	sbr.rel @p0 .LBB2_4-.Ltmp1, $4  }
0x8a: {  	[tilespmem:v6+s22+$0x0] =	vst.idx.add.s32.msk $0xffff, v1  }
0x8b: {  	[tilespmem:v10+s19+$0x0] =	vst.idx.add.s32.msk $0xffff, v1  }
0x8c: {  	[tilespmem:v8+s20+$0x0] =	vst.idx.add.s32.msk $0xffff, v1  }
0x8d: {  	s7 =	sadd.s32 $0x40, s7;
	[tilespmem:v9+s21+$0x0] =	vst.idx.add.s32.msk $0xffff, v1  }
0x8e: {  	_ =	sdelay $0x3  }
0x8f: {  	[tilespmem:v3+s22+$0x0] =	vst.idx.add.s32.msk $0xffff, v1;
	s4 =	simm.s32 $0x0  }
0x90: {  	v3 =	vld [tilespmem:s4+$0x1B000];
	_ =	sdelay $0x3  }
0x91: {  	v4 =	vld [tilespmem:s4+$0x6000]  }
0x92: {  	(xrf0) =	vadd.scan.msk.s32 $0xffff, v3  }
0x93: {  	v5 =	vld [tilespmem:s4+$0xD000]  }
0x94: {  	v6 =	vld [tilespmem:s4+$0x14000];
	_ =	sdelay $0x1  }
0x95: {  	(xrf0) =	vadd.scan.msk.s32 $0xffff, v4;
	_ =	sdelay $0x1  }
0x96: {  	(xrf0) =	vadd.scan.msk.s32 $0xffff, v5;
	v7, _, _ =	vpop (xrf0)  }
0x97: {  	(xrf0) =	vadd.scan.msk.s32 $0xffff, v6;
	v8 =	vxor.u32 $0x80000000, v7  }
0x98: {  	(xrf0) =	vmax.scan.msk.u32 $0xffff, v8  }
0x99: {  	v3 =	vsub.s32 s3, v3  }
0x9a: {  	v4 =	vsub.s32 s3, v4;
	v9, _, _ =	vpop (xrf0);
	v3 =	vadd.s32 v7, v3  }
0x9b: {  	v4 =	vadd.s32 v9, v4  }
0x9c: {  	v7, _, _ =	vpop (xrf0)  }
0x9d: {  	[tilespmem:s4+$0x1B000] =	vst v3;
	v3, _, _ =	vpop (xrf0)  }
0x9e: {  	[tilespmem:s4+$0x6000] =	vst v4;
	v4, _, _ =	vpop (xrf0)  }
0x9f: {  	(v2sf) =	vpush v4, $0xF;
	_ =	sdelay $0x3  }
0xa0: {  	v10 =	vxor.u32 $0x80000000, v9  }
0xa1: {  	v5 =	vsub.s32 s3, v5;
	(xrf0) =	vmax.scan.msk.u32 $0xffff, v10  }
0xa2: {  	s1 =	simm.s32 $0x10;
	v8 =	vadd.s32 v7, v5;
	v7 =	vxor.u32 $0x80000000, v7  }
0xa3: {  	v5 =	vld [tilespmem:s1+$0x1B000];
	[tilespmem:s4+$0xD000] =	vst v8;
	(xrf0) =	vmax.scan.msk.u32 $0xffff, v7;
	v8 =	vxor.u32 $0x80000000, v3  }
0xa4: {  	(xrf0) =	vmax.scan.msk.u32 $0xffff, v8;
	_ =	sdelay $0x2  }
0xa5: {  	v6 =	vsub.s32 s3, v6;
	v9, _, _ =	vpop (xrf0)  }
0xa6: {  	v4 =	vadd.s32 v3, v6;
	(v2sf) =	vpush v9, $0xF  }
0xa7: {  	v6 =	vld [tilespmem:s1+$0x6000];
	[tilespmem:s4+$0x14000] =	vst v4;
	v7, _, _ =	vpop (xrf0)  }
0xa8: {  	v4 =	vld [tilespmem:s1+$0xD000];
	(v2sf) =	vpush v7, $0xF;
	v11, _, _ =	vpop (xrf0)  }
0xa9: {  	(xrf0) =	vadd.scan.msk.s32 $0xffff, v5;
	v3 =	vld [tilespmem:s1+$0x14000];
	s13 =	spop (v2sf);
	(v2sf) =	vpush v11, $0xF;
	_ =	sdelay $0x2  }
0xaa: {  	(xrf0) =	vadd.scan.msk.s32 $0xffff, v6  }
0xab: {  	(xrf0) =	vadd.scan.msk.s32 $0xffff, v4  }
0xac: {  	(xrf0) =	vadd.scan.msk.s32 $0xffff, v3  }
0xad: {  	v10, _, _ =	vpop (xrf0)  }
0xae: {  	v8 =	vxor.u32 $0x80000000, v10;
	_ =	sdelay $0x1  }
0xaf: {  	v9, _, _ =	vpop (xrf0)  }
0xb0: {  	(xrf0) =	vmax.scan.msk.u32 $0xffff, v8;
	v12 =	vxor.u32 $0x80000000, v9;
	v8, _, _ =	vpop (xrf0)  }
0xb1: {  	s9 =	simm.s32 $0x80;
	s6 =	smov.u32 s3;
	s5 =	smov.u32 s3;
	(xrf0) =	vmax.scan.msk.u32 $0xffff, v12;
	v13 =	vxor.u32 $0x80000000, v8;
	v7, _, _ =	vpop (xrf0)  }
0xb2: {  	s4 =	smov.u32 s3;
	v11 =	vxor.u32 $0x80000000, v7;
	(xrf0) =	vmax.scan.msk.u32 $0xffff, v13;
	s7 =	sadd.s32 s13, s3;
	s10 =	spop (v2sf)  }
.LBB2_6:
0xb3: {  	s6 =	sadd.s32 s10, s6  }
0xb4: {  	(xrf0) =	vmax.scan.msk.u32 $0xffff, v11;
	s7 =	sadd.s32 $0x80000000, s7;
	s8 =	spop (v2sf);
	s10 =	smov.u32 s9  }
0xb5: {  	v11 =	vsub.s32 s7, v5;
	s6 =	sadd.s32 $0x80000000, s6;
	s5 =	sadd.s32 s8, s5;
	s11 =	spop (v2sf)  }
0xb6: {  	s8 =	sadd.s32 $0x40, s9;
	v12 =	vsub.s32 s6, v6;
	v10 =	vadd.s32 v10, v11;
	s5 =	sadd.s32 $0x80000000, s5;
	s4 =	sadd.s32 s11, s4  }
0xb7: {  	p0 =	sne.s32 s9, $0x1FC0;
	v9 =	vadd.s32 v9, v12;
	v11 =	vsub.s32 s5, v4;
	[tilespmem:s1+$0x1B000] =	vst v10;
	v5, _, _ =	vpop (xrf0);
	s4 =	sadd.s32 $0x80000000, s4  }
0xb8: {  	s9 =	sshra.s32 s10, $0x2;
	[tilespmem:s1+$0x6000] =	vst v9;
	v8 =	vadd.s32 v8, v11;
	v9 =	vsub.s32 s4, v3;
	v6, _, _ =	vpop (xrf0);
	(v2sf) =	vpush v5, $0xF  }
0xb9: {  	v5 =	vld [tilespmem:s9+$0x1B000];
	[tilespmem:s1+$0xD000] =	vst v8;
	v7 =	vadd.s32 v7, v9;
	(v2sf) =	vpush v6, $0xF;
	v4, _, _ =	vpop (xrf0)  }
0xba: {  	v6 =	vld [tilespmem:s9+$0x6000];
	[tilespmem:s1+$0x14000] =	vst v7;
	(v2sf) =	vpush v4, $0xF;
	v3, _, _ =	vpop (xrf0);
	s1 =	smov.u32 s9  }
0xbb: {  	v4 =	vld [tilespmem:s1+$0xD000];
	(v2sf) =	vpush v3, $0xF  }
0xbc: {  	v3 =	vld [tilespmem:s1+$0x14000];
	_ =	sdelay $0x1  }
0xbd: {  	(xrf0) =	vadd.scan.msk.s32 $0xffff, v5  }
0xbe: {  	(xrf0) =	vadd.scan.msk.s32 $0xffff, v6  }
0xbf: {  	(xrf0) =	vadd.scan.msk.s32 $0xffff, v4  }
0xc0: {  	(xrf0) =	vadd.scan.msk.s32 $0xffff, v3;
	_ =	sdelay $0x2  }
.Ltmp2:
0xc1: {  	v10, _, _ =	vpop (xrf0);
	(pc) =	sbr.rel @p0 .LBB2_6-.Ltmp2, $4  }
0xc2: {  	v13 =	vxor.u32 $0x80000000, v10;
	v9, _, _ =	vpop (xrf0)  }
0xc3: {  	v11 =	vxor.u32 $0x80000000, v9;
	v8, _, _ =	vpop (xrf0);
	(xrf0) =	vmax.scan.msk.u32 $0xffff, v13  }
0xc4: {  	v12 =	vxor.u32 $0x80000000, v8;
	(xrf0) =	vmax.scan.msk.u32 $0xffff, v11;
	v7, _, _ =	vpop (xrf0);
	s9 =	spop (v2sf)  }
0xc5: {  	v11 =	vxor.u32 $0x80000000, v7;
	(xrf0) =	vmax.scan.msk.u32 $0xffff, v12;
	s7 =	sadd.s32 s9, s7;
	s10 =	spop (v2sf);
	s9 =	smov.u32 s8  }
0xc6: {  	(xrf0) =	vmax.scan.msk.u32 $0xffff, v11;
	_ =	sdelay $0x1  }
0xc7: {  	s6 =	sadd.s32 s10, s6;
	s7 =	sadd.s32 $0x80000000, s7;
	s8 =	spop (v2sf)  }
0xc8: {  	v5 =	vsub.s32 s7, v5;
	s6 =	sadd.s32 $0x80000000, s6;
	s5 =	sadd.s32 s8, s5;
	s13 =	spop (v2sf);
	v60, _, _ =	vpop (xrf0)  }
0xc9: {  	v6 =	vsub.s32 s6, v6;
	v5 =	vadd.s32 v10, v5;
	s5 =	sadd.s32 $0x80000000, s5;
	s4 =	sadd.s32 s13, s4;
	v61, _, _ =	vpop (xrf0);
	(v2sf) =	vpush v60, $0xF  }
0xca: {  	v6 =	vadd.s32 v9, v6;
	v4 =	vsub.s32 s5, v4;
	[tilespmem:s1+$0x1B000] =	vst v5;
	s4 =	sadd.s32 $0x80000000, s4;
	(v2sf) =	vpush v61, $0xF;
	v62, _, _ =	vpop (xrf0)  }
0xcb: {  	[tilespmem:s1+$0x6000] =	vst v6;
	v4 =	vadd.s32 v8, v4;
	v3 =	vsub.s32 s4, v3;
	(v2sf) =	vpush v62, $0xF;
	v63, _, _ =	vpop (xrf0)  }
0xcc: {  	[tilespmem:s1+$0xD000] =	vst v4;
	v3 =	vadd.s32 v7, v3;
	(v2sf) =	vpush v63, $0xF  }
0xcd: {  	s6 =	simm.s32 $0x6820;
	[tilespmem:s1+$0x14000] =	vst v3  }
0xce: {  	s7 =	simm.s32 $0xD820;
	[tilespmem:s6+$0xFFFFFFE0] =	vst v0  }
0xcf: {  	s9 =	simm.s32 $0x14820;
	[tilespmem:s7+$0xFFFFFFE0] =	vst v0  }
0xd0: {  	s10 =	simm.s32 $0x1B820;
	[tilespmem:s9+$0xFFFFFFE0] =	vst v0  }
0xd1: {  	[tilespmem:s10+$0xFFFFFFE0] =	vst v0  }
0xd2: {  	[tilespmem:s6+$0xFFFFFFF0] =	vst v0  }
0xd3: {  	[tilespmem:s7+$0xFFFFFFF0] =	vst v0  }
0xd4: {  	[tilespmem:s9+$0xFFFFFFF0] =	vst v0  }
0xd5: {  	[tilespmem:s10+$0xFFFFFFF0] =	vst v0  }
0xd6: {  	[tilespmem:s6+$0x0] =	vst v0  }
0xd7: {  	[tilespmem:s7+$0x0] =	vst v0  }
0xd8: {  	[tilespmem:s9+$0x0] =	vst v0;
	s8 =	spop (v2sf)  }
0xd9: {  	[tilespmem:s10+$0x0] =	vst v0;
	s11 =	spop (v2sf)  }
0xda: {  	[tilespmem:s6+$0x10] =	vst v0;
	s12 =	spop (v2sf)  }
0xdb: {  	s1 =	simm.s32 $0xFFFFFFFC;
	[tilespmem:s7+$0x10] =	vst v0;
	s13 =	spop (v2sf)  }
0xdc: {  	s11 =	simm.s32 $0x0;
	[tilespmem:s9+$0x10] =	vst v0;
	s12 =	simm.s32 $0xD860;
	s13 =	simm.s32 $0x6860  }
.LBB2_8:
0xdd: {  	s11 =	sadd.s32 $0x4, s11;
	[tilespmem:s10+$0x10] =	vst v0;
	s10 =	sadd.s32 $0x40, s10;
	s9 =	sadd.s32 $0x40, s9  }
0xde: {  	[tilespmem:s13+$0xFFFFFFE0] =	vst v0;
	p0 =	slt.u32 s11, $0x7C  }
0xdf: {  	[tilespmem:s12+$0xFFFFFFE0] =	vst v0  }
0xe0: {  	[tilespmem:s9+$0xFFFFFFE0] =	vst v0  }
0xe1: {  	[tilespmem:s10+$0xFFFFFFE0] =	vst v0  }
0xe2: {  	[tilespmem:s13+$0xFFFFFFF0] =	vst v0  }
0xe3: {  	[tilespmem:s12+$0xFFFFFFF0] =	vst v0  }
0xe4: {  	[tilespmem:s9+$0xFFFFFFF0] =	vst v0  }
0xe5: {  	[tilespmem:s10+$0xFFFFFFF0] =	vst v0  }
0xe6: {  	[tilespmem:s13+$0x0] =	vst v0  }
0xe7: {  	[tilespmem:s12+$0x0] =	vst v0  }
.Ltmp3:
0xe8: {  	[tilespmem:s9+$0x0] =	vst v0;
	(pc) =	sbr.rel @p0 .LBB2_8-.Ltmp3, $4  }
0xe9: {  	[tilespmem:s10+$0x0] =	vst v0  }
0xea: {  	s4 =	simm.s32 $0xE020;
	[tilespmem:s13+$0x10] =	vst v0  }
0xeb: {  	s5 =	simm.s32 $0x15020;
	s6 =	simm.s32 $0x20;
	s7 =	simm.s32 $0x7020;
	[tilespmem:s12+$0x10] =	vst v0  }
0xec: {  	s8 =	simm.s32 $0x0;
	s13 =	sadd.s32 $0x40, s13;
	s12 =	sadd.s32 $0x40, s12;
	[tilespmem:s9+$0x10] =	vst v0  }
0xed: {  	[tilespmem:s10+$0x10] =	vst v0  }
.LBB2_10:
0xee: {  	v3 =	vld [tilespmem:s6+$0xFFFFFFE0];
	_ =	sdelay $0x4  }
0xef: {  	v4 =	vand.u32 $0x7FF, v3  }
0xf0: {  	(xrf1) =	vunique.msk.u32 $0xffff, v4;
	_ =	sdelay $0x6  }
0xf1: {  	v5 =	vld [tilespmem:s7+$0xFFFFFFE0];
	_ =	sdelay $0x2  }
0xf2: {  	v6 =	vld.idx.msk [tilespmem:v4+s19+$0x0], $0xffff;
	_ =	sdelay $0x1  }
0xf3: {  	v7 =	vand.u32 $0x7FF, v5  }
0xf4: {  	(xrf1) =	vunique.msk.u32 $0xffff, v7  }
0xf5: {  	_, v8, _ =	vpop (xrf1)  }
0xf6: {  	v6 =	vadd.s32 v8, v6  }
0xf7: {  	v56 =	vshrl.u32 v3, $0xB  }
0xf8: {  	v3 =	vshll.u32 v3, $0x2;
	v8 =	vand.u32 $0x7FF, v56  }
0xf9: {  	v9 =	vor.u32 s8, v2;
	v3 =	vand.u32 $0xFFFFE000, v3  }
0xfa: {  	v10 =	vld [tilespmem:s4+$0xFFFFFFE0];
	v3 =	vor.u32 v9, v3  }
0xfb: {  	v11 =	vld [tilespmem:s5+$0xFFFFFFE0];
	[tilespmem:v6+s23+$0x0] =	vst.idx.msk $0xffff, v3  }
0xfc: {  	[tilespmem:v4+s19+$0x0] =	vst.idx.add.s32.msk $0xffff, v1  }
0xfd: {  	[tilespmem:v8+s24+$0x0] =	vst.idx.add.s32.msk $0xffff, v1  }
0xfe: {  	v3 =	vld.idx.msk [tilespmem:v7+s20+$0x0], $0xffff;
	_ =	sdelay $0x1  }
0xff: {  	v57 =	vand.u32 $0x7FF, v10  }
0x100: {  	(xrf1) =	vunique.msk.u32 $0xffff, v57  }
0x101: {  	_, v58, _ =	vpop (xrf1)  }
0x102: {  	v3 =	vadd.s32 v58, v3  }
0x103: {  	v59 =	vshrl.u32 v5, $0xB  }
0x104: {  	v5 =	vshll.u32 v5, $0x2;
	v6 =	vand.u32 $0x7FF, v59  }
0x105: {  	v5 =	vand.u32 $0xFFFFE000, v5  }
0x106: {  	v5 =	vor.u32 v9, v5  }
0x107: {  	[tilespmem:v3+s25+$0x0] =	vst.idx.msk $0xffff, v5  }
0x108: {  	[tilespmem:v7+s20+$0x0] =	vst.idx.add.s32.msk $0xffff, v1  }
0x109: {  	[tilespmem:v6+s26+$0x0] =	vst.idx.add.s32.msk $0xffff, v1  }
0x10a: {  	v3 =	vld.idx.msk [tilespmem:v57+s21+$0x0], $0xffff;
	_ =	sdelay $0x1  }
0x10b: {  	v60 =	vand.u32 $0x7FF, v11  }
0x10c: {  	(xrf1) =	vunique.msk.u32 $0xffff, v60  }
0x10d: {  	_, v61, _ =	vpop (xrf1)  }
0x10e: {  	v3 =	vadd.s32 v61, v3  }
0x10f: {  	v62 =	vshrl.u32 v10, $0xB  }
0x110: {  	v63 =	vshll.u32 v10, $0x2;
	v6 =	vand.u32 $0x7FF, v62  }
0x111: {  	v7 =	vand.u32 $0xFFFFE000, v63  }
0x112: {  	v7 =	vor.u32 v9, v7  }
0x113: {  	[tilespmem:v3+s28+$0x0] =	vst.idx.msk $0xffff, v7  }
0x114: {  	[tilespmem:v57+s21+$0x0] =	vst.idx.add.s32.msk $0xffff, v1  }
0x115: {  	[tilespmem:v6+s29+$0x0] =	vst.idx.add.s32.msk $0xffff, v1  }
0x116: {  	v3 =	vld.idx.msk [tilespmem:v60+s22+$0x0], $0xffff;
	_ =	sdelay $0x3  }
0x117: {  	_, v8, _ =	vpop (xrf1)  }
0x118: {  	v3 =	vadd.s32 v8, v3  }
0x119: {  	v10 =	vshrl.u32 v11, $0xB  }
0x11a: {  	v12 =	vshll.u32 v11, $0x2;
	v4 =	vand.u32 $0x7FF, v10  }
0x11b: {  	v6 =	vand.u32 $0xFFFFE000, v12  }
0x11c: {  	v6 =	vor.u32 v9, v6  }
0x11d: {  	[tilespmem:v3+s30+$0x0] =	vst.idx.msk $0xffff, v6  }
0x11e: {  	[tilespmem:v60+s22+$0x0] =	vst.idx.add.s32.msk $0xffff, v1  }
0x11f: {  	[tilespmem:v4+s31+$0x0] =	vst.idx.add.s32.msk $0xffff, v1  }
0x120: {  	v3 =	vld [tilespmem:s6+$0xFFFFFFF0];
	_ =	sdelay $0x4  }
0x121: {  	v13 =	vand.u32 $0x7FF, v3  }
0x122: {  	(xrf1) =	vunique.msk.u32 $0xffff, v13;
	_ =	sdelay $0x6  }
0x123: {  	v5 =	vld [tilespmem:s7+$0xFFFFFFF0];
	_ =	sdelay $0x2  }
0x124: {  	v6 =	vld.idx.msk [tilespmem:v13+s19+$0x0], $0xffff;
	_ =	sdelay $0x1  }
0x125: {  	v14 =	vand.u32 $0x7FF, v5  }
0x126: {  	s9 =	sadd.s32 $0x10, s8;
	v3 =	vshll.u32 v3, $0x2;
	(xrf1) =	vunique.msk.u32 $0xffff, v14  }
0x127: {  	v15 =	vor.u32 s9, v2;
	v3 =	vand.u32 $0xFFFFE000, v3;
	_, v16, _ =	vpop (xrf1)  }
0x128: {  	v3 =	vor.u32 v15, v3;
	v6 =	vadd.s32 v16, v6  }
0x129: {  	v17 =	vshrl.u32 v3, $0xD  }
0x12a: {  	v9 =	vand.u32 $0x7FF, v17;
	_ =	sdelay $0x1  }
0x12b: {  	v18 =	vld [tilespmem:s4+$0xFFFFFFF0]  }
0x12c: {  	v19 =	vld [tilespmem:s5+$0xFFFFFFF0];
	[tilespmem:v6+s23+$0x0] =	vst.idx.msk $0xffff, v3  }
0x12d: {  	[tilespmem:v13+s19+$0x0] =	vst.idx.add.s32.msk $0xffff, v1  }
0x12e: {  	[tilespmem:v9+s24+$0x0] =	vst.idx.add.s32.msk $0xffff, v1  }
0x12f: {  	v3 =	vld.idx.msk [tilespmem:v14+s20+$0x0], $0xffff;
	_ =	sdelay $0x1  }
0x130: {  	v20 =	vand.u32 $0x7FF, v18  }
0x131: {  	v5 =	vshll.u32 v5, $0x2;
	(xrf1) =	vunique.msk.u32 $0xffff, v20  }
0x132: {  	v5 =	vand.u32 $0xFFFFE000, v5;
	_, v21, _ =	vpop (xrf1)  }
0x133: {  	v5 =	vor.u32 v15, v5;
	v3 =	vadd.s32 v21, v3  }
0x134: {  	v22 =	vshrl.u32 v5, $0xD  }
0x135: {  	v6 =	vand.u32 $0x7FF, v22;
	_ =	sdelay $0x2  }
0x136: {  	[tilespmem:v3+s25+$0x0] =	vst.idx.msk $0xffff, v5  }
0x137: {  	[tilespmem:v14+s20+$0x0] =	vst.idx.add.s32.msk $0xffff, v1  }
0x138: {  	[tilespmem:v6+s26+$0x0] =	vst.idx.add.s32.msk $0xffff, v1  }
0x139: {  	v3 =	vld.idx.msk [tilespmem:v20+s21+$0x0], $0xffff;
	_ =	sdelay $0x1  }
0x13a: {  	v23 =	vand.u32 $0x7FF, v19  }
0x13b: {  	v24 =	vshll.u32 v18, $0x2;
	(xrf1) =	vunique.msk.u32 $0xffff, v23  }
0x13c: {  	_, v25, _ =	vpop (xrf1);
	v6 =	vand.u32 $0xFFFFE000, v24  }
0x13d: {  	v6 =	vor.u32 v15, v6;
	v3 =	vadd.s32 v25, v3  }
0x13e: {  	v26 =	vshrl.u32 v6, $0xD  }
0x13f: {  	v7 =	vand.u32 $0x7FF, v26;
	_ =	sdelay $0x2  }
0x140: {  	[tilespmem:v3+s28+$0x0] =	vst.idx.msk $0xffff, v6  }
0x141: {  	[tilespmem:v20+s21+$0x0] =	vst.idx.add.s32.msk $0xffff, v1  }
0x142: {  	[tilespmem:v7+s29+$0x0] =	vst.idx.add.s32.msk $0xffff, v1  }
0x143: {  	v3 =	vld.idx.msk [tilespmem:v23+s22+$0x0], $0xffff;
	_ =	sdelay $0x2  }
0x144: {  	v27 =	vshll.u32 v19, $0x2  }
0x145: {  	v4 =	vand.u32 $0xFFFFE000, v27;
	_, v28, _ =	vpop (xrf1)  }
0x146: {  	v4 =	vor.u32 v15, v4;
	v3 =	vadd.s32 v28, v3  }
0x147: {  	v29 =	vshrl.u32 v4, $0xD  }
0x148: {  	v6 =	vand.u32 $0x7FF, v29;
	_ =	sdelay $0x2  }
0x149: {  	[tilespmem:v3+s30+$0x0] =	vst.idx.msk $0xffff, v4  }
0x14a: {  	[tilespmem:v23+s22+$0x0] =	vst.idx.add.s32.msk $0xffff, v1  }
0x14b: {  	[tilespmem:v6+s31+$0x0] =	vst.idx.add.s32.msk $0xffff, v1  }
0x14c: {  	v3 =	vld [tilespmem:s6+$0x0];
	_ =	sdelay $0x4  }
0x14d: {  	v30 =	vand.u32 $0x7FF, v3  }
0x14e: {  	(xrf1) =	vunique.msk.u32 $0xffff, v30;
	_ =	sdelay $0x6  }
0x14f: {  	v5 =	vld [tilespmem:s7+$0x0];
	_ =	sdelay $0x2  }
0x150: {  	v6 =	vld.idx.msk [tilespmem:v30+s19+$0x0], $0xffff;
	_ =	sdelay $0x1  }
0x151: {  	v31 =	vand.u32 $0x7FF, v5  }
0x152: {  	s12 =	sadd.s32 $0x20, s8;
	v3 =	vshll.u32 v3, $0x2;
	(xrf1) =	vunique.msk.u32 $0xffff, v31  }
0x153: {  	v32 =	vor.u32 s12, v2;
	v3 =	vand.u32 $0xFFFFE000, v3;
	_, v33, _ =	vpop (xrf1)  }
0x154: {  	v3 =	vor.u32 v32, v3;
	v6 =	vadd.s32 v33, v6  }
0x155: {  	v34 =	vshrl.u32 v3, $0xD  }
0x156: {  	v9 =	vand.u32 $0x7FF, v34;
	_ =	sdelay $0x1  }
0x157: {  	v35 =	vld [tilespmem:s4+$0x0]  }
0x158: {  	v36 =	vld [tilespmem:s5+$0x0];
	[tilespmem:v6+s23+$0x0] =	vst.idx.msk $0xffff, v3  }
0x159: {  	[tilespmem:v30+s19+$0x0] =	vst.idx.add.s32.msk $0xffff, v1  }
0x15a: {  	[tilespmem:v9+s24+$0x0] =	vst.idx.add.s32.msk $0xffff, v1  }
0x15b: {  	v3 =	vld.idx.msk [tilespmem:v31+s20+$0x0], $0xffff;
	_ =	sdelay $0x1  }
0x15c: {  	v37 =	vand.u32 $0x7FF, v35  }
0x15d: {  	v5 =	vshll.u32 v5, $0x2;
	(xrf1) =	vunique.msk.u32 $0xffff, v37  }
0x15e: {  	v5 =	vand.u32 $0xFFFFE000, v5;
	_, v38, _ =	vpop (xrf1)  }
0x15f: {  	v5 =	vor.u32 v32, v5;
	v3 =	vadd.s32 v38, v3  }
0x160: {  	v39 =	vshrl.u32 v5, $0xD  }
0x161: {  	v6 =	vand.u32 $0x7FF, v39;
	_ =	sdelay $0x2  }
0x162: {  	[tilespmem:v3+s25+$0x0] =	vst.idx.msk $0xffff, v5  }
0x163: {  	[tilespmem:v31+s20+$0x0] =	vst.idx.add.s32.msk $0xffff, v1  }
0x164: {  	[tilespmem:v6+s26+$0x0] =	vst.idx.add.s32.msk $0xffff, v1  }
0x165: {  	v3 =	vld.idx.msk [tilespmem:v37+s21+$0x0], $0xffff;
	_ =	sdelay $0x1  }
0x166: {  	v40 =	vand.u32 $0x7FF, v36  }
0x167: {  	v41 =	vshll.u32 v35, $0x2;
	(xrf1) =	vunique.msk.u32 $0xffff, v40  }
0x168: {  	_, v42, _ =	vpop (xrf1);
	v6 =	vand.u32 $0xFFFFE000, v41  }
0x169: {  	v6 =	vor.u32 v32, v6;
	v3 =	vadd.s32 v42, v3  }
0x16a: {  	v43 =	vshrl.u32 v6, $0xD  }
0x16b: {  	v7 =	vand.u32 $0x7FF, v43;
	_ =	sdelay $0x2  }
0x16c: {  	[tilespmem:v3+s28+$0x0] =	vst.idx.msk $0xffff, v6  }
0x16d: {  	[tilespmem:v37+s21+$0x0] =	vst.idx.add.s32.msk $0xffff, v1  }
0x16e: {  	[tilespmem:v7+s29+$0x0] =	vst.idx.add.s32.msk $0xffff, v1  }
0x16f: {  	v3 =	vld.idx.msk [tilespmem:v40+s22+$0x0], $0xffff;
	_ =	sdelay $0x2  }
0x170: {  	v44 =	vshll.u32 v36, $0x2  }
0x171: {  	v4 =	vand.u32 $0xFFFFE000, v44;
	_, v45, _ =	vpop (xrf1)  }
0x172: {  	v4 =	vor.u32 v32, v4;
	v3 =	vadd.s32 v45, v3  }
0x173: {  	v46 =	vshrl.u32 v4, $0xD  }
0x174: {  	v6 =	vand.u32 $0x7FF, v46;
	_ =	sdelay $0x2  }
0x175: {  	[tilespmem:v3+s30+$0x0] =	vst.idx.msk $0xffff, v4  }
0x176: {  	[tilespmem:v40+s22+$0x0] =	vst.idx.add.s32.msk $0xffff, v1  }
0x177: {  	[tilespmem:v6+s31+$0x0] =	vst.idx.add.s32.msk $0xffff, v1  }
0x178: {  	v3 =	vld [tilespmem:s6+$0x10];
	_ =	sdelay $0x4  }
0x179: {  	v47 =	vand.u32 $0x7FF, v3  }
0x17a: {  	(xrf1) =	vunique.msk.u32 $0xffff, v47;
	_ =	sdelay $0x6  }
0x17b: {  	v5 =	vld [tilespmem:s7+$0x10];
	_ =	sdelay $0x2  }
0x17c: {  	v6 =	vld.idx.msk [tilespmem:v47+s19+$0x0], $0xffff;
	_ =	sdelay $0x1  }
0x17d: {  	v48 =	vand.u32 $0x7FF, v5  }
0x17e: {  	s13 =	sadd.s32 $0x30, s8;
	v3 =	vshll.u32 v3, $0x2;
	(xrf1) =	vunique.msk.u32 $0xffff, v48  }
0x17f: {  	v49 =	vor.u32 s13, v2;
	v3 =	vand.u32 $0xFFFFE000, v3;
	_, v50, _ =	vpop (xrf1)  }
0x180: {  	v3 =	vor.u32 v49, v3;
	v6 =	vadd.s32 v50, v6  }
0x181: {  	v51 =	vshrl.u32 v3, $0xD  }
0x182: {  	v9 =	vand.u32 $0x7FF, v51;
	_ =	sdelay $0x1  }
0x183: {  	v52 =	vld [tilespmem:s4+$0x10]  }
0x184: {  	v53 =	vld [tilespmem:s5+$0x10];
	[tilespmem:v6+s23+$0x0] =	vst.idx.msk $0xffff, v3  }
0x185: {  	[tilespmem:v47+s19+$0x0] =	vst.idx.add.s32.msk $0xffff, v1  }
0x186: {  	[tilespmem:v9+s24+$0x0] =	vst.idx.add.s32.msk $0xffff, v1  }
0x187: {  	v3 =	vld.idx.msk [tilespmem:v48+s20+$0x0], $0xffff;
	_ =	sdelay $0x1  }
0x188: {  	v54 =	vand.u32 $0x7FF, v52  }
0x189: {  	v5 =	vshll.u32 v5, $0x2;
	(xrf1) =	vunique.msk.u32 $0xffff, v54  }
0x18a: {  	v5 =	vand.u32 $0xFFFFE000, v5;
	_, v55, _ =	vpop (xrf1)  }
0x18b: {  	v5 =	vor.u32 v49, v5;
	v3 =	vadd.s32 v55, v3  }
0x18c: {  	v56 =	vshrl.u32 v5, $0xD  }
0x18d: {  	v6 =	vand.u32 $0x7FF, v56;
	_ =	sdelay $0x2  }
0x18e: {  	[tilespmem:v3+s25+$0x0] =	vst.idx.msk $0xffff, v5  }
0x18f: {  	[tilespmem:v48+s20+$0x0] =	vst.idx.add.s32.msk $0xffff, v1  }
0x190: {  	[tilespmem:v6+s26+$0x0] =	vst.idx.add.s32.msk $0xffff, v1  }
0x191: {  	v3 =	vld.idx.msk [tilespmem:v54+s21+$0x0], $0xffff;
	_ =	sdelay $0x1  }
0x192: {  	v57 =	vand.u32 $0x7FF, v53  }
0x193: {  	v58 =	vshll.u32 v52, $0x2;
	(xrf1) =	vunique.msk.u32 $0xffff, v57  }
0x194: {  	_, v59, _ =	vpop (xrf1);
	v6 =	vand.u32 $0xFFFFE000, v58  }
0x195: {  	v6 =	vor.u32 v49, v6;
	v3 =	vadd.s32 v59, v3  }
0x196: {  	v60 =	vshrl.u32 v6, $0xD  }
0x197: {  	v7 =	vand.u32 $0x7FF, v60;
	_ =	sdelay $0x2  }
0x198: {  	[tilespmem:v3+s28+$0x0] =	vst.idx.msk $0xffff, v6  }
0x199: {  	[tilespmem:v54+s21+$0x0] =	vst.idx.add.s32.msk $0xffff, v1  }
0x19a: {  	[tilespmem:v7+s29+$0x0] =	vst.idx.add.s32.msk $0xffff, v1  }
0x19b: {  	v3 =	vld.idx.msk [tilespmem:v57+s22+$0x0], $0xffff;
	_ =	sdelay $0x2  }
0x19c: {  	v61 =	vshll.u32 v53, $0x2  }
0x19d: {  	v4 =	vand.u32 $0xFFFFE000, v61;
	_, v62, _ =	vpop (xrf1)  }
0x19e: {  	v4 =	vor.u32 v49, v4;
	v3 =	vadd.s32 v62, v3  }
0x19f: {  	s1 =	sadd.s32 $0x4, s1;
	v63 =	vshrl.u32 v4, $0xD  }
0x1a0: {  	p0 =	slt.u32 s1, $0x1FC;
	v6 =	vand.u32 $0x7FF, v63  }
.Ltmp4:
0x1a1: {  	_ = 	snop;
	(pc) =	sbr.rel @p0 .LBB2_10-.Ltmp4, $4  }
0x1a2: {  	_ = 	snop  }
0x1a3: {  	[tilespmem:v3+s30+$0x0] =	vst.idx.msk $0xffff, v4  }
0x1a4: {  	s8 =	sadd.s32 $0x40, s8;
	s5 =	sadd.s32 $0x40, s5;
	[tilespmem:v57+s22+$0x0] =	vst.idx.add.s32.msk $0xffff, v1  }
0x1a5: {  	s6 =	sadd.s32 $0x40, s6;
	s7 =	sadd.s32 $0x40, s7;
	s4 =	sadd.s32 $0x40, s4;
	[tilespmem:v6+s31+$0x0] =	vst.idx.add.s32.msk $0xffff, v1  }
0x1a6: {  	s4 =	simm.s32 $0x0  }
0x1a7: {  	v3 =	vld [tilespmem:s4+$0x1B800];
	_ =	sdelay $0x4  }
0x1a8: {  	v4 =	vld [tilespmem:s4+$0x6800];
	(xrf0) =	vadd.scan.msk.s32 $0xffff, v3  }
0x1a9: {  	v5 =	vld [tilespmem:s4+$0xD800]  }
0x1aa: {  	v6 =	vld [tilespmem:s4+$0x14800];
	_ =	sdelay $0x2  }
0x1ab: {  	(xrf0) =	vadd.scan.msk.s32 $0xffff, v4  }
0x1ac: {  	(xrf0) =	vadd.scan.msk.s32 $0xffff, v5;
	v7, _, _ =	vpop (xrf0)  }
0x1ad: {  	(xrf0) =	vadd.scan.msk.s32 $0xffff, v6;
	v8 =	vxor.u32 $0x80000000, v7  }
0x1ae: {  	(xrf0) =	vmax.scan.msk.u32 $0xffff, v8  }
0x1af: {  	v3 =	vsub.s32 s3, v3  }
0x1b0: {  	v3 =	vadd.s32 v7, v3  }
0x1b1: {  	v9, _, _ =	vpop (xrf0)  }
0x1b2: {  	v7, _, _ =	vpop (xrf0)  }
0x1b3: {  	[tilespmem:s4+$0x1B800] =	vst v3;
	v3, _, _ =	vpop (xrf0)  }
0x1b4: {  	v8, _, _ =	vpop (xrf0)  }
0x1b5: {  	(v2sf) =	vpush v8, $0xF;
	_ =	sdelay $0x3  }
0x1b6: {  	v10 =	vxor.u32 $0x80000000, v9  }
0x1b7: {  	v5 =	vsub.s32 s3, v5;
	(xrf0) =	vmax.scan.msk.u32 $0xffff, v10  }
0x1b8: {  	v5 =	vadd.s32 v7, v5;
	v7 =	vxor.u32 $0x80000000, v7  }
0x1b9: {  	(xrf0) =	vmax.scan.msk.u32 $0xffff, v7;
	v8 =	vxor.u32 $0x80000000, v3  }
0x1ba: {  	v4 =	vsub.s32 s3, v4;
	(xrf0) =	vmax.scan.msk.u32 $0xffff, v8  }
0x1bb: {  	v4 =	vadd.s32 v9, v4  }
0x1bc: {  	s1 =	simm.s32 $0x10;
	[tilespmem:s4+$0x6800] =	vst v4  }
0x1bd: {  	v6 =	vsub.s32 s3, v6;
	v4 =	vld [tilespmem:s1+$0x1B800];
	v9, _, _ =	vpop (xrf0)  }
0x1be: {  	[tilespmem:s4+$0xD800] =	vst v5;
	v5 =	vadd.s32 v3, v6;
	(v2sf) =	vpush v9, $0xF  }
0x1bf: {  	v6 =	vld [tilespmem:s1+$0x6800];
	[tilespmem:s4+$0x14800] =	vst v5;
	v7, _, _ =	vpop (xrf0)  }
0x1c0: {  	v5 =	vld [tilespmem:s1+$0xD800];
	(v2sf) =	vpush v7, $0xF;
	v12, _, _ =	vpop (xrf0)  }
0x1c1: {  	v3 =	vld [tilespmem:s1+$0x14800];
	s13 =	spop (v2sf);
	(v2sf) =	vpush v12, $0xF  }
0x1c2: {  	(xrf0) =	vadd.scan.msk.s32 $0xffff, v4;
	_ =	sdelay $0x1  }
0x1c3: {  	(xrf0) =	vadd.scan.msk.s32 $0xffff, v6  }
0x1c4: {  	(xrf0) =	vadd.scan.msk.s32 $0xffff, v5  }
0x1c5: {  	(xrf0) =	vadd.scan.msk.s32 $0xffff, v3;
	_ =	sdelay $0x1  }
0x1c6: {  	v11, _, _ =	vpop (xrf0)  }
0x1c7: {  	v8 =	vxor.u32 $0x80000000, v11  }
0x1c8: {  	v10, _, _ =	vpop (xrf0)  }
0x1c9: {  	v13 =	vxor.u32 $0x80000000, v10;
	(xrf0) =	vmax.scan.msk.u32 $0xffff, v8;
	v9, _, _ =	vpop (xrf0)  }
0x1ca: {  	s9 =	simm.s32 $0x80;
	s6 =	smov.u32 s3;
	s5 =	smov.u32 s3;
	v14 =	vxor.u32 $0x80000000, v9;
	(xrf0) =	vmax.scan.msk.u32 $0xffff, v13;
	v8, _, _ =	vpop (xrf0)  }
0x1cb: {  	s4 =	smov.u32 s3;
	(xrf0) =	vmax.scan.msk.u32 $0xffff, v14;
	v7 =	vxor.u32 $0x80000000, v8;
	s7 =	sadd.s32 s13, s3;
	s10 =	spop (v2sf)  }
.LBB2_12:
0x1cc: {  	s6 =	sadd.s32 s10, s6  }
0x1cd: {  	(xrf0) =	vmax.scan.msk.u32 $0xffff, v7;
	s7 =	sadd.s32 $0x80000000, s7;
	s8 =	spop (v2sf);
	s10 =	smov.u32 s9  }
0x1ce: {  	v12 =	vsub.s32 s7, v4;
	s6 =	sadd.s32 $0x80000000, s6;
	s5 =	sadd.s32 s8, s5;
	s11 =	spop (v2sf)  }
0x1cf: {  	s8 =	sadd.s32 $0x40, s9;
	v13 =	vsub.s32 s6, v6;
	v7 =	vadd.s32 v11, v12;
	s5 =	sadd.s32 $0x80000000, s5;
	s4 =	sadd.s32 s11, s4  }
0x1d0: {  	p0 =	sne.s32 s9, $0x1FC0;
	v10 =	vadd.s32 v10, v13;
	v11 =	vsub.s32 s5, v5;
	[tilespmem:s1+$0x1B800] =	vst v7;
	v4, _, _ =	vpop (xrf0);
	s4 =	sadd.s32 $0x80000000, s4  }
0x1d1: {  	s9 =	sshra.s32 s10, $0x2;
	[tilespmem:s1+$0x6800] =	vst v10;
	v7 =	vadd.s32 v9, v11;
	v9 =	vsub.s32 s4, v3;
	v6, _, _ =	vpop (xrf0);
	(v2sf) =	vpush v4, $0xF  }
0x1d2: {  	v4 =	vld [tilespmem:s9+$0x1B800];
	[tilespmem:s1+$0xD800] =	vst v7;
	v7 =	vadd.s32 v8, v9;
	(v2sf) =	vpush v6, $0xF;
	v5, _, _ =	vpop (xrf0)  }
0x1d3: {  	v6 =	vld [tilespmem:s9+$0x6800];
	[tilespmem:s1+$0x14800] =	vst v7;
	(v2sf) =	vpush v5, $0xF;
	v3, _, _ =	vpop (xrf0);
	s1 =	smov.u32 s9  }
0x1d4: {  	v5 =	vld [tilespmem:s1+$0xD800];
	(v2sf) =	vpush v3, $0xF  }
0x1d5: {  	v3 =	vld [tilespmem:s1+$0x14800];
	_ =	sdelay $0x1  }
0x1d6: {  	(xrf0) =	vadd.scan.msk.s32 $0xffff, v4  }
0x1d7: {  	(xrf0) =	vadd.scan.msk.s32 $0xffff, v6  }
0x1d8: {  	(xrf0) =	vadd.scan.msk.s32 $0xffff, v5  }
0x1d9: {  	(xrf0) =	vadd.scan.msk.s32 $0xffff, v3;
	_ =	sdelay $0x2  }
.Ltmp5:
0x1da: {  	v11, _, _ =	vpop (xrf0);
	(pc) =	sbr.rel @p0 .LBB2_12-.Ltmp5, $4  }
0x1db: {  	v7 =	vxor.u32 $0x80000000, v11;
	v10, _, _ =	vpop (xrf0)  }
0x1dc: {  	v13 =	vxor.u32 $0x80000000, v10;
	v9, _, _ =	vpop (xrf0);
	(xrf0) =	vmax.scan.msk.u32 $0xffff, v7  }
0x1dd: {  	v12 =	vxor.u32 $0x80000000, v9;
	(xrf0) =	vmax.scan.msk.u32 $0xffff, v13;
	v8, _, _ =	vpop (xrf0);
	s9 =	spop (v2sf)  }
0x1de: {  	v7 =	vxor.u32 $0x80000000, v8;
	(xrf0) =	vmax.scan.msk.u32 $0xffff, v12;
	s7 =	sadd.s32 s9, s7;
	s10 =	spop (v2sf);
	s9 =	smov.u32 s8  }
0x1df: {  	s6 =	sadd.s32 s10, s6;
	s7 =	sadd.s32 $0x80000000, s7;
	s8 =	spop (v2sf)  }
0x1e0: {  	v4 =	vsub.s32 s7, v4;
	s6 =	sadd.s32 $0x80000000, s6;
	s5 =	sadd.s32 s8, s5;
	s9 =	spop (v2sf)  }
0x1e1: {  	v6 =	vsub.s32 s6, v6;
	v4 =	vadd.s32 v11, v4;
	s5 =	sadd.s32 $0x80000000, s5;
	s4 =	sadd.s32 s9, s4  }
0x1e2: {  	v6 =	vadd.s32 v10, v6;
	v5 =	vsub.s32 s5, v5;
	[tilespmem:s1+$0x1B800] =	vst v4;
	s4 =	sadd.s32 $0x80000000, s4  }
0x1e3: {  	[tilespmem:s1+$0x6800] =	vst v6;
	v62 =	vadd.s32 v9, v5;
	v3 =	vsub.s32 s4, v3  }
0x1e4: {  	[tilespmem:s1+$0xD800] =	vst v62;
	v3 =	vadd.s32 v8, v3  }
0x1e5: {  	[tilespmem:s1+$0x14800] =	vst v3  }
0x1e6: {  	[tilespmem:$0x6000] =	vst v0  }
0x1e7: {  	[tilespmem:$0xD000] =	vst v0  }
0x1e8: {  	[tilespmem:$0x14000] =	vst v0  }
0x1e9: {  	[tilespmem:$0x1B000] =	vst v0  }
0x1ea: {  	[tilespmem:$0x6010] =	vst v0  }
0x1eb: {  	[tilespmem:$0xD010] =	vst v0  }
0x1ec: {  	[tilespmem:$0x14010] =	vst v0  }
0x1ed: {  	[tilespmem:$0x1B010] =	vst v0  }
0x1ee: {  	[tilespmem:$0x6020] =	vst v0  }
0x1ef: {  	[tilespmem:$0xD020] =	vst v0  }
0x1f0: {  	[tilespmem:$0x14020] =	vst v0  }
0x1f1: {  	[tilespmem:$0x1B020] =	vst v0  }
0x1f2: {  	[tilespmem:$0x6030] =	vst v0  }
0x1f3: {  	[tilespmem:$0xD030] =	vst v0  }
0x1f4: {  	[tilespmem:$0x14030] =	vst v0  }
0x1f5: {  	[tilespmem:$0x1B030] =	vst v0  }
0x1f6: {  	[tilespmem:$0x6040] =	vst v0  }
0x1f7: {  	[tilespmem:$0xD040] =	vst v0  }
0x1f8: {  	[tilespmem:$0x14040] =	vst v0  }
0x1f9: {  	[tilespmem:$0x1B040] =	vst v0  }
0x1fa: {  	[tilespmem:$0x6050] =	vst v0  }
0x1fb: {  	[tilespmem:$0xD050] =	vst v0  }
0x1fc: {  	[tilespmem:$0x14050] =	vst v0  }
0x1fd: {  	[tilespmem:$0x1B050] =	vst v0  }
0x1fe: {  	[tilespmem:$0x6060] =	vst v0  }
0x1ff: {  	[tilespmem:$0xD060] =	vst v0  }
0x200: {  	[tilespmem:$0x14060] =	vst v0  }
0x201: {  	[tilespmem:$0x1B060] =	vst v0  }
0x202: {  	[tilespmem:$0x6070] =	vst v0  }
0x203: {  	[tilespmem:$0xD070] =	vst v0  }
0x204: {  	[tilespmem:$0x14070] =	vst v0  }
0x205: {  	[tilespmem:$0x1B070] =	vst v0  }
0x206: {  	[tilespmem:$0x6080] =	vst v0  }
0x207: {  	[tilespmem:$0xD080] =	vst v0  }
0x208: {  	[tilespmem:$0x14080] =	vst v0  }
0x209: {  	[tilespmem:$0x1B080] =	vst v0  }
0x20a: {  	[tilespmem:$0x6090] =	vst v0  }
0x20b: {  	[tilespmem:$0xD090] =	vst v0  }
0x20c: {  	[tilespmem:$0x14090] =	vst v0  }
0x20d: {  	[tilespmem:$0x1B090] =	vst v0  }
0x20e: {  	[tilespmem:$0x60A0] =	vst v0  }
0x20f: {  	(xrf0) =	vmax.scan.msk.u32 $0xffff, v7;
	[tilespmem:$0xD0A0] =	vst v0  }
0x210: {  	[tilespmem:$0x140A0] =	vst v0  }
0x211: {  	[tilespmem:$0x1B0A0] =	vst v0  }
0x212: {  	[tilespmem:$0x60B0] =	vst v0;
	v3, _, _ =	vpop (xrf0)  }
0x213: {  	[tilespmem:$0xD0B0] =	vst v0;
	v63, _, _ =	vpop (xrf0);
	(v2sf) =	vpush v3, $0xF  }
0x214: {  	[tilespmem:$0x140B0] =	vst v0;
	(v2sf) =	vpush v63, $0xF;
	v3, _, _ =	vpop (xrf0)  }
0x215: {  	[tilespmem:$0x1B0B0] =	vst v0;
	(v2sf) =	vpush v3, $0xF;
	v3, _, _ =	vpop (xrf0)  }
0x216: {  	[tilespmem:$0x60C0] =	vst v0;
	(v2sf) =	vpush v3, $0xF  }
0x217: {  	[tilespmem:$0xD0C0] =	vst v0  }
0x218: {  	[tilespmem:$0x140C0] =	vst v0  }
0x219: {  	[tilespmem:$0x1B0C0] =	vst v0  }
0x21a: {  	[tilespmem:$0x60D0] =	vst v0  }
0x21b: {  	[tilespmem:$0xD0D0] =	vst v0  }
0x21c: {  	[tilespmem:$0x140D0] =	vst v0  }
0x21d: {  	[tilespmem:$0x1B0D0] =	vst v0  }
0x21e: {  	[tilespmem:$0x60E0] =	vst v0  }
0x21f: {  	[tilespmem:$0xD0E0] =	vst v0  }
0x220: {  	[tilespmem:$0x140E0] =	vst v0  }
0x221: {  	[tilespmem:$0x1B0E0] =	vst v0  }
0x222: {  	[tilespmem:$0x60F0] =	vst v0;
	s10 =	spop (v2sf)  }
0x223: {  	s7 =	simm.s32 $0x2020;
	[tilespmem:$0xD0F0] =	vst v0;
	s11 =	spop (v2sf)  }
0x224: {  	s6 =	simm.s32 $0x9020;
	s5 =	simm.s32 $0x10020;
	[tilespmem:$0x140F0] =	vst v0;
	s12 =	spop (v2sf)  }
0x225: {  	s4 =	simm.s32 $0x17020;
	s1 =	simm.s32 $0xFFFFFFFC;
	[tilespmem:$0x1B0F0] =	vst v0;
	s13 =	spop (v2sf)  }
.LBB2_14:
0x226: {  	v3 =	vld [tilespmem:s7+$0xFFFFFFE0];
	_ =	sdelay $0x4  }
0x227: {  	v4 =	vshrl.u32 v3, $0xD  }
0x228: {  	v4 =	vand.u32 $0x7FF, v4  }
0x229: {  	(xrf1) =	vunique.msk.u32 $0xffff, v4;
	_ =	sdelay $0x5  }
0x22a: {  	v5 =	vld [tilespmem:s6+$0xFFFFFFE0];
	_ =	sdelay $0x3  }
0x22b: {  	v6 =	vld.idx.msk [tilespmem:v4+s24+$0x0], $0xffff  }
0x22c: {  	v7 =	vshrl.u32 v5, $0xD  }
0x22d: {  	v7 =	vand.u32 $0x7FF, v7  }
0x22e: {  	(xrf1) =	vunique.msk.u32 $0xffff, v7  }
0x22f: {  	_, v8, _ =	vpop (xrf1)  }
0x230: {  	v6 =	vadd.s32 v8, v6;
	_ =	sdelay $0x1  }
0x231: {  	v19 =	vshrl.u32 v3, $0x18;
	_ =	sdelay $0x1  }
0x232: {  	v9 =	vld [tilespmem:s5+$0xFFFFFFE0]  }
0x233: {  	v10 =	vld [tilespmem:s4+$0xFFFFFFE0];
	[tilespmem:v6+s0+$0x0] =	vst.idx.msk $0xffff, v3  }
0x234: {  	[tilespmem:v4+s24+$0x0] =	vst.idx.add.s32.msk $0xffff, v1  }
0x235: {  	[tilespmem:v19+s19+$0x0] =	vst.idx.add.s32.msk $0xffff, v1  }
0x236: {  	v3 =	vld.idx.msk [tilespmem:v7+s26+$0x0], $0xffff  }
0x237: {  	v20 =	vshrl.u32 v9, $0xD  }
0x238: {  	v4 =	vand.u32 $0x7FF, v20  }
0x239: {  	(xrf1) =	vunique.msk.u32 $0xffff, v4  }
0x23a: {  	_, v21, _ =	vpop (xrf1)  }
0x23b: {  	v3 =	vadd.s32 v21, v3;
	_ =	sdelay $0x1  }
0x23c: {  	v22 =	vshrl.u32 v5, $0x18;
	_ =	sdelay $0x2  }
0x23d: {  	[tilespmem:v3+s2+$0x0] =	vst.idx.msk $0xffff, v5  }
0x23e: {  	[tilespmem:v7+s26+$0x0] =	vst.idx.add.s32.msk $0xffff, v1  }
0x23f: {  	[tilespmem:v22+s20+$0x0] =	vst.idx.add.s32.msk $0xffff, v1  }
0x240: {  	v3 =	vld.idx.msk [tilespmem:v4+s29+$0x0], $0xffff  }
0x241: {  	v23 =	vshrl.u32 v10, $0xD  }
0x242: {  	v5 =	vand.u32 $0x7FF, v23  }
0x243: {  	(xrf1) =	vunique.msk.u32 $0xffff, v5  }
0x244: {  	_, v24, _ =	vpop (xrf1)  }
0x245: {  	v3 =	vadd.s32 v24, v3;
	_ =	sdelay $0x1  }
0x246: {  	v25 =	vshrl.u32 v9, $0x18;
	_ =	sdelay $0x2  }
0x247: {  	[tilespmem:v3+s15+$0x0] =	vst.idx.msk $0xffff, v9  }
0x248: {  	[tilespmem:v4+s29+$0x0] =	vst.idx.add.s32.msk $0xffff, v1  }
0x249: {  	[tilespmem:v25+s21+$0x0] =	vst.idx.add.s32.msk $0xffff, v1  }
0x24a: {  	v3 =	vld.idx.msk [tilespmem:v5+s31+$0x0], $0xffff;
	_ =	sdelay $0x3  }
0x24b: {  	_, v26, _ =	vpop (xrf1)  }
0x24c: {  	v3 =	vadd.s32 v26, v3;
	_ =	sdelay $0x1  }
0x24d: {  	v27 =	vshrl.u32 v10, $0x18;
	_ =	sdelay $0x2  }
0x24e: {  	[tilespmem:v3+s16+$0x0] =	vst.idx.msk $0xffff, v10  }
0x24f: {  	[tilespmem:v5+s31+$0x0] =	vst.idx.add.s32.msk $0xffff, v1  }
0x250: {  	[tilespmem:v27+s22+$0x0] =	vst.idx.add.s32.msk $0xffff, v1  }
0x251: {  	v3 =	vld [tilespmem:s7+$0xFFFFFFF0];
	_ =	sdelay $0x4  }
0x252: {  	v28 =	vshrl.u32 v3, $0xD  }
0x253: {  	v4 =	vand.u32 $0x7FF, v28  }
0x254: {  	(xrf1) =	vunique.msk.u32 $0xffff, v4;
	_ =	sdelay $0x5  }
0x255: {  	v5 =	vld [tilespmem:s6+$0xFFFFFFF0];
	_ =	sdelay $0x3  }
0x256: {  	v6 =	vld.idx.msk [tilespmem:v4+s24+$0x0], $0xffff  }
0x257: {  	v29 =	vshrl.u32 v5, $0xD  }
0x258: {  	v7 =	vand.u32 $0x7FF, v29  }
0x259: {  	(xrf1) =	vunique.msk.u32 $0xffff, v7  }
0x25a: {  	_, v30, _ =	vpop (xrf1)  }
0x25b: {  	v6 =	vadd.s32 v30, v6;
	_ =	sdelay $0x1  }
0x25c: {  	v31 =	vshrl.u32 v3, $0x18;
	_ =	sdelay $0x1  }
0x25d: {  	v9 =	vld [tilespmem:s5+$0xFFFFFFF0]  }
0x25e: {  	v10 =	vld [tilespmem:s4+$0xFFFFFFF0];
	[tilespmem:v6+s0+$0x0] =	vst.idx.msk $0xffff, v3  }
0x25f: {  	[tilespmem:v4+s24+$0x0] =	vst.idx.add.s32.msk $0xffff, v1  }
0x260: {  	[tilespmem:v31+s19+$0x0] =	vst.idx.add.s32.msk $0xffff, v1  }
0x261: {  	v3 =	vld.idx.msk [tilespmem:v7+s26+$0x0], $0xffff  }
0x262: {  	v32 =	vshrl.u32 v9, $0xD  }
0x263: {  	v4 =	vand.u32 $0x7FF, v32  }
0x264: {  	(xrf1) =	vunique.msk.u32 $0xffff, v4  }
0x265: {  	_, v33, _ =	vpop (xrf1)  }
0x266: {  	v3 =	vadd.s32 v33, v3;
	_ =	sdelay $0x1  }
0x267: {  	v34 =	vshrl.u32 v5, $0x18;
	_ =	sdelay $0x2  }
0x268: {  	[tilespmem:v3+s2+$0x0] =	vst.idx.msk $0xffff, v5  }
0x269: {  	[tilespmem:v7+s26+$0x0] =	vst.idx.add.s32.msk $0xffff, v1  }
0x26a: {  	[tilespmem:v34+s20+$0x0] =	vst.idx.add.s32.msk $0xffff, v1  }
0x26b: {  	v3 =	vld.idx.msk [tilespmem:v4+s29+$0x0], $0xffff  }
0x26c: {  	v35 =	vshrl.u32 v10, $0xD  }
0x26d: {  	v5 =	vand.u32 $0x7FF, v35  }
0x26e: {  	(xrf1) =	vunique.msk.u32 $0xffff, v5  }
0x26f: {  	_, v36, _ =	vpop (xrf1)  }
0x270: {  	v3 =	vadd.s32 v36, v3;
	_ =	sdelay $0x1  }
0x271: {  	v37 =	vshrl.u32 v9, $0x18;
	_ =	sdelay $0x2  }
0x272: {  	[tilespmem:v3+s15+$0x0] =	vst.idx.msk $0xffff, v9  }
0x273: {  	[tilespmem:v4+s29+$0x0] =	vst.idx.add.s32.msk $0xffff, v1  }
0x274: {  	[tilespmem:v37+s21+$0x0] =	vst.idx.add.s32.msk $0xffff, v1  }
0x275: {  	v3 =	vld.idx.msk [tilespmem:v5+s31+$0x0], $0xffff;
	_ =	sdelay $0x3  }
0x276: {  	_, v38, _ =	vpop (xrf1)  }
0x277: {  	v3 =	vadd.s32 v38, v3;
	_ =	sdelay $0x1  }
0x278: {  	v39 =	vshrl.u32 v10, $0x18;
	_ =	sdelay $0x2  }
0x279: {  	[tilespmem:v3+s16+$0x0] =	vst.idx.msk $0xffff, v10  }
0x27a: {  	[tilespmem:v5+s31+$0x0] =	vst.idx.add.s32.msk $0xffff, v1  }
0x27b: {  	[tilespmem:v39+s22+$0x0] =	vst.idx.add.s32.msk $0xffff, v1  }
0x27c: {  	v3 =	vld [tilespmem:s7+$0x0];
	_ =	sdelay $0x4  }
0x27d: {  	v40 =	vshrl.u32 v3, $0xD  }
0x27e: {  	v4 =	vand.u32 $0x7FF, v40  }
0x27f: {  	(xrf1) =	vunique.msk.u32 $0xffff, v4;
	_ =	sdelay $0x5  }
0x280: {  	v5 =	vld [tilespmem:s6+$0x0];
	_ =	sdelay $0x3  }
0x281: {  	v6 =	vld.idx.msk [tilespmem:v4+s24+$0x0], $0xffff  }
0x282: {  	v41 =	vshrl.u32 v5, $0xD  }
0x283: {  	v7 =	vand.u32 $0x7FF, v41  }
0x284: {  	(xrf1) =	vunique.msk.u32 $0xffff, v7  }
0x285: {  	_, v42, _ =	vpop (xrf1)  }
0x286: {  	v6 =	vadd.s32 v42, v6;
	_ =	sdelay $0x1  }
0x287: {  	v43 =	vshrl.u32 v3, $0x18;
	_ =	sdelay $0x1  }
0x288: {  	v9 =	vld [tilespmem:s5+$0x0]  }
0x289: {  	v10 =	vld [tilespmem:s4+$0x0];
	[tilespmem:v6+s0+$0x0] =	vst.idx.msk $0xffff, v3  }
0x28a: {  	[tilespmem:v4+s24+$0x0] =	vst.idx.add.s32.msk $0xffff, v1  }
0x28b: {  	[tilespmem:v43+s19+$0x0] =	vst.idx.add.s32.msk $0xffff, v1  }
0x28c: {  	v3 =	vld.idx.msk [tilespmem:v7+s26+$0x0], $0xffff  }
0x28d: {  	v44 =	vshrl.u32 v9, $0xD  }
0x28e: {  	v4 =	vand.u32 $0x7FF, v44  }
0x28f: {  	(xrf1) =	vunique.msk.u32 $0xffff, v4  }
0x290: {  	_, v45, _ =	vpop (xrf1)  }
0x291: {  	v3 =	vadd.s32 v45, v3;
	_ =	sdelay $0x1  }
0x292: {  	v46 =	vshrl.u32 v5, $0x18;
	_ =	sdelay $0x2  }
0x293: {  	[tilespmem:v3+s2+$0x0] =	vst.idx.msk $0xffff, v5  }
0x294: {  	[tilespmem:v7+s26+$0x0] =	vst.idx.add.s32.msk $0xffff, v1  }
0x295: {  	[tilespmem:v46+s20+$0x0] =	vst.idx.add.s32.msk $0xffff, v1  }
0x296: {  	v3 =	vld.idx.msk [tilespmem:v4+s29+$0x0], $0xffff  }
0x297: {  	v47 =	vshrl.u32 v10, $0xD  }
0x298: {  	v5 =	vand.u32 $0x7FF, v47  }
0x299: {  	(xrf1) =	vunique.msk.u32 $0xffff, v5  }
0x29a: {  	_, v48, _ =	vpop (xrf1)  }
0x29b: {  	v3 =	vadd.s32 v48, v3;
	_ =	sdelay $0x1  }
0x29c: {  	v49 =	vshrl.u32 v9, $0x18;
	_ =	sdelay $0x2  }
0x29d: {  	[tilespmem:v3+s15+$0x0] =	vst.idx.msk $0xffff, v9  }
0x29e: {  	[tilespmem:v4+s29+$0x0] =	vst.idx.add.s32.msk $0xffff, v1  }
0x29f: {  	[tilespmem:v49+s21+$0x0] =	vst.idx.add.s32.msk $0xffff, v1  }
0x2a0: {  	v3 =	vld.idx.msk [tilespmem:v5+s31+$0x0], $0xffff;
	_ =	sdelay $0x3  }
0x2a1: {  	_, v50, _ =	vpop (xrf1)  }
0x2a2: {  	v3 =	vadd.s32 v50, v3;
	_ =	sdelay $0x1  }
0x2a3: {  	v51 =	vshrl.u32 v10, $0x18;
	_ =	sdelay $0x2  }
0x2a4: {  	[tilespmem:v3+s16+$0x0] =	vst.idx.msk $0xffff, v10  }
0x2a5: {  	[tilespmem:v5+s31+$0x0] =	vst.idx.add.s32.msk $0xffff, v1  }
0x2a6: {  	[tilespmem:v51+s22+$0x0] =	vst.idx.add.s32.msk $0xffff, v1  }
0x2a7: {  	v3 =	vld [tilespmem:s7+$0x10];
	_ =	sdelay $0x4  }
0x2a8: {  	v52 =	vshrl.u32 v3, $0xD  }
0x2a9: {  	v4 =	vand.u32 $0x7FF, v52  }
0x2aa: {  	(xrf1) =	vunique.msk.u32 $0xffff, v4;
	_ =	sdelay $0x5  }
0x2ab: {  	v5 =	vld [tilespmem:s6+$0x10];
	_ =	sdelay $0x3  }
0x2ac: {  	v6 =	vld.idx.msk [tilespmem:v4+s24+$0x0], $0xffff  }
0x2ad: {  	v53 =	vshrl.u32 v5, $0xD  }
0x2ae: {  	v7 =	vand.u32 $0x7FF, v53  }
0x2af: {  	(xrf1) =	vunique.msk.u32 $0xffff, v7  }
0x2b0: {  	_, v54, _ =	vpop (xrf1)  }
0x2b1: {  	v6 =	vadd.s32 v54, v6;
	_ =	sdelay $0x1  }
0x2b2: {  	v55 =	vshrl.u32 v3, $0x18;
	_ =	sdelay $0x1  }
0x2b3: {  	v9 =	vld [tilespmem:s5+$0x10]  }
0x2b4: {  	v10 =	vld [tilespmem:s4+$0x10];
	[tilespmem:v6+s0+$0x0] =	vst.idx.msk $0xffff, v3  }
0x2b5: {  	[tilespmem:v4+s24+$0x0] =	vst.idx.add.s32.msk $0xffff, v1  }
0x2b6: {  	[tilespmem:v55+s19+$0x0] =	vst.idx.add.s32.msk $0xffff, v1  }
0x2b7: {  	v3 =	vld.idx.msk [tilespmem:v7+s26+$0x0], $0xffff  }
0x2b8: {  	v56 =	vshrl.u32 v9, $0xD  }
0x2b9: {  	v4 =	vand.u32 $0x7FF, v56  }
0x2ba: {  	(xrf1) =	vunique.msk.u32 $0xffff, v4  }
0x2bb: {  	_, v57, _ =	vpop (xrf1)  }
0x2bc: {  	v3 =	vadd.s32 v57, v3;
	_ =	sdelay $0x1  }
0x2bd: {  	v58 =	vshrl.u32 v5, $0x18;
	_ =	sdelay $0x2  }
0x2be: {  	[tilespmem:v3+s2+$0x0] =	vst.idx.msk $0xffff, v5  }
0x2bf: {  	[tilespmem:v7+s26+$0x0] =	vst.idx.add.s32.msk $0xffff, v1  }
0x2c0: {  	[tilespmem:v58+s20+$0x0] =	vst.idx.add.s32.msk $0xffff, v1  }
0x2c1: {  	v3 =	vld.idx.msk [tilespmem:v4+s29+$0x0], $0xffff  }
0x2c2: {  	v59 =	vshrl.u32 v10, $0xD  }
0x2c3: {  	v5 =	vand.u32 $0x7FF, v59  }
0x2c4: {  	(xrf1) =	vunique.msk.u32 $0xffff, v5  }
0x2c5: {  	_, v60, _ =	vpop (xrf1)  }
0x2c6: {  	v3 =	vadd.s32 v60, v3;
	_ =	sdelay $0x1  }
0x2c7: {  	v61 =	vshrl.u32 v9, $0x18;
	_ =	sdelay $0x2  }
0x2c8: {  	[tilespmem:v3+s15+$0x0] =	vst.idx.msk $0xffff, v9  }
0x2c9: {  	[tilespmem:v4+s29+$0x0] =	vst.idx.add.s32.msk $0xffff, v1  }
0x2ca: {  	[tilespmem:v61+s21+$0x0] =	vst.idx.add.s32.msk $0xffff, v1  }
0x2cb: {  	v3 =	vld.idx.msk [tilespmem:v5+s31+$0x0], $0xffff;
	_ =	sdelay $0x3  }
0x2cc: {  	_, v62, _ =	vpop (xrf1)  }
0x2cd: {  	v3 =	vadd.s32 v62, v3  }
0x2ce: {  	s1 =	sadd.s32 $0x4, s1  }
0x2cf: {  	p0 =	slt.u32 s1, $0x1FC;
	v63 =	vshrl.u32 v10, $0x18  }
.Ltmp6:
0x2d0: {  	_ = 	snop;
	(pc) =	sbr.rel @p0 .LBB2_14-.Ltmp6, $4  }
0x2d1: {  	_ = 	snop  }
0x2d2: {  	[tilespmem:v3+s16+$0x0] =	vst.idx.msk $0xffff, v10  }
0x2d3: {  	s4 =	sadd.s32 $0x40, s4;
	[tilespmem:v5+s31+$0x0] =	vst.idx.add.s32.msk $0xffff, v1  }
0x2d4: {  	s5 =	sadd.s32 $0x40, s5;
	s6 =	sadd.s32 $0x40, s6;
	s7 =	sadd.s32 $0x40, s7;
	[tilespmem:v63+s22+$0x0] =	vst.idx.add.s32.msk $0xffff, v1  }
0x2d5: {  	s4 =	simm.s32 $0x0  }
0x2d6: {  	v3 =	vld [tilespmem:s4+$0x1B000];
	_ =	sdelay $0x3  }
0x2d7: {  	v4 =	vld [tilespmem:s4+$0x6000]  }
0x2d8: {  	(xrf0) =	vadd.scan.msk.s32 $0xffff, v3  }
0x2d9: {  	v5 =	vld [tilespmem:s4+$0xD000]  }
0x2da: {  	v6 =	vld [tilespmem:s4+$0x14000];
	_ =	sdelay $0x1  }
0x2db: {  	(xrf0) =	vadd.scan.msk.s32 $0xffff, v4;
	_ =	sdelay $0x1  }
0x2dc: {  	(xrf0) =	vadd.scan.msk.s32 $0xffff, v5;
	v7, _, _ =	vpop (xrf0)  }
0x2dd: {  	(xrf0) =	vadd.scan.msk.s32 $0xffff, v6;
	v8 =	vxor.u32 $0x80000000, v7  }
0x2de: {  	(xrf0) =	vmax.scan.msk.u32 $0xffff, v8  }
0x2df: {  	v3 =	vsub.s32 s3, v3  }
0x2e0: {  	v4 =	vsub.s32 s3, v4;
	v9, _, _ =	vpop (xrf0);
	v3 =	vadd.s32 v7, v3  }
0x2e1: {  	v4 =	vadd.s32 v9, v4  }
0x2e2: {  	v7, _, _ =	vpop (xrf0)  }
0x2e3: {  	[tilespmem:s4+$0x1B000] =	vst v3;
	v3, _, _ =	vpop (xrf0)  }
0x2e4: {  	[tilespmem:s4+$0x6000] =	vst v4;
	v4, _, _ =	vpop (xrf0)  }
0x2e5: {  	(v2sf) =	vpush v4, $0xF;
	_ =	sdelay $0x3  }
0x2e6: {  	v10 =	vxor.u32 $0x80000000, v9  }
0x2e7: {  	v5 =	vsub.s32 s3, v5;
	(xrf0) =	vmax.scan.msk.u32 $0xffff, v10  }
0x2e8: {  	s1 =	simm.s32 $0x10;
	v8 =	vadd.s32 v7, v5;
	v7 =	vxor.u32 $0x80000000, v7  }
0x2e9: {  	v5 =	vld [tilespmem:s1+$0x1B000];
	[tilespmem:s4+$0xD000] =	vst v8;
	(xrf0) =	vmax.scan.msk.u32 $0xffff, v7;
	v8 =	vxor.u32 $0x80000000, v3  }
0x2ea: {  	(xrf0) =	vmax.scan.msk.u32 $0xffff, v8;
	_ =	sdelay $0x2  }
0x2eb: {  	v6 =	vsub.s32 s3, v6;
	v9, _, _ =	vpop (xrf0)  }
0x2ec: {  	v4 =	vadd.s32 v3, v6;
	(v2sf) =	vpush v9, $0xF  }
0x2ed: {  	v6 =	vld [tilespmem:s1+$0x6000];
	[tilespmem:s4+$0x14000] =	vst v4;
	v7, _, _ =	vpop (xrf0)  }
0x2ee: {  	v4 =	vld [tilespmem:s1+$0xD000];
	(v2sf) =	vpush v7, $0xF;
	v11, _, _ =	vpop (xrf0)  }
0x2ef: {  	(xrf0) =	vadd.scan.msk.s32 $0xffff, v5;
	v3 =	vld [tilespmem:s1+$0x14000];
	s13 =	spop (v2sf);
	(v2sf) =	vpush v11, $0xF;
	_ =	sdelay $0x2  }
0x2f0: {  	(xrf0) =	vadd.scan.msk.s32 $0xffff, v6  }
0x2f1: {  	(xrf0) =	vadd.scan.msk.s32 $0xffff, v4  }
0x2f2: {  	(xrf0) =	vadd.scan.msk.s32 $0xffff, v3  }
0x2f3: {  	v10, _, _ =	vpop (xrf0)  }
0x2f4: {  	v8 =	vxor.u32 $0x80000000, v10;
	_ =	sdelay $0x1  }
0x2f5: {  	v9, _, _ =	vpop (xrf0)  }
0x2f6: {  	(xrf0) =	vmax.scan.msk.u32 $0xffff, v8;
	v12 =	vxor.u32 $0x80000000, v9;
	v8, _, _ =	vpop (xrf0)  }
0x2f7: {  	s9 =	simm.s32 $0x80;
	s6 =	smov.u32 s3;
	s5 =	smov.u32 s3;
	(xrf0) =	vmax.scan.msk.u32 $0xffff, v12;
	v13 =	vxor.u32 $0x80000000, v8;
	v7, _, _ =	vpop (xrf0)  }
0x2f8: {  	s4 =	smov.u32 s3;
	v11 =	vxor.u32 $0x80000000, v7;
	(xrf0) =	vmax.scan.msk.u32 $0xffff, v13;
	s7 =	sadd.s32 s13, s3;
	s10 =	spop (v2sf)  }
.LBB2_16:
0x2f9: {  	s6 =	sadd.s32 s10, s6  }
0x2fa: {  	(xrf0) =	vmax.scan.msk.u32 $0xffff, v11;
	s7 =	sadd.s32 $0x80000000, s7;
	s8 =	spop (v2sf);
	s10 =	smov.u32 s9  }
0x2fb: {  	v11 =	vsub.s32 s7, v5;
	s6 =	sadd.s32 $0x80000000, s6;
	s5 =	sadd.s32 s8, s5;
	s11 =	spop (v2sf)  }
0x2fc: {  	s8 =	sadd.s32 $0x40, s9;
	v12 =	vsub.s32 s6, v6;
	v10 =	vadd.s32 v10, v11;
	s5 =	sadd.s32 $0x80000000, s5;
	s4 =	sadd.s32 s11, s4  }
0x2fd: {  	p0 =	sne.s32 s9, $0x3C0;
	v9 =	vadd.s32 v9, v12;
	v11 =	vsub.s32 s5, v4;
	[tilespmem:s1+$0x1B000] =	vst v10;
	v5, _, _ =	vpop (xrf0);
	s4 =	sadd.s32 $0x80000000, s4  }
0x2fe: {  	s9 =	sshra.s32 s10, $0x2;
	[tilespmem:s1+$0x6000] =	vst v9;
	v8 =	vadd.s32 v8, v11;
	v9 =	vsub.s32 s4, v3;
	v6, _, _ =	vpop (xrf0);
	(v2sf) =	vpush v5, $0xF  }
0x2ff: {  	v5 =	vld [tilespmem:s9+$0x1B000];
	[tilespmem:s1+$0xD000] =	vst v8;
	v7 =	vadd.s32 v7, v9;
	(v2sf) =	vpush v6, $0xF;
	v4, _, _ =	vpop (xrf0)  }
0x300: {  	v6 =	vld [tilespmem:s9+$0x6000];
	[tilespmem:s1+$0x14000] =	vst v7;
	(v2sf) =	vpush v4, $0xF;
	v3, _, _ =	vpop (xrf0);
	s1 =	smov.u32 s9  }
0x301: {  	v4 =	vld [tilespmem:s1+$0xD000];
	(v2sf) =	vpush v3, $0xF  }
0x302: {  	v3 =	vld [tilespmem:s1+$0x14000];
	_ =	sdelay $0x1  }
0x303: {  	(xrf0) =	vadd.scan.msk.s32 $0xffff, v5  }
0x304: {  	(xrf0) =	vadd.scan.msk.s32 $0xffff, v6  }
0x305: {  	(xrf0) =	vadd.scan.msk.s32 $0xffff, v4  }
0x306: {  	(xrf0) =	vadd.scan.msk.s32 $0xffff, v3;
	_ =	sdelay $0x2  }
.Ltmp7:
0x307: {  	v10, _, _ =	vpop (xrf0);
	(pc) =	sbr.rel @p0 .LBB2_16-.Ltmp7, $4  }
0x308: {  	v13 =	vxor.u32 $0x80000000, v10;
	v9, _, _ =	vpop (xrf0)  }
0x309: {  	v11 =	vxor.u32 $0x80000000, v9;
	v8, _, _ =	vpop (xrf0);
	(xrf0) =	vmax.scan.msk.u32 $0xffff, v13  }
0x30a: {  	v12 =	vxor.u32 $0x80000000, v8;
	(xrf0) =	vmax.scan.msk.u32 $0xffff, v11;
	v7, _, _ =	vpop (xrf0);
	s9 =	spop (v2sf)  }
0x30b: {  	v11 =	vxor.u32 $0x80000000, v7;
	(xrf0) =	vmax.scan.msk.u32 $0xffff, v12;
	s7 =	sadd.s32 s9, s7;
	s10 =	spop (v2sf);
	s9 =	smov.u32 s8  }
0x30c: {  	(xrf0) =	vmax.scan.msk.u32 $0xffff, v11;
	_ =	sdelay $0x2  }
0x30d: {  	v60, _, _ =	vpop (xrf0)  }
0x30e: {  	(v2sf) =	vpush v60, $0xF;
	v61, _, _ =	vpop (xrf0)  }
0x30f: {  	(v2sf) =	vpush v61, $0xF;
	v62, _, _ =	vpop (xrf0)  }
0x310: {  	(v2sf) =	vpush v62, $0xF;
	v63, _, _ =	vpop (xrf0)  }
0x311: {  	(v2sf) =	vpush v63, $0xF;
	_ =	sdelay $0x8  }
0x312: {  	s6 =	sadd.s32 s10, s6;
	s8 =	spop (v2sf);
	s7 =	sadd.s32 $0x80000000, s7  }
0x313: {  	v5 =	vsub.s32 s7, v5;
	s9 =	spop (v2sf);
	s6 =	sadd.s32 $0x80000000, s6;
	s5 =	sadd.s32 s8, s5  }
0x314: {  	v6 =	vsub.s32 s6, v6;
	v5 =	vadd.s32 v10, v5;
	s5 =	sadd.s32 $0x80000000, s5;
	s4 =	sadd.s32 s9, s4  }
0x315: {  	v6 =	vadd.s32 v9, v6;
	v4 =	vsub.s32 s5, v4;
	[tilespmem:s1+$0x1B000] =	vst v5;
	s4 =	sadd.s32 $0x80000000, s4;
	s10 =	spop (v2sf)  }
0x316: {  	s7 =	simm.s32 $0x4020;
	[tilespmem:s1+$0x6000] =	vst v6;
	v4 =	vadd.s32 v8, v4;
	v3 =	vsub.s32 s4, v3;
	s11 =	spop (v2sf)  }
0x317: {  	s6 =	simm.s32 $0xB020;
	s5 =	simm.s32 $0x19020;
	[tilespmem:s1+$0xD000] =	vst v4;
	v3 =	vadd.s32 v7, v3;
	s12 =	spop (v2sf)  }
0x318: {  	s4 =	simm.s32 $0xFFFFFFFC;
	[tilespmem:s1+$0x14000] =	vst v3;
	s1 =	simm.s32 $0x12020;
	s13 =	spop (v2sf)  }
.LBB2_18:
0x319: {  	v3 =	vld [tilespmem:s7+$0xFFFFFFE0];
	_ =	sdelay $0x4  }
0x31a: {  	v4 =	vshrl.u32 v3, $0x18  }
0x31b: {  	(xrf1) =	vunique.msk.u32 $0xffff, v4;
	_ =	sdelay $0x5  }
0x31c: {  	v5 =	vld [tilespmem:s6+$0xFFFFFFE0];
	_ =	sdelay $0x3  }
0x31d: {  	v6 =	vld.idx.msk [tilespmem:v4+s19+$0x0], $0xffff  }
0x31e: {  	v7 =	vshrl.u32 v5, $0x18  }
0x31f: {  	(xrf1) =	vunique.msk.u32 $0xffff, v7;
	_ =	sdelay $0x1  }
0x320: {  	_, v8, _ =	vpop (xrf1)  }
0x321: {  	v6 =	vadd.s32 v8, v6;
	_ =	sdelay $0x2  }
0x322: {  	v20 =	vld [tilespmem:s1+$0xFFFFFFE0]  }
0x323: {  	v3 =	vand.u32 $0x1FFF, v3  }
0x324: {  	v9 =	vld [tilespmem:s5+$0xFFFFFFE0];
	[tilespmem:v6+s23+$0x0] =	vst.idx.msk $0xffff, v3  }
0x325: {  	[tilespmem:v4+s19+$0x0] =	vst.idx.add.s32.msk $0xffff, v1  }
0x326: {  	v3 =	vld.idx.msk [tilespmem:v7+s20+$0x0], $0xffff  }
0x327: {  	v21 =	vshrl.u32 v20, $0x18  }
0x328: {  	(xrf1) =	vunique.msk.u32 $0xffff, v21;
	_ =	sdelay $0x1  }
0x329: {  	_, v22, _ =	vpop (xrf1)  }
0x32a: {  	v3 =	vadd.s32 v22, v3;
	_ =	sdelay $0x3  }
0x32b: {  	v5 =	vand.u32 $0x1FFF, v5  }
0x32c: {  	[tilespmem:v3+s25+$0x0] =	vst.idx.msk $0xffff, v5  }
0x32d: {  	[tilespmem:v7+s20+$0x0] =	vst.idx.add.s32.msk $0xffff, v1  }
0x32e: {  	v3 =	vld.idx.msk [tilespmem:v21+s21+$0x0], $0xffff  }
0x32f: {  	v23 =	vshrl.u32 v9, $0x18  }
0x330: {  	(xrf1) =	vunique.msk.u32 $0xffff, v23;
	_ =	sdelay $0x1  }
0x331: {  	_, v24, _ =	vpop (xrf1)  }
0x332: {  	v3 =	vadd.s32 v24, v3;
	_ =	sdelay $0x3  }
0x333: {  	v25 =	vand.u32 $0x1FFF, v20  }
0x334: {  	[tilespmem:v3+s28+$0x0] =	vst.idx.msk $0xffff, v25  }
0x335: {  	[tilespmem:v21+s21+$0x0] =	vst.idx.add.s32.msk $0xffff, v1  }
0x336: {  	v3 =	vld.idx.msk [tilespmem:v23+s22+$0x0], $0xffff;
	_ =	sdelay $0x3  }
0x337: {  	_, v26, _ =	vpop (xrf1)  }
0x338: {  	v3 =	vadd.s32 v26, v3;
	_ =	sdelay $0x3  }
0x339: {  	v27 =	vand.u32 $0x1FFF, v9  }
0x33a: {  	[tilespmem:v3+s30+$0x0] =	vst.idx.msk $0xffff, v27  }
0x33b: {  	[tilespmem:v23+s22+$0x0] =	vst.idx.add.s32.msk $0xffff, v1  }
0x33c: {  	v3 =	vld [tilespmem:s7+$0xFFFFFFF0];
	_ =	sdelay $0x4  }
0x33d: {  	v28 =	vshrl.u32 v3, $0x18  }
0x33e: {  	(xrf1) =	vunique.msk.u32 $0xffff, v28;
	_ =	sdelay $0x5  }
0x33f: {  	v5 =	vld [tilespmem:s6+$0xFFFFFFF0];
	_ =	sdelay $0x3  }
0x340: {  	v6 =	vld.idx.msk [tilespmem:v28+s19+$0x0], $0xffff  }
0x341: {  	v29 =	vshrl.u32 v5, $0x18  }
0x342: {  	(xrf1) =	vunique.msk.u32 $0xffff, v29;
	_ =	sdelay $0x1  }
0x343: {  	_, v30, _ =	vpop (xrf1)  }
0x344: {  	v6 =	vadd.s32 v30, v6;
	_ =	sdelay $0x2  }
0x345: {  	v31 =	vld [tilespmem:s1+$0xFFFFFFF0]  }
0x346: {  	v3 =	vand.u32 $0x1FFF, v3  }
0x347: {  	v32 =	vld [tilespmem:s5+$0xFFFFFFF0];
	[tilespmem:v6+s23+$0x0] =	vst.idx.msk $0xffff, v3  }
0x348: {  	[tilespmem:v28+s19+$0x0] =	vst.idx.add.s32.msk $0xffff, v1  }
0x349: {  	v3 =	vld.idx.msk [tilespmem:v29+s20+$0x0], $0xffff  }
0x34a: {  	v33 =	vshrl.u32 v31, $0x18  }
0x34b: {  	(xrf1) =	vunique.msk.u32 $0xffff, v33;
	_ =	sdelay $0x1  }
0x34c: {  	_, v34, _ =	vpop (xrf1)  }
0x34d: {  	v3 =	vadd.s32 v34, v3;
	_ =	sdelay $0x3  }
0x34e: {  	v5 =	vand.u32 $0x1FFF, v5  }
0x34f: {  	[tilespmem:v3+s25+$0x0] =	vst.idx.msk $0xffff, v5  }
0x350: {  	[tilespmem:v29+s20+$0x0] =	vst.idx.add.s32.msk $0xffff, v1  }
0x351: {  	v3 =	vld.idx.msk [tilespmem:v33+s21+$0x0], $0xffff  }
0x352: {  	v35 =	vshrl.u32 v32, $0x18  }
0x353: {  	(xrf1) =	vunique.msk.u32 $0xffff, v35;
	_ =	sdelay $0x1  }
0x354: {  	_, v36, _ =	vpop (xrf1)  }
0x355: {  	v3 =	vadd.s32 v36, v3;
	_ =	sdelay $0x3  }
0x356: {  	v37 =	vand.u32 $0x1FFF, v31  }
0x357: {  	[tilespmem:v3+s28+$0x0] =	vst.idx.msk $0xffff, v37  }
0x358: {  	[tilespmem:v33+s21+$0x0] =	vst.idx.add.s32.msk $0xffff, v1  }
0x359: {  	v3 =	vld.idx.msk [tilespmem:v35+s22+$0x0], $0xffff;
	_ =	sdelay $0x3  }
0x35a: {  	_, v38, _ =	vpop (xrf1)  }
0x35b: {  	v3 =	vadd.s32 v38, v3;
	_ =	sdelay $0x3  }
0x35c: {  	v39 =	vand.u32 $0x1FFF, v32  }
0x35d: {  	[tilespmem:v3+s30+$0x0] =	vst.idx.msk $0xffff, v39  }
0x35e: {  	[tilespmem:v35+s22+$0x0] =	vst.idx.add.s32.msk $0xffff, v1  }
0x35f: {  	v3 =	vld [tilespmem:s7+$0x0];
	_ =	sdelay $0x4  }
0x360: {  	v40 =	vshrl.u32 v3, $0x18  }
0x361: {  	(xrf1) =	vunique.msk.u32 $0xffff, v40;
	_ =	sdelay $0x5  }
0x362: {  	v5 =	vld [tilespmem:s6+$0x0];
	_ =	sdelay $0x3  }
0x363: {  	v6 =	vld.idx.msk [tilespmem:v40+s19+$0x0], $0xffff  }
0x364: {  	v41 =	vshrl.u32 v5, $0x18  }
0x365: {  	(xrf1) =	vunique.msk.u32 $0xffff, v41;
	_ =	sdelay $0x1  }
0x366: {  	_, v42, _ =	vpop (xrf1)  }
0x367: {  	v6 =	vadd.s32 v42, v6;
	_ =	sdelay $0x2  }
0x368: {  	v43 =	vld [tilespmem:s1+$0x0]  }
0x369: {  	v3 =	vand.u32 $0x1FFF, v3  }
0x36a: {  	v44 =	vld [tilespmem:s5+$0x0];
	[tilespmem:v6+s23+$0x0] =	vst.idx.msk $0xffff, v3  }
0x36b: {  	[tilespmem:v40+s19+$0x0] =	vst.idx.add.s32.msk $0xffff, v1  }
0x36c: {  	v3 =	vld.idx.msk [tilespmem:v41+s20+$0x0], $0xffff  }
0x36d: {  	v45 =	vshrl.u32 v43, $0x18  }
0x36e: {  	(xrf1) =	vunique.msk.u32 $0xffff, v45;
	_ =	sdelay $0x1  }
0x36f: {  	_, v46, _ =	vpop (xrf1)  }
0x370: {  	v3 =	vadd.s32 v46, v3;
	_ =	sdelay $0x3  }
0x371: {  	v5 =	vand.u32 $0x1FFF, v5  }
0x372: {  	[tilespmem:v3+s25+$0x0] =	vst.idx.msk $0xffff, v5  }
0x373: {  	[tilespmem:v41+s20+$0x0] =	vst.idx.add.s32.msk $0xffff, v1  }
0x374: {  	v3 =	vld.idx.msk [tilespmem:v45+s21+$0x0], $0xffff  }
0x375: {  	v47 =	vshrl.u32 v44, $0x18  }
0x376: {  	(xrf1) =	vunique.msk.u32 $0xffff, v47;
	_ =	sdelay $0x1  }
0x377: {  	_, v48, _ =	vpop (xrf1)  }
0x378: {  	v3 =	vadd.s32 v48, v3;
	_ =	sdelay $0x3  }
0x379: {  	v49 =	vand.u32 $0x1FFF, v43  }
0x37a: {  	[tilespmem:v3+s28+$0x0] =	vst.idx.msk $0xffff, v49  }
0x37b: {  	[tilespmem:v45+s21+$0x0] =	vst.idx.add.s32.msk $0xffff, v1  }
0x37c: {  	v3 =	vld.idx.msk [tilespmem:v47+s22+$0x0], $0xffff;
	_ =	sdelay $0x3  }
0x37d: {  	_, v50, _ =	vpop (xrf1)  }
0x37e: {  	v3 =	vadd.s32 v50, v3;
	_ =	sdelay $0x3  }
0x37f: {  	v51 =	vand.u32 $0x1FFF, v44  }
0x380: {  	[tilespmem:v3+s30+$0x0] =	vst.idx.msk $0xffff, v51  }
0x381: {  	[tilespmem:v47+s22+$0x0] =	vst.idx.add.s32.msk $0xffff, v1  }
0x382: {  	v3 =	vld [tilespmem:s7+$0x10];
	_ =	sdelay $0x4  }
0x383: {  	v52 =	vshrl.u32 v3, $0x18  }
0x384: {  	(xrf1) =	vunique.msk.u32 $0xffff, v52;
	_ =	sdelay $0x5  }
0x385: {  	v5 =	vld [tilespmem:s6+$0x10];
	_ =	sdelay $0x3  }
0x386: {  	v6 =	vld.idx.msk [tilespmem:v52+s19+$0x0], $0xffff  }
0x387: {  	v53 =	vshrl.u32 v5, $0x18  }
0x388: {  	(xrf1) =	vunique.msk.u32 $0xffff, v53;
	_ =	sdelay $0x1  }
0x389: {  	_, v54, _ =	vpop (xrf1)  }
0x38a: {  	v6 =	vadd.s32 v54, v6;
	_ =	sdelay $0x2  }
0x38b: {  	v55 =	vld [tilespmem:s1+$0x10]  }
0x38c: {  	v3 =	vand.u32 $0x1FFF, v3  }
0x38d: {  	v56 =	vld [tilespmem:s5+$0x10];
	[tilespmem:v6+s23+$0x0] =	vst.idx.msk $0xffff, v3  }
0x38e: {  	[tilespmem:v52+s19+$0x0] =	vst.idx.add.s32.msk $0xffff, v1  }
0x38f: {  	v3 =	vld.idx.msk [tilespmem:v53+s20+$0x0], $0xffff  }
0x390: {  	v57 =	vshrl.u32 v55, $0x18  }
0x391: {  	(xrf1) =	vunique.msk.u32 $0xffff, v57;
	_ =	sdelay $0x1  }
0x392: {  	_, v58, _ =	vpop (xrf1)  }
0x393: {  	v3 =	vadd.s32 v58, v3;
	_ =	sdelay $0x3  }
0x394: {  	v5 =	vand.u32 $0x1FFF, v5  }
0x395: {  	[tilespmem:v3+s25+$0x0] =	vst.idx.msk $0xffff, v5  }
0x396: {  	[tilespmem:v53+s20+$0x0] =	vst.idx.add.s32.msk $0xffff, v1  }
0x397: {  	v3 =	vld.idx.msk [tilespmem:v57+s21+$0x0], $0xffff  }
0x398: {  	v59 =	vshrl.u32 v56, $0x18  }
0x399: {  	(xrf1) =	vunique.msk.u32 $0xffff, v59;
	_ =	sdelay $0x1  }
0x39a: {  	_, v60, _ =	vpop (xrf1)  }
0x39b: {  	v3 =	vadd.s32 v60, v3;
	_ =	sdelay $0x3  }
0x39c: {  	v61 =	vand.u32 $0x1FFF, v55  }
0x39d: {  	[tilespmem:v3+s28+$0x0] =	vst.idx.msk $0xffff, v61  }
0x39e: {  	[tilespmem:v57+s21+$0x0] =	vst.idx.add.s32.msk $0xffff, v1  }
0x39f: {  	v3 =	vld.idx.msk [tilespmem:v59+s22+$0x0], $0xffff;
	_ =	sdelay $0x3  }
0x3a0: {  	_, v62, _ =	vpop (xrf1)  }
0x3a1: {  	s4 =	sadd.s32 $0x4, s4;
	v3 =	vadd.s32 v62, v3  }
0x3a2: {  	p0 =	slt.u32 s4, $0x1FC  }
.Ltmp8:
0x3a3: {  	_ = 	snop;
	(pc) =	sbr.rel @p0 .LBB2_18-.Ltmp8, $4  }
0x3a4: {  	_ = 	snop  }
0x3a5: {  	v63 =	vand.u32 $0x1FFF, v56  }
0x3a6: {  	s5 =	sadd.s32 $0x40, s5;
	[tilespmem:v3+s30+$0x0] =	vst.idx.msk $0xffff, v63  }
0x3a7: {  	s1 =	sadd.s32 $0x40, s1;
	s6 =	sadd.s32 $0x40, s6;
	s7 =	sadd.s32 $0x40, s7;
	[tilespmem:v59+s22+$0x0] =	vst.idx.add.s32.msk $0xffff, v1  }
0x3a8: {  	s1 =	rddreg [dreg:$0x7];
	s5 =	simm.s32 $0x80  }
0x3a9: {  	[hbm4b:s1+s5] =	stream.strided.scatter [tilespmem:s23], [sflag:$0x1], $0x2000, s14, s5, $0x38;
	[tilespmem:$0x1C000] =	vst v63  }
0x3aa: {  	s10 =	rddreg [dreg:$0x8]  }
0x3ab: {  	[hbm4b:s10+s5] =	stream.strided.scatter [tilespmem:s25], [sflag:$0x1], $0x2000, s14, s5, $0x38;
	[tilespmem:$0x1C000] =	vst v63  }
0x3ac: {  	s11 =	rddreg [dreg:$0x9]  }
0x3ad: {  	[hbm4b:s11+s5] =	stream.strided.scatter [tilespmem:s28], [sflag:$0x1], $0x2000, s14, s5, $0x38;
	[tilespmem:$0x1C000] =	vst v63  }
0x3ae: {  	s12 =	rddreg [dreg:$0xa]  }
0x3af: {  	[hbm4b:s12+s5] =	stream.strided.scatter [tilespmem:s30], [sflag:$0x1], $0x2000, s14, s5, $0x38;
	[tilespmem:$0x1C000] =	vst v63  }
0x3b0: {  	_ =	swait.ge [sflag:s18], $0x2000  }
0x3b1: {  	[sflag:s18] =	ssyncset.done $0x0  }
0x3b2: {  	[sflag:s18] =	ssyncadd.s32 $0xFFFFE000  }
0x3b3: {  	_ =	swait.ge [sflag:s18], $0x2000  }
0x3b4: {  	[sflag:s18] =	ssyncset.done $0x0  }
0x3b5: {  	[sflag:s18] =	ssyncadd.s32 $0xFFFFE000  }
0x3b6: {  	_ =	swait.ge [sflag:s18], $0x2000  }
0x3b7: {  	[sflag:s18] =	ssyncset.done $0x0  }
0x3b8: {  	[sflag:s18] =	ssyncadd.s32 $0xFFFFE000  }
0x3b9: {  	_ =	swait.ge [sflag:s18], $0x2000  }
0x3ba: {  	s17 =	sadd.s32 $0x1, s17;
	s13 =	rddreg [dreg:$0xb]  }
0x3bb: {  	p0 =	sne.s32 s17, s13  }
.Ltmp9:
0x3bc: {  	_ = 	snop;
	(pc) =	sbr.rel @p0 .LBB2_1-.Ltmp9, $3  }
0x3bd: {  	_ =	sdelay $0x1  }
0x3be: {  	[sflag:s18] =	ssyncset.done $0x0  }
0x3bf: {  	[sflag:s18] =	ssyncadd.s32 $0xFFFFE000  }
0x3c0: {  	_ =	sfence.sel $0x180000  }
0x3c1: {  	[bflag:$0x0] =	sbarrier.arrive $0xFFFF  }
0x3c2: {  	_ =	strace $0x90000047  }
0x3c3: {  	s0 =	stileid.u32;
	[bflag:$0x2] =	sbarrier.arrive $0xFFFF  }
0x3c4: {  	p0 =	sne.s32 s0, $0x0;
	s0 =	rddreg [dreg:$0x2]  }
0x3c5: {  	s0 =	sadd.s32 @!p0 $0x100000, s0  }
0x3c6: {  	[sflag:s0] =	ssyncadd.tile.s32 @!p0 $0x1;
	_ =	shalt  }
.Lfunc_end2:
_tile_overlayer_lowered:
.L_overlay_start_2:
0x3c7: {  	(tag) =	ssettag $0x2  }
0x3c8: {  	s0 =	rddreg [dreg:$0x0];
	s2 =	stileid.u32  }
0x3c9: {  	s1 =	rddreg [dreg:$0x1];
	p0 =	sne.s32 s2, $0x0  }
0x3ca: {  	s3 =	rddreg [dreg:$0x2];
	[bflag:$0x3] =	sbarrier.arrive $0xFFFF;
	s2 =	simm.s32 @!p0 $0x1C02  }
0x3cb: {  	[timem:s3], [sflag:s2] =	dma.local @!p0 [hbm:s0], s1  }
0x3cc: {  	s0 =	simm.s32 @!p0 $0x2  }
0x3cd: {  	_ =	swait.ge @!p0 [sflag:s0], s1  }
0x3ce: {  	s1 =	ssub.s32 @!p0 $0x0, s1;
	[sflag:s0] =	ssyncset.done @!p0 $0x0  }
0x3cf: {  	[sflag:s0] =	ssyncadd.s32 @!p0 s1  }
0x3d0: {  	[bflag:$0x3] =	sbarrier.arrive $0xFFFF  }
0x3d1: {  	_ =	shalt  }

</sc_bundles>
